<compile_context>
chip_gen: v7x
topology: tpu7x:2x2x1
jax: 0.10.2.dev20260603
libtpu: 0.0.44.dev20260713+nightly
codegen_flags: <defaults>
</compile_context>

<pallas_src>
import functools

import jax
import jax.numpy as jnp
from jax import lax
from jax.experimental import pallas as pl
from jax.experimental.pallas import tpu as pltpu
from jax.experimental.pallas import tpu_sc as plsc

CH = 112
CHA = 112
KB = 8
NS = 16
NC = 2
LANES = 16


def _gcn(x, edge_index, W):
  N, D_in = x.shape
  D_out = W.shape[1]
  H = D_out // 2
  E = edge_index.shape[1]

  unit = max(NS * 8 * CH, NC * NS * 8 * CHA)
  EP = ((E + unit - 1) // unit) * unit
  ACROWS = EP // CHA
  A_CR = ACROWS // (NC * NS)
  CCROWS = EP // CH
  C_CR = CCROWS // NS
  NB = C_CR // KB
  NPAD = ((N + 64 + 127) // 128) * 128
  RPT = NPAD // NS

  row = edge_index[0].astype(jnp.int32)
  col = edge_index[1].astype(jnp.int32)
  pad_i = jnp.arange(EP - E, dtype=jnp.int32)
  row_p = jnp.concatenate([row, N + (pad_i % 64)])
  col_p = jnp.concatenate([col, pad_i % N])
  rowA2d = row_p.reshape(ACROWS, CHA)
  rowC2d = row_p.reshape(CCROWS, CH)
  colC2d = col_p.reshape(CCROWS, CH)

  mesh = plsc.VectorSubcoreMesh(core_axis_name="c", subcore_axis_name="s",
                                num_cores=NC, num_subcores=NS)

  @functools.partial(
      pl.kernel,
      out_type=[jax.ShapeDtypeStruct((NPAD, LANES), jnp.float32)] * 2,
      mesh=mesh,
      scratch_types=[
          pltpu.VMEM((A_CR, CHA), jnp.int32),
          pltpu.VMEM((CHA, LANES), jnp.float32),
          pltpu.VMEM((CHA, LANES), jnp.float32),
          pltpu.VMEM_SHARED((NPAD, LANES), jnp.float32),
      ],
  )
  def deg_kernel(row_hbm, deg0_hbm, deg1_hbm, idx_v, ones_v, zb_v, acc_sh):
    c = lax.axis_index("c")
    s = lax.axis_index("s")
    r0 = s * RPT

    @pl.loop(0, CHA)
    def _(i):
      ones_v[i, :] = jnp.ones((LANES,), jnp.float32)
      zb_v[i, :] = jnp.zeros((LANES,), jnp.float32)

    @pl.loop(0, RPT // CHA)
    def _(k):
      pltpu.sync_copy(zb_v, acc_sh.at[pl.ds(r0 + k * CHA, CHA)])
    if RPT % CHA:
      pltpu.sync_copy(zb_v.at[pl.ds(0, RPT % CHA)],
                      acc_sh.at[pl.ds(r0 + (RPT // CHA) * CHA, RPT % CHA)])

    pltpu.sync_copy(row_hbm.at[pl.ds((c * NS + s) * A_CR, A_CR)], idx_v)
    plsc.subcore_barrier()

    @pl.loop(0, A_CR)
    def _(j):
      pltpu.sync_copy(ones_v, acc_sh.at[idx_v.at[j]], add=True)

    plsc.subcore_barrier()

    @pl.when(c == 0)
    def _():
      pltpu.sync_copy(acc_sh.at[pl.ds(r0, RPT)], deg0_hbm.at[pl.ds(r0, RPT)])

    @pl.when(c == 1)
    def _():
      pltpu.sync_copy(acc_sh.at[pl.ds(r0, RPT)], deg1_hbm.at[pl.ds(r0, RPT)])

  deg0, deg1 = deg_kernel(rowA2d)

  BLK = 1000

  def proj_body(deg0_ref, deg1_ref, x_ref, w_ref, m0_ref, m1_ref):
    d = lax.rsqrt(deg0_ref[:, :1] + deg1_ref[:, :1])
    h = jnp.dot(x_ref[...], w_ref[...], preferred_element_type=jnp.float32)
    hm = h * d
    m0_ref[...] = hm[:, :H]
    m1_ref[...] = hm[:, H:]

  m0, m1 = pl.pallas_call(
      proj_body,
      grid=(N // BLK,),
      in_specs=[
          pl.BlockSpec((BLK, LANES), lambda i: (i, 0)),
          pl.BlockSpec((BLK, LANES), lambda i: (i, 0)),
          pl.BlockSpec((BLK, D_in), lambda i: (i, 0)),
          pl.BlockSpec((D_in, D_out), lambda i: (0, 0)),
      ],
      out_specs=[
          pl.BlockSpec((BLK, H), lambda i: (i, 0)),
          pl.BlockSpec((BLK, H), lambda i: (i, 0)),
      ],
      out_shape=[jax.ShapeDtypeStruct((N, H), jnp.float32)] * 2,
  )(deg0, deg1, x, W)

  @functools.partial(
      pl.kernel,
      out_type=[jax.ShapeDtypeStruct((NPAD, H), jnp.float32)] * 2,
      mesh=mesh,
      scratch_types=[
          pltpu.VMEM((KB, CH), jnp.int32),
          pltpu.VMEM((KB, CH), jnp.int32),
          pltpu.VMEM((KB, CH), jnp.int32),
          pltpu.VMEM((KB, CH), jnp.int32),
          pltpu.VMEM((CH, H), jnp.float32),
          pltpu.VMEM((CH, H), jnp.float32),
          pltpu.VMEM_SHARED((NPAD, H), jnp.float32),
          pltpu.SemaphoreType.DMA,
          pltpu.SemaphoreType.DMA,
          pltpu.SemaphoreType.DMA,
          pltpu.SemaphoreType.DMA,
      ],
  )
  def spmm_kernel(m0_hbm, m1_hbm, row_hbm, col_hbm, out0_hbm, out1_hbm,
                  ri0, ci0, ri1, ci1, buf_a, buf_b, acc_sh,
                  sem_a, sem_b, sem_i0, sem_i1):
    c = lax.axis_index("c")
    s = lax.axis_index("s")
    r0 = s * RPT
    NB = C_CR // KB
    parity = ((ri0, ci0, sem_i0), (ri1, ci1, sem_i1))

    def idx_fetch(b, ri, ci, sem_i):
      pltpu.async_copy(row_hbm.at[pl.ds(s * C_CR + b * KB, KB)], ri, sem_i)
      pltpu.async_copy(col_hbm.at[pl.ds(s * C_CR + b * KB, KB)], ci, sem_i)

    def pipeline(m_hbm, out_hbm):
      for p in range(2):
        idx_fetch(p, *parity[p])

      @pl.loop(0, CH)
      def _(i):
        @pl.loop(0, H // LANES)
        def _(k):
          buf_a[i, pl.ds(k * LANES, LANES)] = jnp.zeros((LANES,), jnp.float32)

      @pl.loop(0, RPT // CH)
      def _(k):
        pltpu.sync_copy(buf_a, acc_sh.at[pl.ds(r0 + k * CH, CH)])
      if RPT % CH:
        pltpu.sync_copy(buf_a.at[pl.ds(0, RPT % CH)],
                        acc_sh.at[pl.ds(r0 + (RPT // CH) * CH, RPT % CH)])

      plsc.subcore_barrier()

      @pl.loop(0, NB // 2)
      def _(sb):
        for p in range(2):
          ri, ci, sem_i = parity[p]
          b = 2 * sb + p
          pltpu.make_async_copy(
              row_hbm.at[pl.ds(s * C_CR + b * KB, KB)], ri, sem_i).wait()
          pltpu.make_async_copy(
              col_hbm.at[pl.ds(s * C_CR + b * KB, KB)], ci, sem_i).wait()

          pltpu.async_copy(m_hbm.at[ci.at[0]], buf_a, sem_a)

          @pl.loop(0, KB // 2 - 1)
          def _(i):
            j = 2 * i
            pltpu.make_async_copy(m_hbm.at[ci.at[j]], buf_a, sem_a).wait()
            pltpu.async_copy(m_hbm.at[ci.at[j + 1]], buf_b, sem_b)
            pltpu.sync_copy(buf_a, acc_sh.at[ri.at[j]], add=True)
            pltpu.make_async_copy(m_hbm.at[ci.at[j + 1]], buf_b, sem_b).wait()
            pltpu.async_copy(m_hbm.at[ci.at[j + 2]], buf_a, sem_a)
            pltpu.sync_copy(buf_b, acc_sh.at[ri.at[j + 1]], add=True)

          jl = KB - 2
          pltpu.make_async_copy(m_hbm.at[ci.at[jl]], buf_a, sem_a).wait()
          pltpu.async_copy(m_hbm.at[ci.at[jl + 1]], buf_b, sem_b)
          pltpu.sync_copy(buf_a, acc_sh.at[ri.at[jl]], add=True)
          pltpu.make_async_copy(m_hbm.at[ci.at[jl + 1]], buf_b, sem_b).wait()
          pltpu.sync_copy(buf_b, acc_sh.at[ri.at[jl + 1]], add=True)

          @pl.when(b + 2 < NB)
          def _():
            idx_fetch(b + 2, ri, ci, sem_i)

      plsc.subcore_barrier()
      pltpu.sync_copy(acc_sh.at[pl.ds(r0, RPT)], out_hbm.at[pl.ds(r0, RPT)])

    @pl.when(c == 0)
    def _():
      pipeline(m0_hbm, out0_hbm)

    @pl.when(c == 1)
    def _():
      pipeline(m1_hbm, out1_hbm)

  acc0, acc1 = spmm_kernel(m0, m1, rowC2d, colC2d)

  def final_body(deg0_ref, deg1_ref, a0_ref, a1_ref, o_ref):
    d = lax.rsqrt(deg0_ref[:, :1] + deg1_ref[:, :1])
    o_ref[...] = jnp.concatenate([a0_ref[...] * d, a1_ref[...] * d], axis=1)

  out = pl.pallas_call(
      final_body,
      grid=(N // BLK,),
      in_specs=[
          pl.BlockSpec((BLK, LANES), lambda i: (i, 0)),
          pl.BlockSpec((BLK, LANES), lambda i: (i, 0)),
          pl.BlockSpec((BLK, H), lambda i: (i, 0)),
          pl.BlockSpec((BLK, H), lambda i: (i, 0)),
      ],
      out_specs=pl.BlockSpec((BLK, D_out), lambda i: (i, 0)),
      out_shape=jax.ShapeDtypeStruct((N, D_out), jnp.float32),
  )(deg0, deg1, acc0, acc1)
  return out


def kernel(x, edge_index, W):
  return _gcn(x, edge_index, W)

# --- scband reference (transcript-rebuilt; emitter-appended) ---
"""Pipeline reference for scband-gcnconv-18863496364072 (READ-ONLY COPY).

The authoritative reference and input builder live on the scoring server;
editing this copy changes nothing except your own understanding.
"""

import jax, jax.numpy as jnp
import numpy as np

N = 10000
E_RAND = 160000
D_IN = 256
D_OUT = 256

def setup_inputs(seed: int = 0) -> dict:
    key = jax.random.key(seed)
    k1, k2, k3, k4 = jax.random.split(key, 4)
    x = jax.random.normal(k1, (N, D_IN), dtype=jnp.float32)
    src = jax.random.randint(k2, (E_RAND,), 0, N)
    dst = jax.random.randint(k3, (E_RAND,), 0, N)
    loops = jnp.arange(N, dtype=src.dtype)
    # append self-loops so every node has nonzero degree (avoids inf in D^{-1/2})
    edge_index = jnp.stack([jnp.concatenate([src, loops]),
                            jnp.concatenate([dst, loops])], axis=0)
    # W initialized like torch.rand(in_channels, out_channels)
    W = jax.random.uniform(k4, (D_IN, D_OUT), dtype=jnp.float32)
    return {"x": x, "edge_index": edge_index, "W": W}

def reference(x, edge_index, W):
    # Faithful GCNConv: A_hat_norm = D^{-1/2} A_hat D^{-1/2};  out = A_hat_norm @ (X @ W)
    row = edge_index[0]
    col = edge_index[1]
    ones = jnp.ones(row.shape[0], dtype=x.dtype)
    # torch.sparse.sum(A_hat, dim=1) -> per-row degree (duplicate edges coalesce by summation)
    deg = jax.ops.segment_sum(ones, row, num_segments=N)
    d = jnp.sqrt(1.0 / deg)
    # normalized edge values: d[row] * 1.0 * d[col]
    vals = d[row] * d[col]
    # dense projection first: X @ W
    h = x @ W
    # sparse matmul A_hat_norm @ h as gather + scale + scatter-add
    msg = h[col] * vals[:, None]
    out = jax.ops.segment_sum(msg, row, num_segments=N)
    return out

if __name__ == "__main__":
    import jax
    _d = setup_inputs()
    print(jax.jit(kernel)(*tuple(_d.values())))

</pallas_src>

<mosaic_0001>
#map = affine_map<(d0, d1) -> (0, 0)>
module attributes {stable_mosaic.version = 14 : i64} {
  func.func @deg_kernel(%arg0: i32, %arg1: i32, %arg2: memref<1536x112xi32, #tpu.memory_space<hbm>>, %arg3: memref<10112x16xf32, #tpu.memory_space<hbm>>, %arg4: memref<10112x16xf32, #tpu.memory_space<hbm>>, %arg5: memref<48x112xi32, #tpu.memory_space<vmem>>, %arg6: memref<112x16xf32, #tpu.memory_space<vmem>>, %arg7: memref<112x16xf32, #tpu.memory_space<vmem>>, %arg8: memref<10112x16xf32, #tpu.memory_space<vmem_shared>>) attributes {dimension_semantics = [#tpu.dimension_semantics<core_parallel>, #tpu.dimension_semantics<subcore_parallel>], iteration_bounds = array<i64: 2, 16>, scalar_prefetch = 0 : i64, scratch_operands = 4 : i64, tpu.core_type = #tpu.core_type<sc_vector_subcore>, window_params = [{transform_indices = #map}, {transform_indices = #map}, {transform_indices = #map}]} {
    %mul3A = arith.constant 632 : i32
    %mul3A_0 = arith.muli %arg1, %mul3A : i32
    %scan3A = arith.constant 0 : i32
    %scan3A_1 = arith.constant 112 : i32
    %scan3A_2 = arith.addi %scan3A, %scan3A_1 : i32
    %scan3A_3 = arith.constant 1 : i32
    scf.for %scan3A_29 = %scan3A to %scan3A_2 step %scan3A_3  : i32 {
      %mul3A_30 = arith.constant 1 : i32
      %mul3A_31 = arith.muli %scan3A_29, %mul3A_30 : i32
      %add3A_32 = arith.constant 0 : i32
      %add3A_33 = arith.addi %add3A_32, %mul3A_31 : i32
      %broadcast_in_dim3A = arith.constant 1.000000e+00 : f32
      %broadcast_in_dim3A_34 = vector.broadcast %broadcast_in_dim3A : f32 to vector<16xf32>
      %swap3A = arith.index_cast %add3A_33 : i32 to index
      %swap3A_35 = arith.constant 0 : index
      %swap3A_36 = tpu.vector_load %arg6[%swap3A, %swap3A_35] {strides = array<i32>} : memref<112x16xf32, #tpu.memory_space<vmem>>, vector<1x16xf32>,
      %swap3A_37 = vector.shape_cast %swap3A_36 : vector<1x16xf32> to vector<16xf32>
      %swap3A_38 = vector.shape_cast %broadcast_in_dim3A_34 : vector<16xf32> to vector<1x16xf32>
      tpu.vector_store %arg6[%swap3A, %swap3A_35], %swap3A_38 {strides = array<i32>} : memref<112x16xf32, #tpu.memory_space<vmem>>, vector<1x16xf32>,
      %broadcast_in_dim3A_39 = arith.constant 0.000000e+00 : f32
      %broadcast_in_dim3A_40 = vector.broadcast %broadcast_in_dim3A_39 : f32 to vector<16xf32>
      %swap3A_41 = arith.index_cast %add3A_33 : i32 to index
      %swap3A_42 = arith.constant 0 : index
      %swap3A_43 = tpu.vector_load %arg7[%swap3A_41, %swap3A_42] {strides = array<i32>} : memref<112x16xf32, #tpu.memory_space<vmem>>, vector<1x16xf32>,
      %swap3A_44 = vector.shape_cast %swap3A_43 : vector<1x16xf32> to vector<16xf32>
      %swap3A_45 = vector.shape_cast %broadcast_in_dim3A_40 : vector<16xf32> to vector<1x16xf32>
      tpu.vector_store %arg7[%swap3A_41, %swap3A_42], %swap3A_45 {strides = array<i32>} : memref<112x16xf32, #tpu.memory_space<vmem>>, vector<1x16xf32>,
    }
    %scan3A_4 = arith.constant 112 : i32
    %scan3A_5 = arith.constant 0 : i32
    %scan3A_6 = arith.constant 5 : i32
    %scan3A_7 = arith.addi %scan3A_5, %scan3A_6 : i32
    %scan3A_8 = arith.constant 1 : i32
    scf.for %scan3A_29 = %scan3A_5 to %scan3A_7 step %scan3A_8  : i32 {
      %mul3A_30 = arith.constant 1 : i32
      %mul3A_31 = arith.muli %scan3A_29, %mul3A_30 : i32
      %add3A_32 = arith.constant 0 : i32
      %add3A_33 = arith.addi %add3A_32, %mul3A_31 : i32
      %mul3A_34 = arith.constant 112 : i32
      %mul3A_35 = arith.muli %add3A_33, %mul3A_34 : i32
      %add3A_36 = arith.addi %mul3A_0, %mul3A_35 : i32
      "tpu.region"() ({
        %run_scoped3A = tpu.sem_alloc : memref<!tpu.dma_semaphore, #tpu.memory_space<semaphore_mem>>
        %dma_start3A = arith.constant 0 : i32
        %dma_start3A_37 = tpu.memref_slice %arg8[%add3A_36, %dma_start3A] : memref<10112x16xf32, #tpu.memory_space<vmem_shared>> -> memref<112x16xf32, #tpu.memory_space<vmem_shared>>
        %dma_start3A_38 = arith.constant 0 : i32
        %dma_start3A_39 = tpu.memref_slice %arg8[%add3A_36, %dma_start3A_38] : memref<10112x16xf32, #tpu.memory_space<vmem_shared>> -> memref<112x16xf32, #tpu.memory_space<vmem_shared>>
        tpu.enqueue_dma source(%arg7 : memref<112x16xf32, #tpu.memory_space<vmem>>) target(%dma_start3A_39 : memref<112x16xf32, #tpu.memory_space<vmem_shared>>) target_semaphore(%run_scoped3A : memref<!tpu.dma_semaphore, #tpu.memory_space<semaphore_mem>>)
        %dma_wait3A = arith.constant 0 : i32
        %dma_wait3A_40 = tpu.memref_slice %arg8[%add3A_36, %dma_wait3A] : memref<10112x16xf32, #tpu.memory_space<vmem_shared>> -> memref<112x16xf32, #tpu.memory_space<vmem_shared>>
        %dma_wait3A_41 = arith.constant 0 : i32
        %dma_wait3A_42 = tpu.memref_slice %arg8[%add3A_36, %dma_wait3A_41] : memref<10112x16xf32, #tpu.memory_space<vmem_shared>> -> memref<112x16xf32, #tpu.memory_space<vmem_shared>>
        tpu.wait_dma2 semaphore(%run_scoped3A : memref<!tpu.dma_semaphore, #tpu.memory_space<semaphore_mem>>) src(%arg7 : memref<112x16xf32, #tpu.memory_space<vmem>>) dst(%dma_wait3A_42 : memref<112x16xf32, #tpu.memory_space<vmem_shared>>)
        tpu.yield
      }) : () -> ()
    }
    %scan3A_9 = arith.constant 5 : i32
    %add3A = arith.constant 560 : i32
    %add3A_10 = arith.addi %mul3A_0, %add3A : i32
    "tpu.region"() ({
      %run_scoped3A = tpu.sem_alloc : memref<!tpu.dma_semaphore, #tpu.memory_space<semaphore_mem>>
      %dma_start3A = arith.constant 0 : i32
      %dma_start3A_29 = arith.constant 0 : i32
      %dma_start3A_30 = tpu.memref_slice %arg7[%dma_start3A, %dma_start3A_29] : memref<112x16xf32, #tpu.memory_space<vmem>> -> memref<72x16xf32, #tpu.memory_space<vmem>>
      %dma_start3A_31 = arith.constant 0 : i32
      %dma_start3A_32 = tpu.memref_slice %arg8[%add3A_10, %dma_start3A_31] : memref<10112x16xf32, #tpu.memory_space<vmem_shared>> -> memref<72x16xf32, #tpu.memory_space<vmem_shared>>
      %dma_start3A_33 = arith.constant 0 : i32
      %dma_start3A_34 = tpu.memref_slice %arg8[%add3A_10, %dma_start3A_33] : memref<10112x16xf32, #tpu.memory_space<vmem_shared>> -> memref<72x16xf32, #tpu.memory_space<vmem_shared>>
      %dma_start3A_35 = arith.constant 0 : i32
      %dma_start3A_36 = arith.constant 0 : i32
      %dma_start3A_37 = tpu.memref_slice %arg7[%dma_start3A_35, %dma_start3A_36] : memref<112x16xf32, #tpu.memory_space<vmem>> -> memref<72x16xf32, #tpu.memory_space<vmem>>
      tpu.enqueue_dma source(%dma_start3A_37 : memref<72x16xf32, #tpu.memory_space<vmem>>) target(%dma_start3A_34 : memref<72x16xf32, #tpu.memory_space<vmem_shared>>) target_semaphore(%run_scoped3A : memref<!tpu.dma_semaphore, #tpu.memory_space<semaphore_mem>>)
      %dma_wait3A = arith.constant 0 : i32
      %dma_wait3A_38 = arith.constant 0 : i32
      %dma_wait3A_39 = tpu.memref_slice %arg7[%dma_wait3A, %dma_wait3A_38] : memref<112x16xf32, #tpu.memory_space<vmem>> -> memref<72x16xf32, #tpu.memory_space<vmem>>
      %dma_wait3A_40 = arith.constant 0 : i32
      %dma_wait3A_41 = tpu.memref_slice %arg8[%add3A_10, %dma_wait3A_40] : memref<10112x16xf32, #tpu.memory_space<vmem_shared>> -> memref<72x16xf32, #tpu.memory_space<vmem_shared>>
      %dma_wait3A_42 = arith.constant 0 : i32
      %dma_wait3A_43 = tpu.memref_slice %arg8[%add3A_10, %dma_wait3A_42] : memref<10112x16xf32, #tpu.memory_space<vmem_shared>> -> memref<72x16xf32, #tpu.memory_space<vmem_shared>>
      %dma_wait3A_44 = arith.constant 0 : i32
      %dma_wait3A_45 = arith.constant 0 : i32
      %dma_wait3A_46 = tpu.memref_slice %arg7[%dma_wait3A_44, %dma_wait3A_45] : memref<112x16xf32, #tpu.memory_space<vmem>> -> memref<72x16xf32, #tpu.memory_space<vmem>>
      tpu.wait_dma2 semaphore(%run_scoped3A : memref<!tpu.dma_semaphore, #tpu.memory_space<semaphore_mem>>) src(%dma_wait3A_46 : memref<72x16xf32, #tpu.memory_space<vmem>>) dst(%dma_wait3A_43 : memref<72x16xf32, #tpu.memory_space<vmem_shared>>)
      tpu.yield
    }) : () -> ()
    %mul3A_11 = arith.constant 16 : i32
    %mul3A_12 = arith.muli %arg0, %mul3A_11 : i32
    %add3A_13 = arith.addi %mul3A_12, %arg1 : i32
    %mul3A_14 = arith.constant 48 : i32
    %mul3A_15 = arith.muli %add3A_13, %mul3A_14 : i32
    "tpu.region"() ({
      %run_scoped3A = tpu.sem_alloc : memref<!tpu.dma_semaphore, #tpu.memory_space<semaphore_mem>>
      %dma_start3A = arith.constant 0 : i32
      %dma_start3A_29 = tpu.memref_slice %arg2[%mul3A_15, %dma_start3A] : memref<1536x112xi32, #tpu.memory_space<hbm>> -> memref<48x112xi32, #tpu.memory_space<hbm>>
      %dma_start3A_30 = arith.constant 0 : i32
      %dma_start3A_31 = tpu.memref_slice %arg2[%mul3A_15, %dma_start3A_30] : memref<1536x112xi32, #tpu.memory_space<hbm>> -> memref<48x112xi32, #tpu.memory_space<hbm>>
      tpu.enqueue_dma source(%dma_start3A_31 : memref<48x112xi32, #tpu.memory_space<hbm>>) target(%arg5 : memref<48x112xi32, #tpu.memory_space<vmem>>) target_semaphore(%run_scoped3A : memref<!tpu.dma_semaphore, #tpu.memory_space<semaphore_mem>>)
      %dma_wait3A = arith.constant 0 : i32
      %dma_wait3A_32 = tpu.memref_slice %arg2[%mul3A_15, %dma_wait3A] : memref<1536x112xi32, #tpu.memory_space<hbm>> -> memref<48x112xi32, #tpu.memory_space<hbm>>
      %dma_wait3A_33 = arith.constant 0 : i32
      %dma_wait3A_34 = tpu.memref_slice %arg2[%mul3A_15, %dma_wait3A_33] : memref<1536x112xi32, #tpu.memory_space<hbm>> -> memref<48x112xi32, #tpu.memory_space<hbm>>
      tpu.wait_dma2 semaphore(%run_scoped3A : memref<!tpu.dma_semaphore, #tpu.memory_space<semaphore_mem>>) src(%dma_wait3A_34 : memref<48x112xi32, #tpu.memory_space<hbm>>) dst(%arg5 : memref<48x112xi32, #tpu.memory_space<vmem>>)
      tpu.yield
    }) : () -> ()
    %barrier3A = arith.constant 0 : index
    tpu.barrier barrier_id(%barrier3A)
    %scan3A_16 = arith.constant 0 : i32
    %scan3A_17 = arith.constant 48 : i32
    %scan3A_18 = arith.addi %scan3A_16, %scan3A_17 : i32
    %scan3A_19 = arith.constant 1 : i32
    scf.for %scan3A_29 = %scan3A_16 to %scan3A_18 step %scan3A_19  : i32 {
      %mul3A_30 = arith.constant 1 : i32
      %mul3A_31 = arith.muli %scan3A_29, %mul3A_30 : i32
      %add3A_32 = arith.constant 0 : i32
      %add3A_33 = arith.addi %add3A_32, %mul3A_31 : i32
      "tpu.region"() ({
        %run_scoped3A = tpu.sem_alloc : memref<!tpu.dma_semaphore, #tpu.memory_space<semaphore_mem>>
        %dma_start3A = arith.constant 0 : i32
        %dma_start3A_34 = tpu.memref_slice %arg5[%add3A_33, %dma_start3A] : memref<48x112xi32, #tpu.memory_space<vmem>> -> memref<1x112xi32, #tpu.memory_space<vmem>>
        %dma_start3A_35 = tpu.memref_squeeze %dma_start3A_34 : memref<1x112xi32, #tpu.memory_space<vmem>> -> memref<112xi32, #tpu.memory_space<vmem>>
        %dma_start3A_36 = arith.constant 0 : i32
        %dma_start3A_37 = arith.constant 0 : i32
        %dma_start3A_38 = tpu.memref_slice %arg8[%dma_start3A_36, %dma_start3A_37] : memref<10112x16xf32, #tpu.memory_space<vmem_shared>> -> memref<10112x16xf32, #tpu.memory_space<vmem_shared>>
        tpu.enqueue_indirect_dma source(%arg6 : memref<112x16xf32, #tpu.memory_space<vmem>>) target(%dma_start3A_38 : memref<10112x16xf32, #tpu.memory_space<vmem_shared>>) offsets(%dma_start3A_35 : memref<112xi32, #tpu.memory_space<vmem>>) semaphore(%run_scoped3A : memref<!tpu.dma_semaphore, #tpu.memory_space<semaphore_mem>>) {add = true}
        %dma_wait3A = arith.constant 0 : i32
        %dma_wait3A_39 = tpu.memref_slice %arg5[%add3A_33, %dma_wait3A] : memref<48x112xi32, #tpu.memory_space<vmem>> -> memref<1x112xi32, #tpu.memory_space<vmem>>
        %dma_wait3A_40 = tpu.memref_squeeze %dma_wait3A_39 : memref<1x112xi32, #tpu.memory_space<vmem>> -> memref<112xi32, #tpu.memory_space<vmem>>
        %dma_wait3A_41 = arith.constant 0 : i32
        %dma_wait3A_42 = arith.constant 0 : i32
        %dma_wait3A_43 = tpu.memref_slice %arg8[%dma_wait3A_41, %dma_wait3A_42] : memref<10112x16xf32, #tpu.memory_space<vmem_shared>> -> memref<10112x16xf32, #tpu.memory_space<vmem_shared>>
        tpu.wait_indirect_dma semaphore(%run_scoped3A : memref<!tpu.dma_semaphore, #tpu.memory_space<semaphore_mem>>) src(%arg6 : memref<112x16xf32, #tpu.memory_space<vmem>>) dst(%dma_wait3A_43 : memref<10112x16xf32, #tpu.memory_space<vmem_shared>>)
        tpu.yield
      }) : () -> ()
    }
    %scan3A_20 = arith.constant 48 : i32
    %barrier3A_21 = arith.constant 0 : index
    tpu.barrier barrier_id(%barrier3A_21)
    %eq3A = arith.constant 0 : i32
    %eq3A_22 = arith.cmpi eq, %arg0, %eq3A : i32
    %convert_element_type3A = arith.extui %eq3A_22 : i1 to i32
    %cond3A = arith.constant 0 : i32
    %cond3A_23 = arith.cmpi ne, %convert_element_type3A, %cond3A : i32
    scf.if %cond3A_23 {
      "tpu.region"() ({
        %run_scoped3A = tpu.sem_alloc : memref<!tpu.dma_semaphore, #tpu.memory_space<semaphore_mem>>
        %dma_start3A = arith.constant 0 : i32
        %dma_start3A_29 = tpu.memref_slice %arg3[%mul3A_0, %dma_start3A] : memref<10112x16xf32, #tpu.memory_space<hbm>> -> memref<632x16xf32, #tpu.memory_space<hbm>>
        %dma_start3A_30 = arith.constant 0 : i32
        %dma_start3A_31 = tpu.memref_slice %arg8[%mul3A_0, %dma_start3A_30] : memref<10112x16xf32, #tpu.memory_space<vmem_shared>> -> memref<632x16xf32, #tpu.memory_space<vmem_shared>>
        tpu.enqueue_dma source(%dma_start3A_31 : memref<632x16xf32, #tpu.memory_space<vmem_shared>>) target(%dma_start3A_29 : memref<632x16xf32, #tpu.memory_space<hbm>>) target_semaphore(%run_scoped3A : memref<!tpu.dma_semaphore, #tpu.memory_space<semaphore_mem>>)
        %dma_wait3A = arith.constant 0 : i32
        %dma_wait3A_32 = tpu.memref_slice %arg3[%mul3A_0, %dma_wait3A] : memref<10112x16xf32, #tpu.memory_space<hbm>> -> memref<632x16xf32, #tpu.memory_space<hbm>>
        %dma_wait3A_33 = arith.constant 0 : i32
        %dma_wait3A_34 = tpu.memref_slice %arg8[%mul3A_0, %dma_wait3A_33] : memref<10112x16xf32, #tpu.memory_space<vmem_shared>> -> memref<632x16xf32, #tpu.memory_space<vmem_shared>>
        tpu.wait_dma2 semaphore(%run_scoped3A : memref<!tpu.dma_semaphore, #tpu.memory_space<semaphore_mem>>) src(%dma_wait3A_34 : memref<632x16xf32, #tpu.memory_space<vmem_shared>>) dst(%dma_wait3A_32 : memref<632x16xf32, #tpu.memory_space<hbm>>)
        tpu.yield
      }) : () -> ()
    } else {
    }
    %eq3A_24 = arith.constant 1 : i32
    %eq3A_25 = arith.cmpi eq, %arg0, %eq3A_24 : i32
    %convert_element_type3A_26 = arith.extui %eq3A_25 : i1 to i32
    %cond3A_27 = arith.constant 0 : i32
    %cond3A_28 = arith.cmpi ne, %convert_element_type3A_26, %cond3A_27 : i32
    scf.if %cond3A_28 {
      "tpu.region"() ({
        %run_scoped3A = tpu.sem_alloc : memref<!tpu.dma_semaphore, #tpu.memory_space<semaphore_mem>>
        %dma_start3A = arith.constant 0 : i32
        %dma_start3A_29 = tpu.memref_slice %arg4[%mul3A_0, %dma_start3A] : memref<10112x16xf32, #tpu.memory_space<hbm>> -> memref<632x16xf32, #tpu.memory_space<hbm>>
        %dma_start3A_30 = arith.constant 0 : i32
        %dma_start3A_31 = tpu.memref_slice %arg8[%mul3A_0, %dma_start3A_30] : memref<10112x16xf32, #tpu.memory_space<vmem_shared>> -> memref<632x16xf32, #tpu.memory_space<vmem_shared>>
        tpu.enqueue_dma source(%dma_start3A_31 : memref<632x16xf32, #tpu.memory_space<vmem_shared>>) target(%dma_start3A_29 : memref<632x16xf32, #tpu.memory_space<hbm>>) target_semaphore(%run_scoped3A : memref<!tpu.dma_semaphore, #tpu.memory_space<semaphore_mem>>)
        %dma_wait3A = arith.constant 0 : i32
        %dma_wait3A_32 = tpu.memref_slice %arg4[%mul3A_0, %dma_wait3A] : memref<10112x16xf32, #tpu.memory_space<hbm>> -> memref<632x16xf32, #tpu.memory_space<hbm>>
        %dma_wait3A_33 = arith.constant 0 : i32
        %dma_wait3A_34 = tpu.memref_slice %arg8[%mul3A_0, %dma_wait3A_33] : memref<10112x16xf32, #tpu.memory_space<vmem_shared>> -> memref<632x16xf32, #tpu.memory_space<vmem_shared>>
        tpu.wait_dma2 semaphore(%run_scoped3A : memref<!tpu.dma_semaphore, #tpu.memory_space<semaphore_mem>>) src(%dma_wait3A_34 : memref<632x16xf32, #tpu.memory_space<vmem_shared>>) dst(%dma_wait3A_32 : memref<632x16xf32, #tpu.memory_space<hbm>>)
        tpu.yield
      }) : () -> ()
    } else {
    }
    return
  }
}

#map = affine_map<(d0, d1) -> (0, 0)>
module attributes {stable_mosaic.version = 14 : i64} {
  func.func @spmm_kernel(%arg0: i32, %arg1: i32, %arg2: memref<10000x128xf32, #tpu.memory_space<hbm>>, %arg3: memref<10000x128xf32, #tpu.memory_space<hbm>>, %arg4: memref<1536x112xi32, #tpu.memory_space<hbm>>, %arg5: memref<1536x112xi32, #tpu.memory_space<hbm>>, %arg6: memref<10112x128xf32, #tpu.memory_space<hbm>>, %arg7: memref<10112x128xf32, #tpu.memory_space<hbm>>, %arg8: memref<8x112xi32, #tpu.memory_space<vmem>>, %arg9: memref<8x112xi32, #tpu.memory_space<vmem>>, %arg10: memref<8x112xi32, #tpu.memory_space<vmem>>, %arg11: memref<8x112xi32, #tpu.memory_space<vmem>>, %arg12: memref<112x128xf32, #tpu.memory_space<vmem>>, %arg13: memref<112x128xf32, #tpu.memory_space<vmem>>, %arg14: memref<10112x128xf32, #tpu.memory_space<vmem_shared>>, %arg15: memref<!tpu.dma_semaphore, #tpu.memory_space<semaphore_mem>>, %arg16: memref<!tpu.dma_semaphore, #tpu.memory_space<semaphore_mem>>, %arg17: memref<!tpu.dma_semaphore, #tpu.memory_space<semaphore_mem>>, %arg18: memref<!tpu.dma_semaphore, #tpu.memory_space<semaphore_mem>>) attributes {dimension_semantics = [#tpu.dimension_semantics<core_parallel>, #tpu.dimension_semantics<subcore_parallel>], iteration_bounds = array<i64: 2, 16>, scalar_prefetch = 0 : i64, scratch_operands = 11 : i64, tpu.core_type = #tpu.core_type<sc_vector_subcore>, window_params = [{transform_indices = #map}, {transform_indices = #map}, {transform_indices = #map}, {transform_indices = #map}, {transform_indices = #map}, {transform_indices = #map}]} {
    %mul3A = arith.constant 632 : i32
    %mul3A_0 = arith.muli %arg1, %mul3A : i32
    %eq3A = arith.constant 0 : i32
    %eq3A_1 = arith.cmpi eq, %arg0, %eq3A : i32
    %convert_element_type3A = arith.extui %eq3A_1 : i1 to i32
    %cond3A = arith.constant 0 : i32
    %cond3A_2 = arith.cmpi ne, %convert_element_type3A, %cond3A : i32
    scf.if %cond3A_2 {
      %mul3A_8 = arith.constant 96 : i32
      %mul3A_9 = arith.muli %arg1, %mul3A_8 : i32
      %add3A = arith.constant 0 : i32
      %add3A_10 = arith.addi %mul3A_9, %add3A : i32
      %dma_start3A = arith.constant 0 : i32
      %dma_start3A_11 = tpu.memref_slice %arg4[%add3A_10, %dma_start3A] : memref<1536x112xi32, #tpu.memory_space<hbm>> -> memref<8x112xi32, #tpu.memory_space<hbm>>
      %dma_start3A_12 = arith.constant 0 : i32
      %dma_start3A_13 = tpu.memref_slice %arg4[%add3A_10, %dma_start3A_12] : memref<1536x112xi32, #tpu.memory_space<hbm>> -> memref<8x112xi32, #tpu.memory_space<hbm>>
      tpu.enqueue_dma source(%dma_start3A_13 : memref<8x112xi32, #tpu.memory_space<hbm>>) target(%arg8 : memref<8x112xi32, #tpu.memory_space<vmem>>) target_semaphore(%arg17 : memref<!tpu.dma_semaphore, #tpu.memory_space<semaphore_mem>>)
      %mul3A_14 = arith.constant 96 : i32
      %mul3A_15 = arith.muli %arg1, %mul3A_14 : i32
      %add3A_16 = arith.constant 0 : i32
      %add3A_17 = arith.addi %mul3A_15, %add3A_16 : i32
      %dma_start3A_18 = arith.constant 0 : i32
      %dma_start3A_19 = tpu.memref_slice %arg5[%add3A_17, %dma_start3A_18] : memref<1536x112xi32, #tpu.memory_space<hbm>> -> memref<8x112xi32, #tpu.memory_space<hbm>>
      %dma_start3A_20 = arith.constant 0 : i32
      %dma_start3A_21 = tpu.memref_slice %arg5[%add3A_17, %dma_start3A_20] : memref<1536x112xi32, #tpu.memory_space<hbm>> -> memref<8x112xi32, #tpu.memory_space<hbm>>
      tpu.enqueue_dma source(%dma_start3A_21 : memref<8x112xi32, #tpu.memory_space<hbm>>) target(%arg9 : memref<8x112xi32, #tpu.memory_space<vmem>>) target_semaphore(%arg17 : memref<!tpu.dma_semaphore, #tpu.memory_space<semaphore_mem>>)
      %mul3A_22 = arith.constant 96 : i32
      %mul3A_23 = arith.muli %arg1, %mul3A_22 : i32
      %add3A_24 = arith.constant 8 : i32
      %add3A_25 = arith.addi %mul3A_23, %add3A_24 : i32
      %dma_start3A_26 = arith.constant 0 : i32
      %dma_start3A_27 = tpu.memref_slice %arg4[%add3A_25, %dma_start3A_26] : memref<1536x112xi32, #tpu.memory_space<hbm>> -> memref<8x112xi32, #tpu.memory_space<hbm>>
      %dma_start3A_28 = arith.constant 0 : i32
      %dma_start3A_29 = tpu.memref_slice %arg4[%add3A_25, %dma_start3A_28] : memref<1536x112xi32, #tpu.memory_space<hbm>> -> memref<8x112xi32, #tpu.memory_space<hbm>>
      tpu.enqueue_dma source(%dma_start3A_29 : memref<8x112xi32, #tpu.memory_space<hbm>>) target(%arg10 : memref<8x112xi32, #tpu.memory_space<vmem>>) target_semaphore(%arg18 : memref<!tpu.dma_semaphore, #tpu.memory_space<semaphore_mem>>)
      %mul3A_30 = arith.constant 96 : i32
      %mul3A_31 = arith.muli %arg1, %mul3A_30 : i32
      %add3A_32 = arith.constant 8 : i32
      %add3A_33 = arith.addi %mul3A_31, %add3A_32 : i32
      %dma_start3A_34 = arith.constant 0 : i32
      %dma_start3A_35 = tpu.memref_slice %arg5[%add3A_33, %dma_start3A_34] : memref<1536x112xi32, #tpu.memory_space<hbm>> -> memref<8x112xi32, #tpu.memory_space<hbm>>
      %dma_start3A_36 = arith.constant 0 : i32
      %dma_start3A_37 = tpu.memref_slice %arg5[%add3A_33, %dma_start3A_36] : memref<1536x112xi32, #tpu.memory_space<hbm>> -> memref<8x112xi32, #tpu.memory_space<hbm>>
      tpu.enqueue_dma source(%dma_start3A_37 : memref<8x112xi32, #tpu.memory_space<hbm>>) target(%arg11 : memref<8x112xi32, #tpu.memory_space<vmem>>) target_semaphore(%arg18 : memref<!tpu.dma_semaphore, #tpu.memory_space<semaphore_mem>>)
      %scan3A = arith.constant 0 : i32
      %scan3A_38 = arith.constant 112 : i32
      %scan3A_39 = arith.addi %scan3A, %scan3A_38 : i32
      %scan3A_40 = arith.constant 1 : i32
      scf.for %scan3A_55 = %scan3A to %scan3A_39 step %scan3A_40  : i32 {
        %mul3A_56 = arith.constant 1 : i32
        %mul3A_57 = arith.muli %scan3A_55, %mul3A_56 : i32
        %add3A_58 = arith.constant 0 : i32
        %add3A_59 = arith.addi %add3A_58, %mul3A_57 : i32
        %scan3A_60 = arith.constant 0 : i32
        %scan3A_61 = arith.constant 8 : i32
        %scan3A_62 = arith.addi %scan3A_60, %scan3A_61 : i32
        %scan3A_63 = arith.constant 1 : i32
        scf.for %scan3A_65 = %scan3A_60 to %scan3A_62 step %scan3A_63  : i32 {
          %mul3A_66 = arith.constant 1 : i32
          %mul3A_67 = arith.muli %scan3A_65, %mul3A_66 : i32
          %add3A_68 = arith.constant 0 : i32
          %add3A_69 = arith.addi %add3A_68, %mul3A_67 : i32
          %broadcast_in_dim3A = arith.constant 0.000000e+00 : f32
          %broadcast_in_dim3A_70 = vector.broadcast %broadcast_in_dim3A : f32 to vector<16xf32>
          %mul3A_71 = arith.constant 16 : i32
          %mul3A_72 = arith.muli %add3A_69, %mul3A_71 : i32
          %swap3A = arith.index_cast %add3A_59 : i32 to index
          %swap3A_73 = arith.index_cast %mul3A_72 : i32 to index
          %swap3A_74 = tpu.vector_load %arg12[%swap3A, %swap3A_73] {strides = array<i32>} : memref<112x128xf32, #tpu.memory_space<vmem>>, vector<1x16xf32>,
          %swap3A_75 = vector.shape_cast %swap3A_74 : vector<1x16xf32> to vector<16xf32>
          %swap3A_76 = vector.shape_cast %broadcast_in_dim3A_70 : vector<16xf32> to vector<1x16xf32>
          tpu.vector_store %arg12[%swap3A, %swap3A_73], %swap3A_76 {strides = array<i32>} : memref<112x128xf32, #tpu.memory_space<vmem>>, vector<1x16xf32>,
        }
        %scan3A_64 = arith.constant 8 : i32
      }
      %scan3A_41 = arith.constant 112 : i32
      %scan3A_42 = arith.constant 0 : i32
      %scan3A_43 = arith.constant 5 : i32
      %scan3A_44 = arith.addi %scan3A_42, %scan3A_43 : i32
      %scan3A_45 = arith.constant 1 : i32
      scf.for %scan3A_55 = %scan3A_42 to %scan3A_44 step %scan3A_45  : i32 {
        %mul3A_56 = arith.constant 1 : i32
        %mul3A_57 = arith.muli %scan3A_55, %mul3A_56 : i32
        %add3A_58 = arith.constant 0 : i32
        %add3A_59 = arith.addi %add3A_58, %mul3A_57 : i32
        %mul3A_60 = arith.constant 112 : i32
        %mul3A_61 = arith.muli %add3A_59, %mul3A_60 : i32
        %add3A_62 = arith.addi %mul3A_0, %mul3A_61 : i32
        "tpu.region"() ({
          %run_scoped3A = tpu.sem_alloc : memref<!tpu.dma_semaphore, #tpu.memory_space<semaphore_mem>>
          %dma_start3A_63 = arith.constant 0 : i32
          %dma_start3A_64 = tpu.memref_slice %arg14[%add3A_62, %dma_start3A_63] : memref<10112x128xf32, #tpu.memory_space<vmem_shared>> -> memref<112x128xf32, #tpu.memory_space<vmem_shared>>
          %dma_start3A_65 = arith.constant 0 : i32
          %dma_start3A_66 = tpu.memref_slice %arg14[%add3A_62, %dma_start3A_65] : memref<10112x128xf32, #tpu.memory_space<vmem_shared>> -> memref<112x128xf32, #tpu.memory_space<vmem_shared>>
          tpu.enqueue_dma source(%arg12 : memref<112x128xf32, #tpu.memory_space<vmem>>) target(%dma_start3A_66 : memref<112x128xf32, #tpu.memory_space<vmem_shared>>) target_semaphore(%run_scoped3A : memref<!tpu.dma_semaphore, #tpu.memory_space<semaphore_mem>>)
          %dma_wait3A = arith.constant 0 : i32
          %dma_wait3A_67 = tpu.memref_slice %arg14[%add3A_62, %dma_wait3A] : memref<10112x128xf32, #tpu.memory_space<vmem_shared>> -> memref<112x128xf32, #tpu.memory_space<vmem_shared>>
          %dma_wait3A_68 = arith.constant 0 : i32
          %dma_wait3A_69 = tpu.memref_slice %arg14[%add3A_62, %dma_wait3A_68] : memref<10112x128xf32, #tpu.memory_space<vmem_shared>> -> memref<112x128xf32, #tpu.memory_space<vmem_shared>>
          tpu.wait_dma2 semaphore(%run_scoped3A : memref<!tpu.dma_semaphore, #tpu.memory_space<semaphore_mem>>) src(%arg12 : memref<112x128xf32, #tpu.memory_space<vmem>>) dst(%dma_wait3A_69 : memref<112x128xf32, #tpu.memory_space<vmem_shared>>)
          tpu.yield
        }) : () -> ()
      }
      %scan3A_46 = arith.constant 5 : i32
      %add3A_47 = arith.constant 560 : i32
      %add3A_48 = arith.addi %mul3A_0, %add3A_47 : i32
      "tpu.region"() ({
        %run_scoped3A = tpu.sem_alloc : memref<!tpu.dma_semaphore, #tpu.memory_space<semaphore_mem>>
        %dma_start3A_55 = arith.constant 0 : i32
        %dma_start3A_56 = arith.constant 0 : i32
        %dma_start3A_57 = tpu.memref_slice %arg12[%dma_start3A_55, %dma_start3A_56] : memref<112x128xf32, #tpu.memory_space<vmem>> -> memref<72x128xf32, #tpu.memory_space<vmem>>
        %dma_start3A_58 = arith.constant 0 : i32
        %dma_start3A_59 = tpu.memref_slice %arg14[%add3A_48, %dma_start3A_58] : memref<10112x128xf32, #tpu.memory_space<vmem_shared>> -> memref<72x128xf32, #tpu.memory_space<vmem_shared>>
        %dma_start3A_60 = arith.constant 0 : i32
        %dma_start3A_61 = tpu.memref_slice %arg14[%add3A_48, %dma_start3A_60] : memref<10112x128xf32, #tpu.memory_space<vmem_shared>> -> memref<72x128xf32, #tpu.memory_space<vmem_shared>>
        %dma_start3A_62 = arith.constant 0 : i32
        %dma_start3A_63 = arith.constant 0 : i32
        %dma_start3A_64 = tpu.memref_slice %arg12[%dma_start3A_62, %dma_start3A_63] : memref<112x128xf32, #tpu.memory_space<vmem>> -> memref<72x128xf32, #tpu.memory_space<vmem>>
        tpu.enqueue_dma source(%dma_start3A_64 : memref<72x128xf32, #tpu.memory_space<vmem>>) target(%dma_start3A_61 : memref<72x128xf32, #tpu.memory_space<vmem_shared>>) target_semaphore(%run_scoped3A : memref<!tpu.dma_semaphore, #tpu.memory_space<semaphore_mem>>)
        %dma_wait3A = arith.constant 0 : i32
        %dma_wait3A_65 = arith.constant 0 : i32
        %dma_wait3A_66 = tpu.memref_slice %arg12[%dma_wait3A, %dma_wait3A_65] : memref<112x128xf32, #tpu.memory_space<vmem>> -> memref<72x128xf32, #tpu.memory_space<vmem>>
        %dma_wait3A_67 = arith.constant 0 : i32
        %dma_wait3A_68 = tpu.memref_slice %arg14[%add3A_48, %dma_wait3A_67] : memref<10112x128xf32, #tpu.memory_space<vmem_shared>> -> memref<72x128xf32, #tpu.memory_space<vmem_shared>>
        %dma_wait3A_69 = arith.constant 0 : i32
        %dma_wait3A_70 = tpu.memref_slice %arg14[%add3A_48, %dma_wait3A_69] : memref<10112x128xf32, #tpu.memory_space<vmem_shared>> -> memref<72x128xf32, #tpu.memory_space<vmem_shared>>
        %dma_wait3A_71 = arith.constant 0 : i32
        %dma_wait3A_72 = arith.constant 0 : i32
        %dma_wait3A_73 = tpu.memref_slice %arg12[%dma_wait3A_71, %dma_wait3A_72] : memref<112x128xf32, #tpu.memory_space<vmem>> -> memref<72x128xf32, #tpu.memory_space<vmem>>
        tpu.wait_dma2 semaphore(%run_scoped3A : memref<!tpu.dma_semaphore, #tpu.memory_space<semaphore_mem>>) src(%dma_wait3A_73 : memref<72x128xf32, #tpu.memory_space<vmem>>) dst(%dma_wait3A_70 : memref<72x128xf32, #tpu.memory_space<vmem_shared>>)
        tpu.yield
      }) : () -> ()
      %barrier3A = arith.constant 0 : index
      tpu.barrier barrier_id(%barrier3A)
      %scan3A_49 = arith.constant 0 : i32
      %scan3A_50 = arith.constant 6 : i32
      %scan3A_51 = arith.addi %scan3A_49, %scan3A_50 : i32
      %scan3A_52 = arith.constant 1 : i32
      scf.for %scan3A_55 = %scan3A_49 to %scan3A_51 step %scan3A_52  : i32 {
        %mul3A_56 = arith.constant 1 : i32
        %mul3A_57 = arith.muli %scan3A_55, %mul3A_56 : i32
        %add3A_58 = arith.constant 0 : i32
        %add3A_59 = arith.addi %add3A_58, %mul3A_57 : i32
        %mul3A_60 = arith.constant 2 : i32
        %mul3A_61 = arith.muli %mul3A_60, %add3A_59 : i32
        %add3A_62 = arith.constant 0 : i32
        %add3A_63 = arith.addi %mul3A_61, %add3A_62 : i32
        %mul3A_64 = arith.constant 96 : i32
        %mul3A_65 = arith.muli %arg1, %mul3A_64 : i32
        %mul3A_66 = arith.constant 8 : i32
        %mul3A_67 = arith.muli %add3A_63, %mul3A_66 : i32
        %add3A_68 = arith.addi %mul3A_65, %mul3A_67 : i32
        %dma_wait3A = arith.constant 0 : i32
        %dma_wait3A_69 = tpu.memref_slice %arg4[%add3A_68, %dma_wait3A] : memref<1536x112xi32, #tpu.memory_space<hbm>> -> memref<8x112xi32, #tpu.memory_space<hbm>>
        %dma_wait3A_70 = arith.constant 0 : i32
        %dma_wait3A_71 = tpu.memref_slice %arg4[%add3A_68, %dma_wait3A_70] : memref<1536x112xi32, #tpu.memory_space<hbm>> -> memref<8x112xi32, #tpu.memory_space<hbm>>
        tpu.wait_dma2 semaphore(%arg17 : memref<!tpu.dma_semaphore, #tpu.memory_space<semaphore_mem>>) src(%dma_wait3A_71 : memref<8x112xi32, #tpu.memory_space<hbm>>) dst(%arg8 : memref<8x112xi32, #tpu.memory_space<vmem>>)
        %mul3A_72 = arith.constant 96 : i32
        %mul3A_73 = arith.muli %arg1, %mul3A_72 : i32
        %mul3A_74 = arith.constant 8 : i32
        %mul3A_75 = arith.muli %add3A_63, %mul3A_74 : i32
        %add3A_76 = arith.addi %mul3A_73, %mul3A_75 : i32
        %dma_wait3A_77 = arith.constant 0 : i32
        %dma_wait3A_78 = tpu.memref_slice %arg5[%add3A_76, %dma_wait3A_77] : memref<1536x112xi32, #tpu.memory_space<hbm>> -> memref<8x112xi32, #tpu.memory_space<hbm>>
        %dma_wait3A_79 = arith.constant 0 : i32
        %dma_wait3A_80 = tpu.memref_slice %arg5[%add3A_76, %dma_wait3A_79] : memref<1536x112xi32, #tpu.memory_space<hbm>> -> memref<8x112xi32, #tpu.memory_space<hbm>>
        tpu.wait_dma2 semaphore(%arg17 : memref<!tpu.dma_semaphore, #tpu.memory_space<semaphore_mem>>) src(%dma_wait3A_80 : memref<8x112xi32, #tpu.memory_space<hbm>>) dst(%arg9 : memref<8x112xi32, #tpu.memory_space<vmem>>)
        %dma_start3A_81 = arith.constant 0 : i32
        %dma_start3A_82 = arith.constant 0 : i32
        %dma_start3A_83 = tpu.memref_slice %arg9[%dma_start3A_81, %dma_start3A_82] : memref<8x112xi32, #tpu.memory_space<vmem>> -> memref<1x112xi32, #tpu.memory_space<vmem>>
        %dma_start3A_84 = tpu.memref_squeeze %dma_start3A_83 : memref<1x112xi32, #tpu.memory_space<vmem>> -> memref<112xi32, #tpu.memory_space<vmem>>
        %dma_start3A_85 = arith.constant 0 : i32
        %dma_start3A_86 = arith.constant 0 : i32
        %dma_start3A_87 = tpu.memref_slice %arg2[%dma_start3A_85, %dma_start3A_86] : memref<10000x128xf32, #tpu.memory_space<hbm>> -> memref<10000x128xf32, #tpu.memory_space<hbm>>
        tpu.enqueue_indirect_dma source(%dma_start3A_87 : memref<10000x128xf32, #tpu.memory_space<hbm>>) target(%arg12 : memref<112x128xf32, #tpu.memory_space<vmem>>) offsets(%dma_start3A_84 : memref<112xi32, #tpu.memory_space<vmem>>) semaphore(%arg15 : memref<!tpu.dma_semaphore, #tpu.memory_space<semaphore_mem>>)
        %scan3A_88 = arith.constant 0 : i32
        %scan3A_89 = arith.constant 3 : i32
        %scan3A_90 = arith.addi %scan3A_88, %scan3A_89 : i32
        %scan3A_91 = arith.constant 1 : i32
        scf.for %scan3A_185 = %scan3A_88 to %scan3A_90 step %scan3A_91  : i32 {
          %mul3A_186 = arith.constant 1 : i32
          %mul3A_187 = arith.muli %scan3A_185, %mul3A_186 : i32
          %add3A_188 = arith.constant 0 : i32
          %add3A_189 = arith.addi %add3A_188, %mul3A_187 : i32
          %mul3A_190 = arith.constant 2 : i32
          %mul3A_191 = arith.muli %mul3A_190, %add3A_189 : i32
          %dma_wait3A_192 = arith.constant 0 : i32
          %dma_wait3A_193 = tpu.memref_slice %arg9[%mul3A_191, %dma_wait3A_192] : memref<8x112xi32, #tpu.memory_space<vmem>> -> memref<1x112xi32, #tpu.memory_space<vmem>>
          %dma_wait3A_194 = tpu.memref_squeeze %dma_wait3A_193 : memref<1x112xi32, #tpu.memory_space<vmem>> -> memref<112xi32, #tpu.memory_space<vmem>>
          %dma_wait3A_195 = arith.constant 0 : i32
          %dma_wait3A_196 = arith.constant 0 : i32
          %dma_wait3A_197 = tpu.memref_slice %arg2[%dma_wait3A_195, %dma_wait3A_196] : memref<10000x128xf32, #tpu.memory_space<hbm>> -> memref<10000x128xf32, #tpu.memory_space<hbm>>
          tpu.wait_indirect_dma semaphore(%arg15 : memref<!tpu.dma_semaphore, #tpu.memory_space<semaphore_mem>>) src(%dma_wait3A_197 : memref<10000x128xf32, #tpu.memory_space<hbm>>) dst(%arg12 : memref<112x128xf32, #tpu.memory_space<vmem>>)
          %add3A_198 = arith.constant 1 : i32
          %add3A_199 = arith.addi %mul3A_191, %add3A_198 : i32
          %dma_start3A_200 = arith.constant 0 : i32
          %dma_start3A_201 = tpu.memref_slice %arg9[%add3A_199, %dma_start3A_200] : memref<8x112xi32, #tpu.memory_space<vmem>> -> memref<1x112xi32, #tpu.memory_space<vmem>>
          %dma_start3A_202 = tpu.memref_squeeze %dma_start3A_201 : memref<1x112xi32, #tpu.memory_space<vmem>> -> memref<112xi32, #tpu.memory_space<vmem>>
          %dma_start3A_203 = arith.constant 0 : i32
          %dma_start3A_204 = arith.constant 0 : i32
          %dma_start3A_205 = tpu.memref_slice %arg2[%dma_start3A_203, %dma_start3A_204] : memref<10000x128xf32, #tpu.memory_space<hbm>> -> memref<10000x128xf32, #tpu.memory_space<hbm>>
          tpu.enqueue_indirect_dma source(%dma_start3A_205 : memref<10000x128xf32, #tpu.memory_space<hbm>>) target(%arg13 : memref<112x128xf32, #tpu.memory_space<vmem>>) offsets(%dma_start3A_202 : memref<112xi32, #tpu.memory_space<vmem>>) semaphore(%arg16 : memref<!tpu.dma_semaphore, #tpu.memory_space<semaphore_mem>>)
          "tpu.region"() ({
            %run_scoped3A_224 = tpu.sem_alloc : memref<!tpu.dma_semaphore, #tpu.memory_space<semaphore_mem>>
            %dma_start3A_225 = arith.constant 0 : i32
            %dma_start3A_226 = tpu.memref_slice %arg8[%mul3A_191, %dma_start3A_225] : memref<8x112xi32, #tpu.memory_space<vmem>> -> memref<1x112xi32, #tpu.memory_space<vmem>>
            %dma_start3A_227 = tpu.memref_squeeze %dma_start3A_226 : memref<1x112xi32, #tpu.memory_space<vmem>> -> memref<112xi32, #tpu.memory_space<vmem>>
            %dma_start3A_228 = arith.constant 0 : i32
            %dma_start3A_229 = arith.constant 0 : i32
            %dma_start3A_230 = tpu.memref_slice %arg14[%dma_start3A_228, %dma_start3A_229] : memref<10112x128xf32, #tpu.memory_space<vmem_shared>> -> memref<10112x128xf32, #tpu.memory_space<vmem_shared>>
            tpu.enqueue_indirect_dma source(%arg12 : memref<112x128xf32, #tpu.memory_space<vmem>>) target(%dma_start3A_230 : memref<10112x128xf32, #tpu.memory_space<vmem_shared>>) offsets(%dma_start3A_227 : memref<112xi32, #tpu.memory_space<vmem>>) semaphore(%run_scoped3A_224 : memref<!tpu.dma_semaphore, #tpu.memory_space<semaphore_mem>>) {add = true}
            %dma_wait3A_231 = arith.constant 0 : i32
            %dma_wait3A_232 = tpu.memref_slice %arg8[%mul3A_191, %dma_wait3A_231] : memref<8x112xi32, #tpu.memory_space<vmem>> -> memref<1x112xi32, #tpu.memory_space<vmem>>
            %dma_wait3A_233 = tpu.memref_squeeze %dma_wait3A_232 : memref<1x112xi32, #tpu.memory_space<vmem>> -> memref<112xi32, #tpu.memory_space<vmem>>
            %dma_wait3A_234 = arith.constant 0 : i32
            %dma_wait3A_235 = arith.constant 0 : i32
            %dma_wait3A_236 = tpu.memref_slice %arg14[%dma_wait3A_234, %dma_wait3A_235] : memref<10112x128xf32, #tpu.memory_space<vmem_shared>> -> memref<10112x128xf32, #tpu.memory_space<vmem_shared>>
            tpu.wait_indirect_dma semaphore(%run_scoped3A_224 : memref<!tpu.dma_semaphore, #tpu.memory_space<semaphore_mem>>) src(%arg12 : memref<112x128xf32, #tpu.memory_space<vmem>>) dst(%dma_wait3A_236 : memref<10112x128xf32, #tpu.memory_space<vmem_shared>>)
            tpu.yield
          }) : () -> ()
          %add3A_206 = arith.constant 1 : i32
          %add3A_207 = arith.addi %mul3A_191, %add3A_206 : i32
          %dma_wait3A_208 = arith.constant 0 : i32
          %dma_wait3A_209 = tpu.memref_slice %arg9[%add3A_207, %dma_wait3A_208] : memref<8x112xi32, #tpu.memory_space<vmem>> -> memref<1x112xi32, #tpu.memory_space<vmem>>
          %dma_wait3A_210 = tpu.memref_squeeze %dma_wait3A_209 : memref<1x112xi32, #tpu.memory_space<vmem>> -> memref<112xi32, #tpu.memory_space<vmem>>
          %dma_wait3A_211 = arith.constant 0 : i32
          %dma_wait3A_212 = arith.constant 0 : i32
          %dma_wait3A_213 = tpu.memref_slice %arg2[%dma_wait3A_211, %dma_wait3A_212] : memref<10000x128xf32, #tpu.memory_space<hbm>> -> memref<10000x128xf32, #tpu.memory_space<hbm>>
          tpu.wait_indirect_dma semaphore(%arg16 : memref<!tpu.dma_semaphore, #tpu.memory_space<semaphore_mem>>) src(%dma_wait3A_213 : memref<10000x128xf32, #tpu.memory_space<hbm>>) dst(%arg13 : memref<112x128xf32, #tpu.memory_space<vmem>>)
          %add3A_214 = arith.constant 2 : i32
          %add3A_215 = arith.addi %mul3A_191, %add3A_214 : i32
          %dma_start3A_216 = arith.constant 0 : i32
          %dma_start3A_217 = tpu.memref_slice %arg9[%add3A_215, %dma_start3A_216] : memref<8x112xi32, #tpu.memory_space<vmem>> -> memref<1x112xi32, #tpu.memory_space<vmem>>
          %dma_start3A_218 = tpu.memref_squeeze %dma_start3A_217 : memref<1x112xi32, #tpu.memory_space<vmem>> -> memref<112xi32, #tpu.memory_space<vmem>>
          %dma_start3A_219 = arith.constant 0 : i32
          %dma_start3A_220 = arith.constant 0 : i32
          %dma_start3A_221 = tpu.memref_slice %arg2[%dma_start3A_219, %dma_start3A_220] : memref<10000x128xf32, #tpu.memory_space<hbm>> -> memref<10000x128xf32, #tpu.memory_space<hbm>>
          tpu.enqueue_indirect_dma source(%dma_start3A_221 : memref<10000x128xf32, #tpu.memory_space<hbm>>) target(%arg12 : memref<112x128xf32, #tpu.memory_space<vmem>>) offsets(%dma_start3A_218 : memref<112xi32, #tpu.memory_space<vmem>>) semaphore(%arg15 : memref<!tpu.dma_semaphore, #tpu.memory_space<semaphore_mem>>)
          %add3A_222 = arith.constant 1 : i32
          %add3A_223 = arith.addi %mul3A_191, %add3A_222 : i32
          "tpu.region"() ({
            %run_scoped3A_224 = tpu.sem_alloc : memref<!tpu.dma_semaphore, #tpu.memory_space<semaphore_mem>>
            %dma_start3A_225 = arith.constant 0 : i32
            %dma_start3A_226 = tpu.memref_slice %arg8[%add3A_223, %dma_start3A_225] : memref<8x112xi32, #tpu.memory_space<vmem>> -> memref<1x112xi32, #tpu.memory_space<vmem>>
            %dma_start3A_227 = tpu.memref_squeeze %dma_start3A_226 : memref<1x112xi32, #tpu.memory_space<vmem>> -> memref<112xi32, #tpu.memory_space<vmem>>
            %dma_start3A_228 = arith.constant 0 : i32
            %dma_start3A_229 = arith.constant 0 : i32
            %dma_start3A_230 = tpu.memref_slice %arg14[%dma_start3A_228, %dma_start3A_229] : memref<10112x128xf32, #tpu.memory_space<vmem_shared>> -> memref<10112x128xf32, #tpu.memory_space<vmem_shared>>
            tpu.enqueue_indirect_dma source(%arg13 : memref<112x128xf32, #tpu.memory_space<vmem>>) target(%dma_start3A_230 : memref<10112x128xf32, #tpu.memory_space<vmem_shared>>) offsets(%dma_start3A_227 : memref<112xi32, #tpu.memory_space<vmem>>) semaphore(%run_scoped3A_224 : memref<!tpu.dma_semaphore, #tpu.memory_space<semaphore_mem>>) {add = true}
            %dma_wait3A_231 = arith.constant 0 : i32
            %dma_wait3A_232 = tpu.memref_slice %arg8[%add3A_223, %dma_wait3A_231] : memref<8x112xi32, #tpu.memory_space<vmem>> -> memref<1x112xi32, #tpu.memory_space<vmem>>
            %dma_wait3A_233 = tpu.memref_squeeze %dma_wait3A_232 : memref<1x112xi32, #tpu.memory_space<vmem>> -> memref<112xi32, #tpu.memory_space<vmem>>
            %dma_wait3A_234 = arith.constant 0 : i32
            %dma_wait3A_235 = arith.constant 0 : i32
            %dma_wait3A_236 = tpu.memref_slice %arg14[%dma_wait3A_234, %dma_wait3A_235] : memref<10112x128xf32, #tpu.memory_space<vmem_shared>> -> memref<10112x128xf32, #tpu.memory_space<vmem_shared>>
            tpu.wait_indirect_dma semaphore(%run_scoped3A_224 : memref<!tpu.dma_semaphore, #tpu.memory_space<semaphore_mem>>) src(%arg13 : memref<112x128xf32, #tpu.memory_space<vmem>>) dst(%dma_wait3A_236 : memref<10112x128xf32, #tpu.memory_space<vmem_shared>>)
            tpu.yield
          }) : () -> ()
        }
        %scan3A_92 = arith.constant 3 : i32
        %dma_wait3A_93 = arith.constant 6 : i32
        %dma_wait3A_94 = arith.constant 0 : i32
        %dma_wait3A_95 = tpu.memref_slice %arg9[%dma_wait3A_93, %dma_wait3A_94] : memref<8x112xi32, #tpu.memory_space<vmem>> -> memref<1x112xi32, #tpu.memory_space<vmem>>
        %dma_wait3A_96 = tpu.memref_squeeze %dma_wait3A_95 : memref<1x112xi32, #tpu.memory_space<vmem>> -> memref<112xi32, #tpu.memory_space<vmem>>
        %dma_wait3A_97 = arith.constant 0 : i32
        %dma_wait3A_98 = arith.constant 0 : i32
        %dma_wait3A_99 = tpu.memref_slice %arg2[%dma_wait3A_97, %dma_wait3A_98] : memref<10000x128xf32, #tpu.memory_space<hbm>> -> memref<10000x128xf32, #tpu.memory_space<hbm>>
        tpu.wait_indirect_dma semaphore(%arg15 : memref<!tpu.dma_semaphore, #tpu.memory_space<semaphore_mem>>) src(%dma_wait3A_99 : memref<10000x128xf32, #tpu.memory_space<hbm>>) dst(%arg12 : memref<112x128xf32, #tpu.memory_space<vmem>>)
        %dma_start3A_100 = arith.constant 7 : i32
        %dma_start3A_101 = arith.constant 0 : i32
        %dma_start3A_102 = tpu.memref_slice %arg9[%dma_start3A_100, %dma_start3A_101] : memref<8x112xi32, #tpu.memory_space<vmem>> -> memref<1x112xi32, #tpu.memory_space<vmem>>
        %dma_start3A_103 = tpu.memref_squeeze %dma_start3A_102 : memref<1x112xi32, #tpu.memory_space<vmem>> -> memref<112xi32, #tpu.memory_space<vmem>>
        %dma_start3A_104 = arith.constant 0 : i32
        %dma_start3A_105 = arith.constant 0 : i32
        %dma_start3A_106 = tpu.memref_slice %arg2[%dma_start3A_104, %dma_start3A_105] : memref<10000x128xf32, #tpu.memory_space<hbm>> -> memref<10000x128xf32, #tpu.memory_space<hbm>>
        tpu.enqueue_indirect_dma source(%dma_start3A_106 : memref<10000x128xf32, #tpu.memory_space<hbm>>) target(%arg13 : memref<112x128xf32, #tpu.memory_space<vmem>>) offsets(%dma_start3A_103 : memref<112xi32, #tpu.memory_space<vmem>>) semaphore(%arg16 : memref<!tpu.dma_semaphore, #tpu.memory_space<semaphore_mem>>)
        %run_scoped3A = arith.constant 6 : i32
        "tpu.region"() ({
          %run_scoped3A_185 = tpu.sem_alloc : memref<!tpu.dma_semaphore, #tpu.memory_space<semaphore_mem>>
          %dma_start3A_186 = arith.constant 0 : i32
          %dma_start3A_187 = tpu.memref_slice %arg8[%run_scoped3A, %dma_start3A_186] : memref<8x112xi32, #tpu.memory_space<vmem>> -> memref<1x112xi32, #tpu.memory_space<vmem>>
          %dma_start3A_188 = tpu.memref_squeeze %dma_start3A_187 : memref<1x112xi32, #tpu.memory_space<vmem>> -> memref<112xi32, #tpu.memory_space<vmem>>
          %dma_start3A_189 = arith.constant 0 : i32
          %dma_start3A_190 = arith.constant 0 : i32
          %dma_start3A_191 = tpu.memref_slice %arg14[%dma_start3A_189, %dma_start3A_190] : memref<10112x128xf32, #tpu.memory_space<vmem_shared>> -> memref<10112x128xf32, #tpu.memory_space<vmem_shared>>
          tpu.enqueue_indirect_dma source(%arg12 : memref<112x128xf32, #tpu.memory_space<vmem>>) target(%dma_start3A_191 : memref<10112x128xf32, #tpu.memory_space<vmem_shared>>) offsets(%dma_start3A_188 : memref<112xi32, #tpu.memory_space<vmem>>) semaphore(%run_scoped3A_185 : memref<!tpu.dma_semaphore, #tpu.memory_space<semaphore_mem>>) {add = true}
          %dma_wait3A_192 = arith.constant 0 : i32
          %dma_wait3A_193 = tpu.memref_slice %arg8[%run_scoped3A, %dma_wait3A_192] : memref<8x112xi32, #tpu.memory_space<vmem>> -> memref<1x112xi32, #tpu.memory_space<vmem>>
          %dma_wait3A_194 = tpu.memref_squeeze %dma_wait3A_193 : memref<1x112xi32, #tpu.memory_space<vmem>> -> memref<112xi32, #tpu.memory_space<vmem>>
          %dma_wait3A_195 = arith.constant 0 : i32
          %dma_wait3A_196 = arith.constant 0 : i32
          %dma_wait3A_197 = tpu.memref_slice %arg14[%dma_wait3A_195, %dma_wait3A_196] : memref<10112x128xf32, #tpu.memory_space<vmem_shared>> -> memref<10112x128xf32, #tpu.memory_space<vmem_shared>>
          tpu.wait_indirect_dma semaphore(%run_scoped3A_185 : memref<!tpu.dma_semaphore, #tpu.memory_space<semaphore_mem>>) src(%arg12 : memref<112x128xf32, #tpu.memory_space<vmem>>) dst(%dma_wait3A_197 : memref<10112x128xf32, #tpu.memory_space<vmem_shared>>)
          tpu.yield
        }) : () -> ()
        %dma_wait3A_107 = arith.constant 7 : i32
        %dma_wait3A_108 = arith.constant 0 : i32
        %dma_wait3A_109 = tpu.memref_slice %arg9[%dma_wait3A_107, %dma_wait3A_108] : memref<8x112xi32, #tpu.memory_space<vmem>> -> memref<1x112xi32, #tpu.memory_space<vmem>>
        %dma_wait3A_110 = tpu.memref_squeeze %dma_wait3A_109 : memref<1x112xi32, #tpu.memory_space<vmem>> -> memref<112xi32, #tpu.memory_space<vmem>>
        %dma_wait3A_111 = arith.constant 0 : i32
        %dma_wait3A_112 = arith.constant 0 : i32
        %dma_wait3A_113 = tpu.memref_slice %arg2[%dma_wait3A_111, %dma_wait3A_112] : memref<10000x128xf32, #tpu.memory_space<hbm>> -> memref<10000x128xf32, #tpu.memory_space<hbm>>
        tpu.wait_indirect_dma semaphore(%arg16 : memref<!tpu.dma_semaphore, #tpu.memory_space<semaphore_mem>>) src(%dma_wait3A_113 : memref<10000x128xf32, #tpu.memory_space<hbm>>) dst(%arg13 : memref<112x128xf32, #tpu.memory_space<vmem>>)
        %run_scoped3A_114 = arith.constant 7 : i32
        "tpu.region"() ({
          %run_scoped3A_185 = tpu.sem_alloc : memref<!tpu.dma_semaphore, #tpu.memory_space<semaphore_mem>>
          %dma_start3A_186 = arith.constant 0 : i32
          %dma_start3A_187 = tpu.memref_slice %arg8[%run_scoped3A_114, %dma_start3A_186] : memref<8x112xi32, #tpu.memory_space<vmem>> -> memref<1x112xi32, #tpu.memory_space<vmem>>
          %dma_start3A_188 = tpu.memref_squeeze %dma_start3A_187 : memref<1x112xi32, #tpu.memory_space<vmem>> -> memref<112xi32, #tpu.memory_space<vmem>>
          %dma_start3A_189 = arith.constant 0 : i32
          %dma_start3A_190 = arith.constant 0 : i32
          %dma_start3A_191 = tpu.memref_slice %arg14[%dma_start3A_189, %dma_start3A_190] : memref<10112x128xf32, #tpu.memory_space<vmem_shared>> -> memref<10112x128xf32, #tpu.memory_space<vmem_shared>>
          tpu.enqueue_indirect_dma source(%arg13 : memref<112x128xf32, #tpu.memory_space<vmem>>) target(%dma_start3A_191 : memref<10112x128xf32, #tpu.memory_space<vmem_shared>>) offsets(%dma_start3A_188 : memref<112xi32, #tpu.memory_space<vmem>>) semaphore(%run_scoped3A_185 : memref<!tpu.dma_semaphore, #tpu.memory_space<semaphore_mem>>) {add = true}
          %dma_wait3A_192 = arith.constant 0 : i32
          %dma_wait3A_193 = tpu.memref_slice %arg8[%run_scoped3A_114, %dma_wait3A_192] : memref<8x112xi32, #tpu.memory_space<vmem>> -> memref<1x112xi32, #tpu.memory_space<vmem>>
          %dma_wait3A_194 = tpu.memref_squeeze %dma_wait3A_193 : memref<1x112xi32, #tpu.memory_space<vmem>> -> memref<112xi32, #tpu.memory_space<vmem>>
          %dma_wait3A_195 = arith.constant 0 : i32
          %dma_wait3A_196 = arith.constant 0 : i32
          %dma_wait3A_197 = tpu.memref_slice %arg14[%dma_wait3A_195, %dma_wait3A_196] : memref<10112x128xf32, #tpu.memory_space<vmem_shared>> -> memref<10112x128xf32, #tpu.memory_space<vmem_shared>>
          tpu.wait_indirect_dma semaphore(%run_scoped3A_185 : memref<!tpu.dma_semaphore, #tpu.memory_space<semaphore_mem>>) src(%arg13 : memref<112x128xf32, #tpu.memory_space<vmem>>) dst(%dma_wait3A_197 : memref<10112x128xf32, #tpu.memory_space<vmem_shared>>)
          tpu.yield
        }) : () -> ()
        %add3A_115 = arith.constant 2 : i32
        %add3A_116 = arith.addi %add3A_63, %add3A_115 : i32
        %lt3A = arith.constant 12 : i32
        %lt3A_117 = arith.cmpi slt, %add3A_116, %lt3A : i32
        %convert_element_type3A_118 = arith.extui %lt3A_117 : i1 to i32
        %cond3A_119 = arith.constant 0 : i32
        %cond3A_120 = arith.cmpi ne, %convert_element_type3A_118, %cond3A_119 : i32
        scf.if %cond3A_120 {
          %add3A_185 = arith.constant 2 : i32
          %add3A_186 = arith.addi %add3A_63, %add3A_185 : i32
          %mul3A_187 = arith.constant 96 : i32
          %mul3A_188 = arith.muli %arg1, %mul3A_187 : i32
          %mul3A_189 = arith.constant 8 : i32
          %mul3A_190 = arith.muli %add3A_186, %mul3A_189 : i32
          %add3A_191 = arith.addi %mul3A_188, %mul3A_190 : i32
          %dma_start3A_192 = arith.constant 0 : i32
          %dma_start3A_193 = tpu.memref_slice %arg4[%add3A_191, %dma_start3A_192] : memref<1536x112xi32, #tpu.memory_space<hbm>> -> memref<8x112xi32, #tpu.memory_space<hbm>>
          %dma_start3A_194 = arith.constant 0 : i32
          %dma_start3A_195 = tpu.memref_slice %arg4[%add3A_191, %dma_start3A_194] : memref<1536x112xi32, #tpu.memory_space<hbm>> -> memref<8x112xi32, #tpu.memory_space<hbm>>
          tpu.enqueue_dma source(%dma_start3A_195 : memref<8x112xi32, #tpu.memory_space<hbm>>) target(%arg8 : memref<8x112xi32, #tpu.memory_space<vmem>>) target_semaphore(%arg17 : memref<!tpu.dma_semaphore, #tpu.memory_space<semaphore_mem>>)
          %mul3A_196 = arith.constant 96 : i32
          %mul3A_197 = arith.muli %arg1, %mul3A_196 : i32
          %mul3A_198 = arith.constant 8 : i32
          %mul3A_199 = arith.muli %add3A_186, %mul3A_198 : i32
          %add3A_200 = arith.addi %mul3A_197, %mul3A_199 : i32
          %dma_start3A_201 = arith.constant 0 : i32
          %dma_start3A_202 = tpu.memref_slice %arg5[%add3A_200, %dma_start3A_201] : memref<1536x112xi32, #tpu.memory_space<hbm>> -> memref<8x112xi32, #tpu.memory_space<hbm>>
          %dma_start3A_203 = arith.constant 0 : i32
          %dma_start3A_204 = tpu.memref_slice %arg5[%add3A_200, %dma_start3A_203] : memref<1536x112xi32, #tpu.memory_space<hbm>> -> memref<8x112xi32, #tpu.memory_space<hbm>>
          tpu.enqueue_dma source(%dma_start3A_204 : memref<8x112xi32, #tpu.memory_space<hbm>>) target(%arg9 : memref<8x112xi32, #tpu.memory_space<vmem>>) target_semaphore(%arg17 : memref<!tpu.dma_semaphore, #tpu.memory_space<semaphore_mem>>)
        } else {
        }
        %mul3A_121 = arith.constant 2 : i32
        %mul3A_122 = arith.muli %mul3A_121, %add3A_59 : i32
        %add3A_123 = arith.constant 1 : i32
        %add3A_124 = arith.addi %mul3A_122, %add3A_123 : i32
        %mul3A_125 = arith.constant 96 : i32
        %mul3A_126 = arith.muli %arg1, %mul3A_125 : i32
        %mul3A_127 = arith.constant 8 : i32
        %mul3A_128 = arith.muli %add3A_124, %mul3A_127 : i32
        %add3A_129 = arith.addi %mul3A_126, %mul3A_128 : i32
        %dma_wait3A_130 = arith.constant 0 : i32
        %dma_wait3A_131 = tpu.memref_slice %arg4[%add3A_129, %dma_wait3A_130] : memref<1536x112xi32, #tpu.memory_space<hbm>> -> memref<8x112xi32, #tpu.memory_space<hbm>>
        %dma_wait3A_132 = arith.constant 0 : i32
        %dma_wait3A_133 = tpu.memref_slice %arg4[%add3A_129, %dma_wait3A_132] : memref<1536x112xi32, #tpu.memory_space<hbm>> -> memref<8x112xi32, #tpu.memory_space<hbm>>
        tpu.wait_dma2 semaphore(%arg18 : memref<!tpu.dma_semaphore, #tpu.memory_space<semaphore_mem>>) src(%dma_wait3A_133 : memref<8x112xi32, #tpu.memory_space<hbm>>) dst(%arg10 : memref<8x112xi32, #tpu.memory_space<vmem>>)
        %mul3A_134 = arith.constant 96 : i32
        %mul3A_135 = arith.muli %arg1, %mul3A_134 : i32
        %mul3A_136 = arith.constant 8 : i32
        %mul3A_137 = arith.muli %add3A_124, %mul3A_136 : i32
        %add3A_138 = arith.addi %mul3A_135, %mul3A_137 : i32
        %dma_wait3A_139 = arith.constant 0 : i32
        %dma_wait3A_140 = tpu.memref_slice %arg5[%add3A_138, %dma_wait3A_139] : memref<1536x112xi32, #tpu.memory_space<hbm>> -> memref<8x112xi32, #tpu.memory_space<hbm>>
        %dma_wait3A_141 = arith.constant 0 : i32
        %dma_wait3A_142 = tpu.memref_slice %arg5[%add3A_138, %dma_wait3A_141] : memref<1536x112xi32, #tpu.memory_space<hbm>> -> memref<8x112xi32, #tpu.memory_space<hbm>>
        tpu.wait_dma2 semaphore(%arg18 : memref<!tpu.dma_semaphore, #tpu.memory_space<semaphore_mem>>) src(%dma_wait3A_142 : memref<8x112xi32, #tpu.memory_space<hbm>>) dst(%arg11 : memref<8x112xi32, #tpu.memory_space<vmem>>)
        %dma_start3A_143 = arith.constant 0 : i32
        %dma_start3A_144 = arith.constant 0 : i32
        %dma_start3A_145 = tpu.memref_slice %arg11[%dma_start3A_143, %dma_start3A_144] : memref<8x112xi32, #tpu.memory_space<vmem>> -> memref<1x112xi32, #tpu.memory_space<vmem>>
        %dma_start3A_146 = tpu.memref_squeeze %dma_start3A_145 : memref<1x112xi32, #tpu.memory_space<vmem>> -> memref<112xi32, #tpu.memory_space<vmem>>
        %dma_start3A_147 = arith.constant 0 : i32
        %dma_start3A_148 = arith.constant 0 : i32
        %dma_start3A_149 = tpu.memref_slice %arg2[%dma_start3A_147, %dma_start3A_148] : memref<10000x128xf32, #tpu.memory_space<hbm>> -> memref<10000x128xf32, #tpu.memory_space<hbm>>
        tpu.enqueue_indirect_dma source(%dma_start3A_149 : memref<10000x128xf32, #tpu.memory_space<hbm>>) target(%arg12 : memref<112x128xf32, #tpu.memory_space<vmem>>) offsets(%dma_start3A_146 : memref<112xi32, #tpu.memory_space<vmem>>) semaphore(%arg15 : memref<!tpu.dma_semaphore, #tpu.memory_space<semaphore_mem>>)
        %scan3A_150 = arith.constant 0 : i32
        %scan3A_151 = arith.constant 3 : i32
        %scan3A_152 = arith.addi %scan3A_150, %scan3A_151 : i32
        %scan3A_153 = arith.constant 1 : i32
        scf.for %scan3A_185 = %scan3A_150 to %scan3A_152 step %scan3A_153  : i32 {
          %mul3A_186 = arith.constant 1 : i32
          %mul3A_187 = arith.muli %scan3A_185, %mul3A_186 : i32
          %add3A_188 = arith.constant 0 : i32
          %add3A_189 = arith.addi %add3A_188, %mul3A_187 : i32
          %mul3A_190 = arith.constant 2 : i32
          %mul3A_191 = arith.muli %mul3A_190, %add3A_189 : i32
          %dma_wait3A_192 = arith.constant 0 : i32
          %dma_wait3A_193 = tpu.memref_slice %arg11[%mul3A_191, %dma_wait3A_192] : memref<8x112xi32, #tpu.memory_space<vmem>> -> memref<1x112xi32, #tpu.memory_space<vmem>>
          %dma_wait3A_194 = tpu.memref_squeeze %dma_wait3A_193 : memref<1x112xi32, #tpu.memory_space<vmem>> -> memref<112xi32, #tpu.memory_space<vmem>>
          %dma_wait3A_195 = arith.constant 0 : i32
          %dma_wait3A_196 = arith.constant 0 : i32
          %dma_wait3A_197 = tpu.memref_slice %arg2[%dma_wait3A_195, %dma_wait3A_196] : memref<10000x128xf32, #tpu.memory_space<hbm>> -> memref<10000x128xf32, #tpu.memory_space<hbm>>
          tpu.wait_indirect_dma semaphore(%arg15 : memref<!tpu.dma_semaphore, #tpu.memory_space<semaphore_mem>>) src(%dma_wait3A_197 : memref<10000x128xf32, #tpu.memory_space<hbm>>) dst(%arg12 : memref<112x128xf32, #tpu.memory_space<vmem>>)
          %add3A_198 = arith.constant 1 : i32
          %add3A_199 = arith.addi %mul3A_191, %add3A_198 : i32
          %dma_start3A_200 = arith.constant 0 : i32
          %dma_start3A_201 = tpu.memref_slice %arg11[%add3A_199, %dma_start3A_200] : memref<8x112xi32, #tpu.memory_space<vmem>> -> memref<1x112xi32, #tpu.memory_space<vmem>>
          %dma_start3A_202 = tpu.memref_squeeze %dma_start3A_201 : memref<1x112xi32, #tpu.memory_space<vmem>> -> memref<112xi32, #tpu.memory_space<vmem>>
          %dma_start3A_203 = arith.constant 0 : i32
          %dma_start3A_204 = arith.constant 0 : i32
          %dma_start3A_205 = tpu.memref_slice %arg2[%dma_start3A_203, %dma_start3A_204] : memref<10000x128xf32, #tpu.memory_space<hbm>> -> memref<10000x128xf32, #tpu.memory_space<hbm>>
          tpu.enqueue_indirect_dma source(%dma_start3A_205 : memref<10000x128xf32, #tpu.memory_space<hbm>>) target(%arg13 : memref<112x128xf32, #tpu.memory_space<vmem>>) offsets(%dma_start3A_202 : memref<112xi32, #tpu.memory_space<vmem>>) semaphore(%arg16 : memref<!tpu.dma_semaphore, #tpu.memory_space<semaphore_mem>>)
          "tpu.region"() ({
            %run_scoped3A_224 = tpu.sem_alloc : memref<!tpu.dma_semaphore, #tpu.memory_space<semaphore_mem>>
            %dma_start3A_225 = arith.constant 0 : i32
            %dma_start3A_226 = tpu.memref_slice %arg10[%mul3A_191, %dma_start3A_225] : memref<8x112xi32, #tpu.memory_space<vmem>> -> memref<1x112xi32, #tpu.memory_space<vmem>>
            %dma_start3A_227 = tpu.memref_squeeze %dma_start3A_226 : memref<1x112xi32, #tpu.memory_space<vmem>> -> memref<112xi32, #tpu.memory_space<vmem>>
            %dma_start3A_228 = arith.constant 0 : i32
            %dma_start3A_229 = arith.constant 0 : i32
            %dma_start3A_230 = tpu.memref_slice %arg14[%dma_start3A_228, %dma_start3A_229] : memref<10112x128xf32, #tpu.memory_space<vmem_shared>> -> memref<10112x128xf32, #tpu.memory_space<vmem_shared>>
            tpu.enqueue_indirect_dma source(%arg12 : memref<112x128xf32, #tpu.memory_space<vmem>>) target(%dma_start3A_230 : memref<10112x128xf32, #tpu.memory_space<vmem_shared>>) offsets(%dma_start3A_227 : memref<112xi32, #tpu.memory_space<vmem>>) semaphore(%run_scoped3A_224 : memref<!tpu.dma_semaphore, #tpu.memory_space<semaphore_mem>>) {add = true}
            %dma_wait3A_231 = arith.constant 0 : i32
            %dma_wait3A_232 = tpu.memref_slice %arg10[%mul3A_191, %dma_wait3A_231] : memref<8x112xi32, #tpu.memory_space<vmem>> -> memref<1x112xi32, #tpu.memory_space<vmem>>
            %dma_wait3A_233 = tpu.memref_squeeze %dma_wait3A_232 : memref<1x112xi32, #tpu.memory_space<vmem>> -> memref<112xi32, #tpu.memory_space<vmem>>
            %dma_wait3A_234 = arith.constant 0 : i32
            %dma_wait3A_235 = arith.constant 0 : i32
            %dma_wait3A_236 = tpu.memref_slice %arg14[%dma_wait3A_234, %dma_wait3A_235] : memref<10112x128xf32, #tpu.memory_space<vmem_shared>> -> memref<10112x128xf32, #tpu.memory_space<vmem_shared>>
            tpu.wait_indirect_dma semaphore(%run_scoped3A_224 : memref<!tpu.dma_semaphore, #tpu.memory_space<semaphore_mem>>) src(%arg12 : memref<112x128xf32, #tpu.memory_space<vmem>>) dst(%dma_wait3A_236 : memref<10112x128xf32, #tpu.memory_space<vmem_shared>>)
            tpu.yield
          }) : () -> ()
          %add3A_206 = arith.constant 1 : i32
          %add3A_207 = arith.addi %mul3A_191, %add3A_206 : i32
          %dma_wait3A_208 = arith.constant 0 : i32
          %dma_wait3A_209 = tpu.memref_slice %arg11[%add3A_207, %dma_wait3A_208] : memref<8x112xi32, #tpu.memory_space<vmem>> -> memref<1x112xi32, #tpu.memory_space<vmem>>
          %dma_wait3A_210 = tpu.memref_squeeze %dma_wait3A_209 : memref<1x112xi32, #tpu.memory_space<vmem>> -> memref<112xi32, #tpu.memory_space<vmem>>
          %dma_wait3A_211 = arith.constant 0 : i32
          %dma_wait3A_212 = arith.constant 0 : i32
          %dma_wait3A_213 = tpu.memref_slice %arg2[%dma_wait3A_211, %dma_wait3A_212] : memref<10000x128xf32, #tpu.memory_space<hbm>> -> memref<10000x128xf32, #tpu.memory_space<hbm>>
          tpu.wait_indirect_dma semaphore(%arg16 : memref<!tpu.dma_semaphore, #tpu.memory_space<semaphore_mem>>) src(%dma_wait3A_213 : memref<10000x128xf32, #tpu.memory_space<hbm>>) dst(%arg13 : memref<112x128xf32, #tpu.memory_space<vmem>>)
          %add3A_214 = arith.constant 2 : i32
          %add3A_215 = arith.addi %mul3A_191, %add3A_214 : i32
          %dma_start3A_216 = arith.constant 0 : i32
          %dma_start3A_217 = tpu.memref_slice %arg11[%add3A_215, %dma_start3A_216] : memref<8x112xi32, #tpu.memory_space<vmem>> -> memref<1x112xi32, #tpu.memory_space<vmem>>
          %dma_start3A_218 = tpu.memref_squeeze %dma_start3A_217 : memref<1x112xi32, #tpu.memory_space<vmem>> -> memref<112xi32, #tpu.memory_space<vmem>>
          %dma_start3A_219 = arith.constant 0 : i32
          %dma_start3A_220 = arith.constant 0 : i32
          %dma_start3A_221 = tpu.memref_slice %arg2[%dma_start3A_219, %dma_start3A_220] : memref<10000x128xf32, #tpu.memory_space<hbm>> -> memref<10000x128xf32, #tpu.memory_space<hbm>>
          tpu.enqueue_indirect_dma source(%dma_start3A_221 : memref<10000x128xf32, #tpu.memory_space<hbm>>) target(%arg12 : memref<112x128xf32, #tpu.memory_space<vmem>>) offsets(%dma_start3A_218 : memref<112xi32, #tpu.memory_space<vmem>>) semaphore(%arg15 : memref<!tpu.dma_semaphore, #tpu.memory_space<semaphore_mem>>)
          %add3A_222 = arith.constant 1 : i32
          %add3A_223 = arith.addi %mul3A_191, %add3A_222 : i32
          "tpu.region"() ({
            %run_scoped3A_224 = tpu.sem_alloc : memref<!tpu.dma_semaphore, #tpu.memory_space<semaphore_mem>>
            %dma_start3A_225 = arith.constant 0 : i32
            %dma_start3A_226 = tpu.memref_slice %arg10[%add3A_223, %dma_start3A_225] : memref<8x112xi32, #tpu.memory_space<vmem>> -> memref<1x112xi32, #tpu.memory_space<vmem>>
            %dma_start3A_227 = tpu.memref_squeeze %dma_start3A_226 : memref<1x112xi32, #tpu.memory_space<vmem>> -> memref<112xi32, #tpu.memory_space<vmem>>
            %dma_start3A_228 = arith.constant 0 : i32
            %dma_start3A_229 = arith.constant 0 : i32
            %dma_start3A_230 = tpu.memref_slice %arg14[%dma_start3A_228, %dma_start3A_229] : memref<10112x128xf32, #tpu.memory_space<vmem_shared>> -> memref<10112x128xf32, #tpu.memory_space<vmem_shared>>
            tpu.enqueue_indirect_dma source(%arg13 : memref<112x128xf32, #tpu.memory_space<vmem>>) target(%dma_start3A_230 : memref<10112x128xf32, #tpu.memory_space<vmem_shared>>) offsets(%dma_start3A_227 : memref<112xi32, #tpu.memory_space<vmem>>) semaphore(%run_scoped3A_224 : memref<!tpu.dma_semaphore, #tpu.memory_space<semaphore_mem>>) {add = true}
            %dma_wait3A_231 = arith.constant 0 : i32
            %dma_wait3A_232 = tpu.memref_slice %arg10[%add3A_223, %dma_wait3A_231] : memref<8x112xi32, #tpu.memory_space<vmem>> -> memref<1x112xi32, #tpu.memory_space<vmem>>
            %dma_wait3A_233 = tpu.memref_squeeze %dma_wait3A_232 : memref<1x112xi32, #tpu.memory_space<vmem>> -> memref<112xi32, #tpu.memory_space<vmem>>
            %dma_wait3A_234 = arith.constant 0 : i32
            %dma_wait3A_235 = arith.constant 0 : i32
            %dma_wait3A_236 = tpu.memref_slice %arg14[%dma_wait3A_234, %dma_wait3A_235] : memref<10112x128xf32, #tpu.memory_space<vmem_shared>> -> memref<10112x128xf32, #tpu.memory_space<vmem_shared>>
            tpu.wait_indirect_dma semaphore(%run_scoped3A_224 : memref<!tpu.dma_semaphore, #tpu.memory_space<semaphore_mem>>) src(%arg13 : memref<112x128xf32, #tpu.memory_space<vmem>>) dst(%dma_wait3A_236 : memref<10112x128xf32, #tpu.memory_space<vmem_shared>>)
            tpu.yield
          }) : () -> ()
        }
        %scan3A_154 = arith.constant 3 : i32
        %dma_wait3A_155 = arith.constant 6 : i32
        %dma_wait3A_156 = arith.constant 0 : i32
        %dma_wait3A_157 = tpu.memref_slice %arg11[%dma_wait3A_155, %dma_wait3A_156] : memref<8x112xi32, #tpu.memory_space<vmem>> -> memref<1x112xi32, #tpu.memory_space<vmem>>
        %dma_wait3A_158 = tpu.memref_squeeze %dma_wait3A_157 : memref<1x112xi32, #tpu.memory_space<vmem>> -> memref<112xi32, #tpu.memory_space<vmem>>
        %dma_wait3A_159 = arith.constant 0 : i32
        %dma_wait3A_160 = arith.constant 0 : i32
        %dma_wait3A_161 = tpu.memref_slice %arg2[%dma_wait3A_159, %dma_wait3A_160] : memref<10000x128xf32, #tpu.memory_space<hbm>> -> memref<10000x128xf32, #tpu.memory_space<hbm>>
        tpu.wait_indirect_dma semaphore(%arg15 : memref<!tpu.dma_semaphore, #tpu.memory_space<semaphore_mem>>) src(%dma_wait3A_161 : memref<10000x128xf32, #tpu.memory_space<hbm>>) dst(%arg12 : memref<112x128xf32, #tpu.memory_space<vmem>>)
        %dma_start3A_162 = arith.constant 7 : i32
        %dma_start3A_163 = arith.constant 0 : i32
        %dma_start3A_164 = tpu.memref_slice %arg11[%dma_start3A_162, %dma_start3A_163] : memref<8x112xi32, #tpu.memory_space<vmem>> -> memref<1x112xi32, #tpu.memory_space<vmem>>
        %dma_start3A_165 = tpu.memref_squeeze %dma_start3A_164 : memref<1x112xi32, #tpu.memory_space<vmem>> -> memref<112xi32, #tpu.memory_space<vmem>>
        %dma_start3A_166 = arith.constant 0 : i32
        %dma_start3A_167 = arith.constant 0 : i32
        %dma_start3A_168 = tpu.memref_slice %arg2[%dma_start3A_166, %dma_start3A_167] : memref<10000x128xf32, #tpu.memory_space<hbm>> -> memref<10000x128xf32, #tpu.memory_space<hbm>>
        tpu.enqueue_indirect_dma source(%dma_start3A_168 : memref<10000x128xf32, #tpu.memory_space<hbm>>) target(%arg13 : memref<112x128xf32, #tpu.memory_space<vmem>>) offsets(%dma_start3A_165 : memref<112xi32, #tpu.memory_space<vmem>>) semaphore(%arg16 : memref<!tpu.dma_semaphore, #tpu.memory_space<semaphore_mem>>)
        %run_scoped3A_169 = arith.constant 6 : i32
        "tpu.region"() ({
          %run_scoped3A_185 = tpu.sem_alloc : memref<!tpu.dma_semaphore, #tpu.memory_space<semaphore_mem>>
          %dma_start3A_186 = arith.constant 0 : i32
          %dma_start3A_187 = tpu.memref_slice %arg10[%run_scoped3A_169, %dma_start3A_186] : memref<8x112xi32, #tpu.memory_space<vmem>> -> memref<1x112xi32, #tpu.memory_space<vmem>>
          %dma_start3A_188 = tpu.memref_squeeze %dma_start3A_187 : memref<1x112xi32, #tpu.memory_space<vmem>> -> memref<112xi32, #tpu.memory_space<vmem>>
          %dma_start3A_189 = arith.constant 0 : i32
          %dma_start3A_190 = arith.constant 0 : i32
          %dma_start3A_191 = tpu.memref_slice %arg14[%dma_start3A_189, %dma_start3A_190] : memref<10112x128xf32, #tpu.memory_space<vmem_shared>> -> memref<10112x128xf32, #tpu.memory_space<vmem_shared>>
          tpu.enqueue_indirect_dma source(%arg12 : memref<112x128xf32, #tpu.memory_space<vmem>>) target(%dma_start3A_191 : memref<10112x128xf32, #tpu.memory_space<vmem_shared>>) offsets(%dma_start3A_188 : memref<112xi32, #tpu.memory_space<vmem>>) semaphore(%run_scoped3A_185 : memref<!tpu.dma_semaphore, #tpu.memory_space<semaphore_mem>>) {add = true}
          %dma_wait3A_192 = arith.constant 0 : i32
          %dma_wait3A_193 = tpu.memref_slice %arg10[%run_scoped3A_169, %dma_wait3A_192] : memref<8x112xi32, #tpu.memory_space<vmem>> -> memref<1x112xi32, #tpu.memory_space<vmem>>
          %dma_wait3A_194 = tpu.memref_squeeze %dma_wait3A_193 : memref<1x112xi32, #tpu.memory_space<vmem>> -> memref<112xi32, #tpu.memory_space<vmem>>
          %dma_wait3A_195 = arith.constant 0 : i32
          %dma_wait3A_196 = arith.constant 0 : i32
          %dma_wait3A_197 = tpu.memref_slice %arg14[%dma_wait3A_195, %dma_wait3A_196] : memref<10112x128xf32, #tpu.memory_space<vmem_shared>> -> memref<10112x128xf32, #tpu.memory_space<vmem_shared>>
          tpu.wait_indirect_dma semaphore(%run_scoped3A_185 : memref<!tpu.dma_semaphore, #tpu.memory_space<semaphore_mem>>) src(%arg12 : memref<112x128xf32, #tpu.memory_space<vmem>>) dst(%dma_wait3A_197 : memref<10112x128xf32, #tpu.memory_space<vmem_shared>>)
          tpu.yield
        }) : () -> ()
        %dma_wait3A_170 = arith.constant 7 : i32
        %dma_wait3A_171 = arith.constant 0 : i32
        %dma_wait3A_172 = tpu.memref_slice %arg11[%dma_wait3A_170, %dma_wait3A_171] : memref<8x112xi32, #tpu.memory_space<vmem>> -> memref<1x112xi32, #tpu.memory_space<vmem>>
        %dma_wait3A_173 = tpu.memref_squeeze %dma_wait3A_172 : memref<1x112xi32, #tpu.memory_space<vmem>> -> memref<112xi32, #tpu.memory_space<vmem>>
        %dma_wait3A_174 = arith.constant 0 : i32
        %dma_wait3A_175 = arith.constant 0 : i32
        %dma_wait3A_176 = tpu.memref_slice %arg2[%dma_wait3A_174, %dma_wait3A_175] : memref<10000x128xf32, #tpu.memory_space<hbm>> -> memref<10000x128xf32, #tpu.memory_space<hbm>>
        tpu.wait_indirect_dma semaphore(%arg16 : memref<!tpu.dma_semaphore, #tpu.memory_space<semaphore_mem>>) src(%dma_wait3A_176 : memref<10000x128xf32, #tpu.memory_space<hbm>>) dst(%arg13 : memref<112x128xf32, #tpu.memory_space<vmem>>)
        %run_scoped3A_177 = arith.constant 7 : i32
        "tpu.region"() ({
          %run_scoped3A_185 = tpu.sem_alloc : memref<!tpu.dma_semaphore, #tpu.memory_space<semaphore_mem>>
          %dma_start3A_186 = arith.constant 0 : i32
          %dma_start3A_187 = tpu.memref_slice %arg10[%run_scoped3A_177, %dma_start3A_186] : memref<8x112xi32, #tpu.memory_space<vmem>> -> memref<1x112xi32, #tpu.memory_space<vmem>>
          %dma_start3A_188 = tpu.memref_squeeze %dma_start3A_187 : memref<1x112xi32, #tpu.memory_space<vmem>> -> memref<112xi32, #tpu.memory_space<vmem>>
          %dma_start3A_189 = arith.constant 0 : i32
          %dma_start3A_190 = arith.constant 0 : i32
          %dma_start3A_191 = tpu.memref_slice %arg14[%dma_start3A_189, %dma_start3A_190] : memref<10112x128xf32, #tpu.memory_space<vmem_shared>> -> memref<10112x128xf32, #tpu.memory_space<vmem_shared>>
          tpu.enqueue_indirect_dma source(%arg13 : memref<112x128xf32, #tpu.memory_space<vmem>>) target(%dma_start3A_191 : memref<10112x128xf32, #tpu.memory_space<vmem_shared>>) offsets(%dma_start3A_188 : memref<112xi32, #tpu.memory_space<vmem>>) semaphore(%run_scoped3A_185 : memref<!tpu.dma_semaphore, #tpu.memory_space<semaphore_mem>>) {add = true}
          %dma_wait3A_192 = arith.constant 0 : i32
          %dma_wait3A_193 = tpu.memref_slice %arg10[%run_scoped3A_177, %dma_wait3A_192] : memref<8x112xi32, #tpu.memory_space<vmem>> -> memref<1x112xi32, #tpu.memory_space<vmem>>
          %dma_wait3A_194 = tpu.memref_squeeze %dma_wait3A_193 : memref<1x112xi32, #tpu.memory_space<vmem>> -> memref<112xi32, #tpu.memory_space<vmem>>
          %dma_wait3A_195 = arith.constant 0 : i32
          %dma_wait3A_196 = arith.constant 0 : i32
          %dma_wait3A_197 = tpu.memref_slice %arg14[%dma_wait3A_195, %dma_wait3A_196] : memref<10112x128xf32, #tpu.memory_space<vmem_shared>> -> memref<10112x128xf32, #tpu.memory_space<vmem_shared>>
          tpu.wait_indirect_dma semaphore(%run_scoped3A_185 : memref<!tpu.dma_semaphore, #tpu.memory_space<semaphore_mem>>) src(%arg13 : memref<112x128xf32, #tpu.memory_space<vmem>>) dst(%dma_wait3A_197 : memref<10112x128xf32, #tpu.memory_space<vmem_shared>>)
          tpu.yield
        }) : () -> ()
        %add3A_178 = arith.constant 2 : i32
        %add3A_179 = arith.addi %add3A_124, %add3A_178 : i32
        %lt3A_180 = arith.constant 12 : i32
        %lt3A_181 = arith.cmpi slt, %add3A_179, %lt3A_180 : i32
        %convert_element_type3A_182 = arith.extui %lt3A_181 : i1 to i32
        %cond3A_183 = arith.constant 0 : i32
        %cond3A_184 = arith.cmpi ne, %convert_element_type3A_182, %cond3A_183 : i32
        scf.if %cond3A_184 {
          %add3A_185 = arith.constant 2 : i32
          %add3A_186 = arith.addi %add3A_124, %add3A_185 : i32
          %mul3A_187 = arith.constant 96 : i32
          %mul3A_188 = arith.muli %arg1, %mul3A_187 : i32
          %mul3A_189 = arith.constant 8 : i32
          %mul3A_190 = arith.muli %add3A_186, %mul3A_189 : i32
          %add3A_191 = arith.addi %mul3A_188, %mul3A_190 : i32
          %dma_start3A_192 = arith.constant 0 : i32
          %dma_start3A_193 = tpu.memref_slice %arg4[%add3A_191, %dma_start3A_192] : memref<1536x112xi32, #tpu.memory_space<hbm>> -> memref<8x112xi32, #tpu.memory_space<hbm>>
          %dma_start3A_194 = arith.constant 0 : i32
          %dma_start3A_195 = tpu.memref_slice %arg4[%add3A_191, %dma_start3A_194] : memref<1536x112xi32, #tpu.memory_space<hbm>> -> memref<8x112xi32, #tpu.memory_space<hbm>>
          tpu.enqueue_dma source(%dma_start3A_195 : memref<8x112xi32, #tpu.memory_space<hbm>>) target(%arg10 : memref<8x112xi32, #tpu.memory_space<vmem>>) target_semaphore(%arg18 : memref<!tpu.dma_semaphore, #tpu.memory_space<semaphore_mem>>)
          %mul3A_196 = arith.constant 96 : i32
          %mul3A_197 = arith.muli %arg1, %mul3A_196 : i32
          %mul3A_198 = arith.constant 8 : i32
          %mul3A_199 = arith.muli %add3A_186, %mul3A_198 : i32
          %add3A_200 = arith.addi %mul3A_197, %mul3A_199 : i32
          %dma_start3A_201 = arith.constant 0 : i32
          %dma_start3A_202 = tpu.memref_slice %arg5[%add3A_200, %dma_start3A_201] : memref<1536x112xi32, #tpu.memory_space<hbm>> -> memref<8x112xi32, #tpu.memory_space<hbm>>
          %dma_start3A_203 = arith.constant 0 : i32
          %dma_start3A_204 = tpu.memref_slice %arg5[%add3A_200, %dma_start3A_203] : memref<1536x112xi32, #tpu.memory_space<hbm>> -> memref<8x112xi32, #tpu.memory_space<hbm>>
          tpu.enqueue_dma source(%dma_start3A_204 : memref<8x112xi32, #tpu.memory_space<hbm>>) target(%arg11 : memref<8x112xi32, #tpu.memory_space<vmem>>) target_semaphore(%arg18 : memref<!tpu.dma_semaphore, #tpu.memory_space<semaphore_mem>>)
        } else {
        }
      }
      %scan3A_53 = arith.constant 6 : i32
      %barrier3A_54 = arith.constant 0 : index
      tpu.barrier barrier_id(%barrier3A_54)
      "tpu.region"() ({
        %run_scoped3A = tpu.sem_alloc : memref<!tpu.dma_semaphore, #tpu.memory_space<semaphore_mem>>
        %dma_start3A_55 = arith.constant 0 : i32
        %dma_start3A_56 = tpu.memref_slice %arg6[%mul3A_0, %dma_start3A_55] : memref<10112x128xf32, #tpu.memory_space<hbm>> -> memref<632x128xf32, #tpu.memory_space<hbm>>
        %dma_start3A_57 = arith.constant 0 : i32
        %dma_start3A_58 = tpu.memref_slice %arg14[%mul3A_0, %dma_start3A_57] : memref<10112x128xf32, #tpu.memory_space<vmem_shared>> -> memref<632x128xf32, #tpu.memory_space<vmem_shared>>
        tpu.enqueue_dma source(%dma_start3A_58 : memref<632x128xf32, #tpu.memory_space<vmem_shared>>) target(%dma_start3A_56 : memref<632x128xf32, #tpu.memory_space<hbm>>) target_semaphore(%run_scoped3A : memref<!tpu.dma_semaphore, #tpu.memory_space<semaphore_mem>>)
        %dma_wait3A = arith.constant 0 : i32
        %dma_wait3A_59 = tpu.memref_slice %arg6[%mul3A_0, %dma_wait3A] : memref<10112x128xf32, #tpu.memory_space<hbm>> -> memref<632x128xf32, #tpu.memory_space<hbm>>
        %dma_wait3A_60 = arith.constant 0 : i32
        %dma_wait3A_61 = tpu.memref_slice %arg14[%mul3A_0, %dma_wait3A_60] : memref<10112x128xf32, #tpu.memory_space<vmem_shared>> -> memref<632x128xf32, #tpu.memory_space<vmem_shared>>
        tpu.wait_dma2 semaphore(%run_scoped3A : memref<!tpu.dma_semaphore, #tpu.memory_space<semaphore_mem>>) src(%dma_wait3A_61 : memref<632x128xf32, #tpu.memory_space<vmem_shared>>) dst(%dma_wait3A_59 : memref<632x128xf32, #tpu.memory_space<hbm>>)
        tpu.yield
      }) : () -> ()
    } else {
    }
    %eq3A_3 = arith.constant 1 : i32
    %eq3A_4 = arith.cmpi eq, %arg0, %eq3A_3 : i32
    %convert_element_type3A_5 = arith.extui %eq3A_4 : i1 to i32
    %cond3A_6 = arith.constant 0 : i32
    %cond3A_7 = arith.cmpi ne, %convert_element_type3A_5, %cond3A_6 : i32
    scf.if %cond3A_7 {
      %mul3A_8 = arith.constant 96 : i32
      %mul3A_9 = arith.muli %arg1, %mul3A_8 : i32
      %add3A = arith.constant 0 : i32
      %add3A_10 = arith.addi %mul3A_9, %add3A : i32
      %dma_start3A = arith.constant 0 : i32
      %dma_start3A_11 = tpu.memref_slice %arg4[%add3A_10, %dma_start3A] : memref<1536x112xi32, #tpu.memory_space<hbm>> -> memref<8x112xi32, #tpu.memory_space<hbm>>
      %dma_start3A_12 = arith.constant 0 : i32
      %dma_start3A_13 = tpu.memref_slice %arg4[%add3A_10, %dma_start3A_12] : memref<1536x112xi32, #tpu.memory_space<hbm>> -> memref<8x112xi32, #tpu.memory_space<hbm>>
      tpu.enqueue_dma source(%dma_start3A_13 : memref<8x112xi32, #tpu.memory_space<hbm>>) target(%arg8 : memref<8x112xi32, #tpu.memory_space<vmem>>) target_semaphore(%arg17 : memref<!tpu.dma_semaphore, #tpu.memory_space<semaphore_mem>>)
      %mul3A_14 = arith.constant 96 : i32
      %mul3A_15 = arith.muli %arg1, %mul3A_14 : i32
      %add3A_16 = arith.constant 0 : i32
      %add3A_17 = arith.addi %mul3A_15, %add3A_16 : i32
      %dma_start3A_18 = arith.constant 0 : i32
      %dma_start3A_19 = tpu.memref_slice %arg5[%add3A_17, %dma_start3A_18] : memref<1536x112xi32, #tpu.memory_space<hbm>> -> memref<8x112xi32, #tpu.memory_space<hbm>>
      %dma_start3A_20 = arith.constant 0 : i32
      %dma_start3A_21 = tpu.memref_slice %arg5[%add3A_17, %dma_start3A_20] : memref<1536x112xi32, #tpu.memory_space<hbm>> -> memref<8x112xi32, #tpu.memory_space<hbm>>
      tpu.enqueue_dma source(%dma_start3A_21 : memref<8x112xi32, #tpu.memory_space<hbm>>) target(%arg9 : memref<8x112xi32, #tpu.memory_space<vmem>>) target_semaphore(%arg17 : memref<!tpu.dma_semaphore, #tpu.memory_space<semaphore_mem>>)
      %mul3A_22 = arith.constant 96 : i32
      %mul3A_23 = arith.muli %arg1, %mul3A_22 : i32
      %add3A_24 = arith.constant 8 : i32
      %add3A_25 = arith.addi %mul3A_23, %add3A_24 : i32
      %dma_start3A_26 = arith.constant 0 : i32
      %dma_start3A_27 = tpu.memref_slice %arg4[%add3A_25, %dma_start3A_26] : memref<1536x112xi32, #tpu.memory_space<hbm>> -> memref<8x112xi32, #tpu.memory_space<hbm>>
      %dma_start3A_28 = arith.constant 0 : i32
      %dma_start3A_29 = tpu.memref_slice %arg4[%add3A_25, %dma_start3A_28] : memref<1536x112xi32, #tpu.memory_space<hbm>> -> memref<8x112xi32, #tpu.memory_space<hbm>>
      tpu.enqueue_dma source(%dma_start3A_29 : memref<8x112xi32, #tpu.memory_space<hbm>>) target(%arg10 : memref<8x112xi32, #tpu.memory_space<vmem>>) target_semaphore(%arg18 : memref<!tpu.dma_semaphore, #tpu.memory_space<semaphore_mem>>)
      %mul3A_30 = arith.constant 96 : i32
      %mul3A_31 = arith.muli %arg1, %mul3A_30 : i32
      %add3A_32 = arith.constant 8 : i32
      %add3A_33 = arith.addi %mul3A_31, %add3A_32 : i32
      %dma_start3A_34 = arith.constant 0 : i32
      %dma_start3A_35 = tpu.memref_slice %arg5[%add3A_33, %dma_start3A_34] : memref<1536x112xi32, #tpu.memory_space<hbm>> -> memref<8x112xi32, #tpu.memory_space<hbm>>
      %dma_start3A_36 = arith.constant 0 : i32
      %dma_start3A_37 = tpu.memref_slice %arg5[%add3A_33, %dma_start3A_36] : memref<1536x112xi32, #tpu.memory_space<hbm>> -> memref<8x112xi32, #tpu.memory_space<hbm>>
      tpu.enqueue_dma source(%dma_start3A_37 : memref<8x112xi32, #tpu.memory_space<hbm>>) target(%arg11 : memref<8x112xi32, #tpu.memory_space<vmem>>) target_semaphore(%arg18 : memref<!tpu.dma_semaphore, #tpu.memory_space<semaphore_mem>>)
      %scan3A = arith.constant 0 : i32
      %scan3A_38 = arith.constant 112 : i32
      %scan3A_39 = arith.addi %scan3A, %scan3A_38 : i32
      %scan3A_40 = arith.constant 1 : i32
      scf.for %scan3A_55 = %scan3A to %scan3A_39 step %scan3A_40  : i32 {
        %mul3A_56 = arith.constant 1 : i32
        %mul3A_57 = arith.muli %scan3A_55, %mul3A_56 : i32
        %add3A_58 = arith.constant 0 : i32
        %add3A_59 = arith.addi %add3A_58, %mul3A_57 : i32
        %scan3A_60 = arith.constant 0 : i32
        %scan3A_61 = arith.constant 8 : i32
        %scan3A_62 = arith.addi %scan3A_60, %scan3A_61 : i32
        %scan3A_63 = arith.constant 1 : i32
        scf.for %scan3A_65 = %scan3A_60 to %scan3A_62 step %scan3A_63  : i32 {
          %mul3A_66 = arith.constant 1 : i32
          %mul3A_67 = arith.muli %scan3A_65, %mul3A_66 : i32
          %add3A_68 = arith.constant 0 : i32
          %add3A_69 = arith.addi %add3A_68, %mul3A_67 : i32
          %broadcast_in_dim3A = arith.constant 0.000000e+00 : f32
          %broadcast_in_dim3A_70 = vector.broadcast %broadcast_in_dim3A : f32 to vector<16xf32>
          %mul3A_71 = arith.constant 16 : i32
          %mul3A_72 = arith.muli %add3A_69, %mul3A_71 : i32
          %swap3A = arith.index_cast %add3A_59 : i32 to index
          %swap3A_73 = arith.index_cast %mul3A_72 : i32 to index
          %swap3A_74 = tpu.vector_load %arg12[%swap3A, %swap3A_73] {strides = array<i32>} : memref<112x128xf32, #tpu.memory_space<vmem>>, vector<1x16xf32>,
          %swap3A_75 = vector.shape_cast %swap3A_74 : vector<1x16xf32> to vector<16xf32>
          %swap3A_76 = vector.shape_cast %broadcast_in_dim3A_70 : vector<16xf32> to vector<1x16xf32>
          tpu.vector_store %arg12[%swap3A, %swap3A_73], %swap3A_76 {strides = array<i32>} : memref<112x128xf32, #tpu.memory_space<vmem>>, vector<1x16xf32>,
        }
        %scan3A_64 = arith.constant 8 : i32
      }
      %scan3A_41 = arith.constant 112 : i32
      %scan3A_42 = arith.constant 0 : i32
      %scan3A_43 = arith.constant 5 : i32
      %scan3A_44 = arith.addi %scan3A_42, %scan3A_43 : i32
      %scan3A_45 = arith.constant 1 : i32
      scf.for %scan3A_55 = %scan3A_42 to %scan3A_44 step %scan3A_45  : i32 {
        %mul3A_56 = arith.constant 1 : i32
        %mul3A_57 = arith.muli %scan3A_55, %mul3A_56 : i32
        %add3A_58 = arith.constant 0 : i32
        %add3A_59 = arith.addi %add3A_58, %mul3A_57 : i32
        %mul3A_60 = arith.constant 112 : i32
        %mul3A_61 = arith.muli %add3A_59, %mul3A_60 : i32
        %add3A_62 = arith.addi %mul3A_0, %mul3A_61 : i32
        "tpu.region"() ({
          %run_scoped3A = tpu.sem_alloc : memref<!tpu.dma_semaphore, #tpu.memory_space<semaphore_mem>>
          %dma_start3A_63 = arith.constant 0 : i32
          %dma_start3A_64 = tpu.memref_slice %arg14[%add3A_62, %dma_start3A_63] : memref<10112x128xf32, #tpu.memory_space<vmem_shared>> -> memref<112x128xf32, #tpu.memory_space<vmem_shared>>
          %dma_start3A_65 = arith.constant 0 : i32
          %dma_start3A_66 = tpu.memref_slice %arg14[%add3A_62, %dma_start3A_65] : memref<10112x128xf32, #tpu.memory_space<vmem_shared>> -> memref<112x128xf32, #tpu.memory_space<vmem_shared>>
          tpu.enqueue_dma source(%arg12 : memref<112x128xf32, #tpu.memory_space<vmem>>) target(%dma_start3A_66 : memref<112x128xf32, #tpu.memory_space<vmem_shared>>) target_semaphore(%run_scoped3A : memref<!tpu.dma_semaphore, #tpu.memory_space<semaphore_mem>>)
          %dma_wait3A = arith.constant 0 : i32
          %dma_wait3A_67 = tpu.memref_slice %arg14[%add3A_62, %dma_wait3A] : memref<10112x128xf32, #tpu.memory_space<vmem_shared>> -> memref<112x128xf32, #tpu.memory_space<vmem_shared>>
          %dma_wait3A_68 = arith.constant 0 : i32
          %dma_wait3A_69 = tpu.memref_slice %arg14[%add3A_62, %dma_wait3A_68] : memref<10112x128xf32, #tpu.memory_space<vmem_shared>> -> memref<112x128xf32, #tpu.memory_space<vmem_shared>>
          tpu.wait_dma2 semaphore(%run_scoped3A : memref<!tpu.dma_semaphore, #tpu.memory_space<semaphore_mem>>) src(%arg12 : memref<112x128xf32, #tpu.memory_space<vmem>>) dst(%dma_wait3A_69 : memref<112x128xf32, #tpu.memory_space<vmem_shared>>)
          tpu.yield
        }) : () -> ()
      }
      %scan3A_46 = arith.constant 5 : i32
      %add3A_47 = arith.constant 560 : i32
      %add3A_48 = arith.addi %mul3A_0, %add3A_47 : i32
      "tpu.region"() ({
        %run_scoped3A = tpu.sem_alloc : memref<!tpu.dma_semaphore, #tpu.memory_space<semaphore_mem>>
        %dma_start3A_55 = arith.constant 0 : i32
        %dma_start3A_56 = arith.constant 0 : i32
        %dma_start3A_57 = tpu.memref_slice %arg12[%dma_start3A_55, %dma_start3A_56] : memref<112x128xf32, #tpu.memory_space<vmem>> -> memref<72x128xf32, #tpu.memory_space<vmem>>
        %dma_start3A_58 = arith.constant 0 : i32
        %dma_start3A_59 = tpu.memref_slice %arg14[%add3A_48, %dma_start3A_58] : memref<10112x128xf32, #tpu.memory_space<vmem_shared>> -> memref<72x128xf32, #tpu.memory_space<vmem_shared>>
        %dma_start3A_60 = arith.constant 0 : i32
        %dma_start3A_61 = tpu.memref_slice %arg14[%add3A_48, %dma_start3A_60] : memref<10112x128xf32, #tpu.memory_space<vmem_shared>> -> memref<72x128xf32, #tpu.memory_space<vmem_shared>>
        %dma_start3A_62 = arith.constant 0 : i32
        %dma_start3A_63 = arith.constant 0 : i32
        %dma_start3A_64 = tpu.memref_slice %arg12[%dma_start3A_62, %dma_start3A_63] : memref<112x128xf32, #tpu.memory_space<vmem>> -> memref<72x128xf32, #tpu.memory_space<vmem>>
        tpu.enqueue_dma source(%dma_start3A_64 : memref<72x128xf32, #tpu.memory_space<vmem>>) target(%dma_start3A_61 : memref<72x128xf32, #tpu.memory_space<vmem_shared>>) target_semaphore(%run_scoped3A : memref<!tpu.dma_semaphore, #tpu.memory_space<semaphore_mem>>)
        %dma_wait3A = arith.constant 0 : i32
        %dma_wait3A_65 = arith.constant 0 : i32
        %dma_wait3A_66 = tpu.memref_slice %arg12[%dma_wait3A, %dma_wait3A_65] : memref<112x128xf32, #tpu.memory_space<vmem>> -> memref<72x128xf32, #tpu.memory_space<vmem>>
        %dma_wait3A_67 = arith.constant 0 : i32
        %dma_wait3A_68 = tpu.memref_slice %arg14[%add3A_48, %dma_wait3A_67] : memref<10112x128xf32, #tpu.memory_space<vmem_shared>> -> memref<72x128xf32, #tpu.memory_space<vmem_shared>>
        %dma_wait3A_69 = arith.constant 0 : i32
        %dma_wait3A_70 = tpu.memref_slice %arg14[%add3A_48, %dma_wait3A_69] : memref<10112x128xf32, #tpu.memory_space<vmem_shared>> -> memref<72x128xf32, #tpu.memory_space<vmem_shared>>
        %dma_wait3A_71 = arith.constant 0 : i32
        %dma_wait3A_72 = arith.constant 0 : i32
        %dma_wait3A_73 = tpu.memref_slice %arg12[%dma_wait3A_71, %dma_wait3A_72] : memref<112x128xf32, #tpu.memory_space<vmem>> -> memref<72x128xf32, #tpu.memory_space<vmem>>
        tpu.wait_dma2 semaphore(%run_scoped3A : memref<!tpu.dma_semaphore, #tpu.memory_space<semaphore_mem>>) src(%dma_wait3A_73 : memref<72x128xf32, #tpu.memory_space<vmem>>) dst(%dma_wait3A_70 : memref<72x128xf32, #tpu.memory_space<vmem_shared>>)
        tpu.yield
      }) : () -> ()
      %barrier3A = arith.constant 0 : index
      tpu.barrier barrier_id(%barrier3A)
      %scan3A_49 = arith.constant 0 : i32
      %scan3A_50 = arith.constant 6 : i32
      %scan3A_51 = arith.addi %scan3A_49, %scan3A_50 : i32
      %scan3A_52 = arith.constant 1 : i32
      scf.for %scan3A_55 = %scan3A_49 to %scan3A_51 step %scan3A_52  : i32 {
        %mul3A_56 = arith.constant 1 : i32
        %mul3A_57 = arith.muli %scan3A_55, %mul3A_56 : i32
        %add3A_58 = arith.constant 0 : i32
        %add3A_59 = arith.addi %add3A_58, %mul3A_57 : i32
        %mul3A_60 = arith.constant 2 : i32
        %mul3A_61 = arith.muli %mul3A_60, %add3A_59 : i32
        %add3A_62 = arith.constant 0 : i32
        %add3A_63 = arith.addi %mul3A_61, %add3A_62 : i32
        %mul3A_64 = arith.constant 96 : i32
        %mul3A_65 = arith.muli %arg1, %mul3A_64 : i32
        %mul3A_66 = arith.constant 8 : i32
        %mul3A_67 = arith.muli %add3A_63, %mul3A_66 : i32
        %add3A_68 = arith.addi %mul3A_65, %mul3A_67 : i32
        %dma_wait3A = arith.constant 0 : i32
        %dma_wait3A_69 = tpu.memref_slice %arg4[%add3A_68, %dma_wait3A] : memref<1536x112xi32, #tpu.memory_space<hbm>> -> memref<8x112xi32, #tpu.memory_space<hbm>>
        %dma_wait3A_70 = arith.constant 0 : i32
        %dma_wait3A_71 = tpu.memref_slice %arg4[%add3A_68, %dma_wait3A_70] : memref<1536x112xi32, #tpu.memory_space<hbm>> -> memref<8x112xi32, #tpu.memory_space<hbm>>
        tpu.wait_dma2 semaphore(%arg17 : memref<!tpu.dma_semaphore, #tpu.memory_space<semaphore_mem>>) src(%dma_wait3A_71 : memref<8x112xi32, #tpu.memory_space<hbm>>) dst(%arg8 : memref<8x112xi32, #tpu.memory_space<vmem>>)
        %mul3A_72 = arith.constant 96 : i32
        %mul3A_73 = arith.muli %arg1, %mul3A_72 : i32
        %mul3A_74 = arith.constant 8 : i32
        %mul3A_75 = arith.muli %add3A_63, %mul3A_74 : i32
        %add3A_76 = arith.addi %mul3A_73, %mul3A_75 : i32
        %dma_wait3A_77 = arith.constant 0 : i32
        %dma_wait3A_78 = tpu.memref_slice %arg5[%add3A_76, %dma_wait3A_77] : memref<1536x112xi32, #tpu.memory_space<hbm>> -> memref<8x112xi32, #tpu.memory_space<hbm>>
        %dma_wait3A_79 = arith.constant 0 : i32
        %dma_wait3A_80 = tpu.memref_slice %arg5[%add3A_76, %dma_wait3A_79] : memref<1536x112xi32, #tpu.memory_space<hbm>> -> memref<8x112xi32, #tpu.memory_space<hbm>>
        tpu.wait_dma2 semaphore(%arg17 : memref<!tpu.dma_semaphore, #tpu.memory_space<semaphore_mem>>) src(%dma_wait3A_80 : memref<8x112xi32, #tpu.memory_space<hbm>>) dst(%arg9 : memref<8x112xi32, #tpu.memory_space<vmem>>)
        %dma_start3A_81 = arith.constant 0 : i32
        %dma_start3A_82 = arith.constant 0 : i32
        %dma_start3A_83 = tpu.memref_slice %arg9[%dma_start3A_81, %dma_start3A_82] : memref<8x112xi32, #tpu.memory_space<vmem>> -> memref<1x112xi32, #tpu.memory_space<vmem>>
        %dma_start3A_84 = tpu.memref_squeeze %dma_start3A_83 : memref<1x112xi32, #tpu.memory_space<vmem>> -> memref<112xi32, #tpu.memory_space<vmem>>
        %dma_start3A_85 = arith.constant 0 : i32
        %dma_start3A_86 = arith.constant 0 : i32
        %dma_start3A_87 = tpu.memref_slice %arg3[%dma_start3A_85, %dma_start3A_86] : memref<10000x128xf32, #tpu.memory_space<hbm>> -> memref<10000x128xf32, #tpu.memory_space<hbm>>
        tpu.enqueue_indirect_dma source(%dma_start3A_87 : memref<10000x128xf32, #tpu.memory_space<hbm>>) target(%arg12 : memref<112x128xf32, #tpu.memory_space<vmem>>) offsets(%dma_start3A_84 : memref<112xi32, #tpu.memory_space<vmem>>) semaphore(%arg15 : memref<!tpu.dma_semaphore, #tpu.memory_space<semaphore_mem>>)
        %scan3A_88 = arith.constant 0 : i32
        %scan3A_89 = arith.constant 3 : i32
        %scan3A_90 = arith.addi %scan3A_88, %scan3A_89 : i32
        %scan3A_91 = arith.constant 1 : i32
        scf.for %scan3A_185 = %scan3A_88 to %scan3A_90 step %scan3A_91  : i32 {
          %mul3A_186 = arith.constant 1 : i32
          %mul3A_187 = arith.muli %scan3A_185, %mul3A_186 : i32
          %add3A_188 = arith.constant 0 : i32
          %add3A_189 = arith.addi %add3A_188, %mul3A_187 : i32
          %mul3A_190 = arith.constant 2 : i32
          %mul3A_191 = arith.muli %mul3A_190, %add3A_189 : i32
          %dma_wait3A_192 = arith.constant 0 : i32
          %dma_wait3A_193 = tpu.memref_slice %arg9[%mul3A_191, %dma_wait3A_192] : memref<8x112xi32, #tpu.memory_space<vmem>> -> memref<1x112xi32, #tpu.memory_space<vmem>>
          %dma_wait3A_194 = tpu.memref_squeeze %dma_wait3A_193 : memref<1x112xi32, #tpu.memory_space<vmem>> -> memref<112xi32, #tpu.memory_space<vmem>>
          %dma_wait3A_195 = arith.constant 0 : i32
          %dma_wait3A_196 = arith.constant 0 : i32
          %dma_wait3A_197 = tpu.memref_slice %arg3[%dma_wait3A_195, %dma_wait3A_196] : memref<10000x128xf32, #tpu.memory_space<hbm>> -> memref<10000x128xf32, #tpu.memory_space<hbm>>
          tpu.wait_indirect_dma semaphore(%arg15 : memref<!tpu.dma_semaphore, #tpu.memory_space<semaphore_mem>>) src(%dma_wait3A_197 : memref<10000x128xf32, #tpu.memory_space<hbm>>) dst(%arg12 : memref<112x128xf32, #tpu.memory_space<vmem>>)
          %add3A_198 = arith.constant 1 : i32
          %add3A_199 = arith.addi %mul3A_191, %add3A_198 : i32
          %dma_start3A_200 = arith.constant 0 : i32
          %dma_start3A_201 = tpu.memref_slice %arg9[%add3A_199, %dma_start3A_200] : memref<8x112xi32, #tpu.memory_space<vmem>> -> memref<1x112xi32, #tpu.memory_space<vmem>>
          %dma_start3A_202 = tpu.memref_squeeze %dma_start3A_201 : memref<1x112xi32, #tpu.memory_space<vmem>> -> memref<112xi32, #tpu.memory_space<vmem>>
          %dma_start3A_203 = arith.constant 0 : i32
          %dma_start3A_204 = arith.constant 0 : i32
          %dma_start3A_205 = tpu.memref_slice %arg3[%dma_start3A_203, %dma_start3A_204] : memref<10000x128xf32, #tpu.memory_space<hbm>> -> memref<10000x128xf32, #tpu.memory_space<hbm>>
          tpu.enqueue_indirect_dma source(%dma_start3A_205 : memref<10000x128xf32, #tpu.memory_space<hbm>>) target(%arg13 : memref<112x128xf32, #tpu.memory_space<vmem>>) offsets(%dma_start3A_202 : memref<112xi32, #tpu.memory_space<vmem>>) semaphore(%arg16 : memref<!tpu.dma_semaphore, #tpu.memory_space<semaphore_mem>>)
          "tpu.region"() ({
            %run_scoped3A_224 = tpu.sem_alloc : memref<!tpu.dma_semaphore, #tpu.memory_space<semaphore_mem>>
            %dma_start3A_225 = arith.constant 0 : i32
            %dma_start3A_226 = tpu.memref_slice %arg8[%mul3A_191, %dma_start3A_225] : memref<8x112xi32, #tpu.memory_space<vmem>> -> memref<1x112xi32, #tpu.memory_space<vmem>>
            %dma_start3A_227 = tpu.memref_squeeze %dma_start3A_226 : memref<1x112xi32, #tpu.memory_space<vmem>> -> memref<112xi32, #tpu.memory_space<vmem>>
            %dma_start3A_228 = arith.constant 0 : i32
            %dma_start3A_229 = arith.constant 0 : i32
            %dma_start3A_230 = tpu.memref_slice %arg14[%dma_start3A_228, %dma_start3A_229] : memref<10112x128xf32, #tpu.memory_space<vmem_shared>> -> memref<10112x128xf32, #tpu.memory_space<vmem_shared>>
            tpu.enqueue_indirect_dma source(%arg12 : memref<112x128xf32, #tpu.memory_space<vmem>>) target(%dma_start3A_230 : memref<10112x128xf32, #tpu.memory_space<vmem_shared>>) offsets(%dma_start3A_227 : memref<112xi32, #tpu.memory_space<vmem>>) semaphore(%run_scoped3A_224 : memref<!tpu.dma_semaphore, #tpu.memory_space<semaphore_mem>>) {add = true}
            %dma_wait3A_231 = arith.constant 0 : i32
            %dma_wait3A_232 = tpu.memref_slice %arg8[%mul3A_191, %dma_wait3A_231] : memref<8x112xi32, #tpu.memory_space<vmem>> -> memref<1x112xi32, #tpu.memory_space<vmem>>
            %dma_wait3A_233 = tpu.memref_squeeze %dma_wait3A_232 : memref<1x112xi32, #tpu.memory_space<vmem>> -> memref<112xi32, #tpu.memory_space<vmem>>
            %dma_wait3A_234 = arith.constant 0 : i32
            %dma_wait3A_235 = arith.constant 0 : i32
            %dma_wait3A_236 = tpu.memref_slice %arg14[%dma_wait3A_234, %dma_wait3A_235] : memref<10112x128xf32, #tpu.memory_space<vmem_shared>> -> memref<10112x128xf32, #tpu.memory_space<vmem_shared>>
            tpu.wait_indirect_dma semaphore(%run_scoped3A_224 : memref<!tpu.dma_semaphore, #tpu.memory_space<semaphore_mem>>) src(%arg12 : memref<112x128xf32, #tpu.memory_space<vmem>>) dst(%dma_wait3A_236 : memref<10112x128xf32, #tpu.memory_space<vmem_shared>>)
            tpu.yield
          }) : () -> ()
          %add3A_206 = arith.constant 1 : i32
          %add3A_207 = arith.addi %mul3A_191, %add3A_206 : i32
          %dma_wait3A_208 = arith.constant 0 : i32
          %dma_wait3A_209 = tpu.memref_slice %arg9[%add3A_207, %dma_wait3A_208] : memref<8x112xi32, #tpu.memory_space<vmem>> -> memref<1x112xi32, #tpu.memory_space<vmem>>
          %dma_wait3A_210 = tpu.memref_squeeze %dma_wait3A_209 : memref<1x112xi32, #tpu.memory_space<vmem>> -> memref<112xi32, #tpu.memory_space<vmem>>
          %dma_wait3A_211 = arith.constant 0 : i32
          %dma_wait3A_212 = arith.constant 0 : i32
          %dma_wait3A_213 = tpu.memref_slice %arg3[%dma_wait3A_211, %dma_wait3A_212] : memref<10000x128xf32, #tpu.memory_space<hbm>> -> memref<10000x128xf32, #tpu.memory_space<hbm>>
          tpu.wait_indirect_dma semaphore(%arg16 : memref<!tpu.dma_semaphore, #tpu.memory_space<semaphore_mem>>) src(%dma_wait3A_213 : memref<10000x128xf32, #tpu.memory_space<hbm>>) dst(%arg13 : memref<112x128xf32, #tpu.memory_space<vmem>>)
          %add3A_214 = arith.constant 2 : i32
          %add3A_215 = arith.addi %mul3A_191, %add3A_214 : i32
          %dma_start3A_216 = arith.constant 0 : i32
          %dma_start3A_217 = tpu.memref_slice %arg9[%add3A_215, %dma_start3A_216] : memref<8x112xi32, #tpu.memory_space<vmem>> -> memref<1x112xi32, #tpu.memory_space<vmem>>
          %dma_start3A_218 = tpu.memref_squeeze %dma_start3A_217 : memref<1x112xi32, #tpu.memory_space<vmem>> -> memref<112xi32, #tpu.memory_space<vmem>>
          %dma_start3A_219 = arith.constant 0 : i32
          %dma_start3A_220 = arith.constant 0 : i32
          %dma_start3A_221 = tpu.memref_slice %arg3[%dma_start3A_219, %dma_start3A_220] : memref<10000x128xf32, #tpu.memory_space<hbm>> -> memref<10000x128xf32, #tpu.memory_space<hbm>>
          tpu.enqueue_indirect_dma source(%dma_start3A_221 : memref<10000x128xf32, #tpu.memory_space<hbm>>) target(%arg12 : memref<112x128xf32, #tpu.memory_space<vmem>>) offsets(%dma_start3A_218 : memref<112xi32, #tpu.memory_space<vmem>>) semaphore(%arg15 : memref<!tpu.dma_semaphore, #tpu.memory_space<semaphore_mem>>)
          %add3A_222 = arith.constant 1 : i32
          %add3A_223 = arith.addi %mul3A_191, %add3A_222 : i32
          "tpu.region"() ({
            %run_scoped3A_224 = tpu.sem_alloc : memref<!tpu.dma_semaphore, #tpu.memory_space<semaphore_mem>>
            %dma_start3A_225 = arith.constant 0 : i32
            %dma_start3A_226 = tpu.memref_slice %arg8[%add3A_223, %dma_start3A_225] : memref<8x112xi32, #tpu.memory_space<vmem>> -> memref<1x112xi32, #tpu.memory_space<vmem>>
            %dma_start3A_227 = tpu.memref_squeeze %dma_start3A_226 : memref<1x112xi32, #tpu.memory_space<vmem>> -> memref<112xi32, #tpu.memory_space<vmem>>
            %dma_start3A_228 = arith.constant 0 : i32
            %dma_start3A_229 = arith.constant 0 : i32
            %dma_start3A_230 = tpu.memref_slice %arg14[%dma_start3A_228, %dma_start3A_229] : memref<10112x128xf32, #tpu.memory_space<vmem_shared>> -> memref<10112x128xf32, #tpu.memory_space<vmem_shared>>
            tpu.enqueue_indirect_dma source(%arg13 : memref<112x128xf32, #tpu.memory_space<vmem>>) target(%dma_start3A_230 : memref<10112x128xf32, #tpu.memory_space<vmem_shared>>) offsets(%dma_start3A_227 : memref<112xi32, #tpu.memory_space<vmem>>) semaphore(%run_scoped3A_224 : memref<!tpu.dma_semaphore, #tpu.memory_space<semaphore_mem>>) {add = true}
            %dma_wait3A_231 = arith.constant 0 : i32
            %dma_wait3A_232 = tpu.memref_slice %arg8[%add3A_223, %dma_wait3A_231] : memref<8x112xi32, #tpu.memory_space<vmem>> -> memref<1x112xi32, #tpu.memory_space<vmem>>
            %dma_wait3A_233 = tpu.memref_squeeze %dma_wait3A_232 : memref<1x112xi32, #tpu.memory_space<vmem>> -> memref<112xi32, #tpu.memory_space<vmem>>
            %dma_wait3A_234 = arith.constant 0 : i32
            %dma_wait3A_235 = arith.constant 0 : i32
            %dma_wait3A_236 = tpu.memref_slice %arg14[%dma_wait3A_234, %dma_wait3A_235] : memref<10112x128xf32, #tpu.memory_space<vmem_shared>> -> memref<10112x128xf32, #tpu.memory_space<vmem_shared>>
            tpu.wait_indirect_dma semaphore(%run_scoped3A_224 : memref<!tpu.dma_semaphore, #tpu.memory_space<semaphore_mem>>) src(%arg13 : memref<112x128xf32, #tpu.memory_space<vmem>>) dst(%dma_wait3A_236 : memref<10112x128xf32, #tpu.memory_space<vmem_shared>>)
            tpu.yield
          }) : () -> ()
        }
        %scan3A_92 = arith.constant 3 : i32
        %dma_wait3A_93 = arith.constant 6 : i32
        %dma_wait3A_94 = arith.constant 0 : i32
        %dma_wait3A_95 = tpu.memref_slice %arg9[%dma_wait3A_93, %dma_wait3A_94] : memref<8x112xi32, #tpu.memory_space<vmem>> -> memref<1x112xi32, #tpu.memory_space<vmem>>
        %dma_wait3A_96 = tpu.memref_squeeze %dma_wait3A_95 : memref<1x112xi32, #tpu.memory_space<vmem>> -> memref<112xi32, #tpu.memory_space<vmem>>
        %dma_wait3A_97 = arith.constant 0 : i32
        %dma_wait3A_98 = arith.constant 0 : i32
        %dma_wait3A_99 = tpu.memref_slice %arg3[%dma_wait3A_97, %dma_wait3A_98] : memref<10000x128xf32, #tpu.memory_space<hbm>> -> memref<10000x128xf32, #tpu.memory_space<hbm>>
        tpu.wait_indirect_dma semaphore(%arg15 : memref<!tpu.dma_semaphore, #tpu.memory_space<semaphore_mem>>) src(%dma_wait3A_99 : memref<10000x128xf32, #tpu.memory_space<hbm>>) dst(%arg12 : memref<112x128xf32, #tpu.memory_space<vmem>>)
        %dma_start3A_100 = arith.constant 7 : i32
        %dma_start3A_101 = arith.constant 0 : i32
        %dma_start3A_102 = tpu.memref_slice %arg9[%dma_start3A_100, %dma_start3A_101] : memref<8x112xi32, #tpu.memory_space<vmem>> -> memref<1x112xi32, #tpu.memory_space<vmem>>
        %dma_start3A_103 = tpu.memref_squeeze %dma_start3A_102 : memref<1x112xi32, #tpu.memory_space<vmem>> -> memref<112xi32, #tpu.memory_space<vmem>>
        %dma_start3A_104 = arith.constant 0 : i32
        %dma_start3A_105 = arith.constant 0 : i32
        %dma_start3A_106 = tpu.memref_slice %arg3[%dma_start3A_104, %dma_start3A_105] : memref<10000x128xf32, #tpu.memory_space<hbm>> -> memref<10000x128xf32, #tpu.memory_space<hbm>>
        tpu.enqueue_indirect_dma source(%dma_start3A_106 : memref<10000x128xf32, #tpu.memory_space<hbm>>) target(%arg13 : memref<112x128xf32, #tpu.memory_space<vmem>>) offsets(%dma_start3A_103 : memref<112xi32, #tpu.memory_space<vmem>>) semaphore(%arg16 : memref<!tpu.dma_semaphore, #tpu.memory_space<semaphore_mem>>)
        %run_scoped3A = arith.constant 6 : i32
        "tpu.region"() ({
          %run_scoped3A_185 = tpu.sem_alloc : memref<!tpu.dma_semaphore, #tpu.memory_space<semaphore_mem>>
          %dma_start3A_186 = arith.constant 0 : i32
          %dma_start3A_187 = tpu.memref_slice %arg8[%run_scoped3A, %dma_start3A_186] : memref<8x112xi32, #tpu.memory_space<vmem>> -> memref<1x112xi32, #tpu.memory_space<vmem>>
          %dma_start3A_188 = tpu.memref_squeeze %dma_start3A_187 : memref<1x112xi32, #tpu.memory_space<vmem>> -> memref<112xi32, #tpu.memory_space<vmem>>
          %dma_start3A_189 = arith.constant 0 : i32
          %dma_start3A_190 = arith.constant 0 : i32
          %dma_start3A_191 = tpu.memref_slice %arg14[%dma_start3A_189, %dma_start3A_190] : memref<10112x128xf32, #tpu.memory_space<vmem_shared>> -> memref<10112x128xf32, #tpu.memory_space<vmem_shared>>
          tpu.enqueue_indirect_dma source(%arg12 : memref<112x128xf32, #tpu.memory_space<vmem>>) target(%dma_start3A_191 : memref<10112x128xf32, #tpu.memory_space<vmem_shared>>) offsets(%dma_start3A_188 : memref<112xi32, #tpu.memory_space<vmem>>) semaphore(%run_scoped3A_185 : memref<!tpu.dma_semaphore, #tpu.memory_space<semaphore_mem>>) {add = true}
          %dma_wait3A_192 = arith.constant 0 : i32
          %dma_wait3A_193 = tpu.memref_slice %arg8[%run_scoped3A, %dma_wait3A_192] : memref<8x112xi32, #tpu.memory_space<vmem>> -> memref<1x112xi32, #tpu.memory_space<vmem>>
          %dma_wait3A_194 = tpu.memref_squeeze %dma_wait3A_193 : memref<1x112xi32, #tpu.memory_space<vmem>> -> memref<112xi32, #tpu.memory_space<vmem>>
          %dma_wait3A_195 = arith.constant 0 : i32
          %dma_wait3A_196 = arith.constant 0 : i32
          %dma_wait3A_197 = tpu.memref_slice %arg14[%dma_wait3A_195, %dma_wait3A_196] : memref<10112x128xf32, #tpu.memory_space<vmem_shared>> -> memref<10112x128xf32, #tpu.memory_space<vmem_shared>>
          tpu.wait_indirect_dma semaphore(%run_scoped3A_185 : memref<!tpu.dma_semaphore, #tpu.memory_space<semaphore_mem>>) src(%arg12 : memref<112x128xf32, #tpu.memory_space<vmem>>) dst(%dma_wait3A_197 : memref<10112x128xf32, #tpu.memory_space<vmem_shared>>)
          tpu.yield
        }) : () -> ()
        %dma_wait3A_107 = arith.constant 7 : i32
        %dma_wait3A_108 = arith.constant 0 : i32
        %dma_wait3A_109 = tpu.memref_slice %arg9[%dma_wait3A_107, %dma_wait3A_108] : memref<8x112xi32, #tpu.memory_space<vmem>> -> memref<1x112xi32, #tpu.memory_space<vmem>>
        %dma_wait3A_110 = tpu.memref_squeeze %dma_wait3A_109 : memref<1x112xi32, #tpu.memory_space<vmem>> -> memref<112xi32, #tpu.memory_space<vmem>>
        %dma_wait3A_111 = arith.constant 0 : i32
        %dma_wait3A_112 = arith.constant 0 : i32
        %dma_wait3A_113 = tpu.memref_slice %arg3[%dma_wait3A_111, %dma_wait3A_112] : memref<10000x128xf32, #tpu.memory_space<hbm>> -> memref<10000x128xf32, #tpu.memory_space<hbm>>
        tpu.wait_indirect_dma semaphore(%arg16 : memref<!tpu.dma_semaphore, #tpu.memory_space<semaphore_mem>>) src(%dma_wait3A_113 : memref<10000x128xf32, #tpu.memory_space<hbm>>) dst(%arg13 : memref<112x128xf32, #tpu.memory_space<vmem>>)
        %run_scoped3A_114 = arith.constant 7 : i32
        "tpu.region"() ({
          %run_scoped3A_185 = tpu.sem_alloc : memref<!tpu.dma_semaphore, #tpu.memory_space<semaphore_mem>>
          %dma_start3A_186 = arith.constant 0 : i32
          %dma_start3A_187 = tpu.memref_slice %arg8[%run_scoped3A_114, %dma_start3A_186] : memref<8x112xi32, #tpu.memory_space<vmem>> -> memref<1x112xi32, #tpu.memory_space<vmem>>
          %dma_start3A_188 = tpu.memref_squeeze %dma_start3A_187 : memref<1x112xi32, #tpu.memory_space<vmem>> -> memref<112xi32, #tpu.memory_space<vmem>>
          %dma_start3A_189 = arith.constant 0 : i32
          %dma_start3A_190 = arith.constant 0 : i32
          %dma_start3A_191 = tpu.memref_slice %arg14[%dma_start3A_189, %dma_start3A_190] : memref<10112x128xf32, #tpu.memory_space<vmem_shared>> -> memref<10112x128xf32, #tpu.memory_space<vmem_shared>>
          tpu.enqueue_indirect_dma source(%arg13 : memref<112x128xf32, #tpu.memory_space<vmem>>) target(%dma_start3A_191 : memref<10112x128xf32, #tpu.memory_space<vmem_shared>>) offsets(%dma_start3A_188 : memref<112xi32, #tpu.memory_space<vmem>>) semaphore(%run_scoped3A_185 : memref<!tpu.dma_semaphore, #tpu.memory_space<semaphore_mem>>) {add = true}
          %dma_wait3A_192 = arith.constant 0 : i32
          %dma_wait3A_193 = tpu.memref_slice %arg8[%run_scoped3A_114, %dma_wait3A_192] : memref<8x112xi32, #tpu.memory_space<vmem>> -> memref<1x112xi32, #tpu.memory_space<vmem>>
          %dma_wait3A_194 = tpu.memref_squeeze %dma_wait3A_193 : memref<1x112xi32, #tpu.memory_space<vmem>> -> memref<112xi32, #tpu.memory_space<vmem>>
          %dma_wait3A_195 = arith.constant 0 : i32
          %dma_wait3A_196 = arith.constant 0 : i32
          %dma_wait3A_197 = tpu.memref_slice %arg14[%dma_wait3A_195, %dma_wait3A_196] : memref<10112x128xf32, #tpu.memory_space<vmem_shared>> -> memref<10112x128xf32, #tpu.memory_space<vmem_shared>>
          tpu.wait_indirect_dma semaphore(%run_scoped3A_185 : memref<!tpu.dma_semaphore, #tpu.memory_space<semaphore_mem>>) src(%arg13 : memref<112x128xf32, #tpu.memory_space<vmem>>) dst(%dma_wait3A_197 : memref<10112x128xf32, #tpu.memory_space<vmem_shared>>)
          tpu.yield
        }) : () -> ()
        %add3A_115 = arith.constant 2 : i32
        %add3A_116 = arith.addi %add3A_63, %add3A_115 : i32
        %lt3A = arith.constant 12 : i32
        %lt3A_117 = arith.cmpi slt, %add3A_116, %lt3A : i32
        %convert_element_type3A_118 = arith.extui %lt3A_117 : i1 to i32
        %cond3A_119 = arith.constant 0 : i32
        %cond3A_120 = arith.cmpi ne, %convert_element_type3A_118, %cond3A_119 : i32
        scf.if %cond3A_120 {
          %add3A_185 = arith.constant 2 : i32
          %add3A_186 = arith.addi %add3A_63, %add3A_185 : i32
          %mul3A_187 = arith.constant 96 : i32
          %mul3A_188 = arith.muli %arg1, %mul3A_187 : i32
          %mul3A_189 = arith.constant 8 : i32
          %mul3A_190 = arith.muli %add3A_186, %mul3A_189 : i32
          %add3A_191 = arith.addi %mul3A_188, %mul3A_190 : i32
          %dma_start3A_192 = arith.constant 0 : i32
          %dma_start3A_193 = tpu.memref_slice %arg4[%add3A_191, %dma_start3A_192] : memref<1536x112xi32, #tpu.memory_space<hbm>> -> memref<8x112xi32, #tpu.memory_space<hbm>>
          %dma_start3A_194 = arith.constant 0 : i32
          %dma_start3A_195 = tpu.memref_slice %arg4[%add3A_191, %dma_start3A_194] : memref<1536x112xi32, #tpu.memory_space<hbm>> -> memref<8x112xi32, #tpu.memory_space<hbm>>
          tpu.enqueue_dma source(%dma_start3A_195 : memref<8x112xi32, #tpu.memory_space<hbm>>) target(%arg8 : memref<8x112xi32, #tpu.memory_space<vmem>>) target_semaphore(%arg17 : memref<!tpu.dma_semaphore, #tpu.memory_space<semaphore_mem>>)
          %mul3A_196 = arith.constant 96 : i32
          %mul3A_197 = arith.muli %arg1, %mul3A_196 : i32
          %mul3A_198 = arith.constant 8 : i32
          %mul3A_199 = arith.muli %add3A_186, %mul3A_198 : i32
          %add3A_200 = arith.addi %mul3A_197, %mul3A_199 : i32
          %dma_start3A_201 = arith.constant 0 : i32
          %dma_start3A_202 = tpu.memref_slice %arg5[%add3A_200, %dma_start3A_201] : memref<1536x112xi32, #tpu.memory_space<hbm>> -> memref<8x112xi32, #tpu.memory_space<hbm>>
          %dma_start3A_203 = arith.constant 0 : i32
          %dma_start3A_204 = tpu.memref_slice %arg5[%add3A_200, %dma_start3A_203] : memref<1536x112xi32, #tpu.memory_space<hbm>> -> memref<8x112xi32, #tpu.memory_space<hbm>>
          tpu.enqueue_dma source(%dma_start3A_204 : memref<8x112xi32, #tpu.memory_space<hbm>>) target(%arg9 : memref<8x112xi32, #tpu.memory_space<vmem>>) target_semaphore(%arg17 : memref<!tpu.dma_semaphore, #tpu.memory_space<semaphore_mem>>)
        } else {
        }
        %mul3A_121 = arith.constant 2 : i32
        %mul3A_122 = arith.muli %mul3A_121, %add3A_59 : i32
        %add3A_123 = arith.constant 1 : i32
        %add3A_124 = arith.addi %mul3A_122, %add3A_123 : i32
        %mul3A_125 = arith.constant 96 : i32
        %mul3A_126 = arith.muli %arg1, %mul3A_125 : i32
        %mul3A_127 = arith.constant 8 : i32
        %mul3A_128 = arith.muli %add3A_124, %mul3A_127 : i32
        %add3A_129 = arith.addi %mul3A_126, %mul3A_128 : i32
        %dma_wait3A_130 = arith.constant 0 : i32
        %dma_wait3A_131 = tpu.memref_slice %arg4[%add3A_129, %dma_wait3A_130] : memref<1536x112xi32, #tpu.memory_space<hbm>> -> memref<8x112xi32, #tpu.memory_space<hbm>>
        %dma_wait3A_132 = arith.constant 0 : i32
        %dma_wait3A_133 = tpu.memref_slice %arg4[%add3A_129, %dma_wait3A_132] : memref<1536x112xi32, #tpu.memory_space<hbm>> -> memref<8x112xi32, #tpu.memory_space<hbm>>
        tpu.wait_dma2 semaphore(%arg18 : memref<!tpu.dma_semaphore, #tpu.memory_space<semaphore_mem>>) src(%dma_wait3A_133 : memref<8x112xi32, #tpu.memory_space<hbm>>) dst(%arg10 : memref<8x112xi32, #tpu.memory_space<vmem>>)
        %mul3A_134 = arith.constant 96 : i32
        %mul3A_135 = arith.muli %arg1, %mul3A_134 : i32
        %mul3A_136 = arith.constant 8 : i32
        %mul3A_137 = arith.muli %add3A_124, %mul3A_136 : i32
        %add3A_138 = arith.addi %mul3A_135, %mul3A_137 : i32
        %dma_wait3A_139 = arith.constant 0 : i32
        %dma_wait3A_140 = tpu.memref_slice %arg5[%add3A_138, %dma_wait3A_139] : memref<1536x112xi32, #tpu.memory_space<hbm>> -> memref<8x112xi32, #tpu.memory_space<hbm>>
        %dma_wait3A_141 = arith.constant 0 : i32
        %dma_wait3A_142 = tpu.memref_slice %arg5[%add3A_138, %dma_wait3A_141] : memref<1536x112xi32, #tpu.memory_space<hbm>> -> memref<8x112xi32, #tpu.memory_space<hbm>>
        tpu.wait_dma2 semaphore(%arg18 : memref<!tpu.dma_semaphore, #tpu.memory_space<semaphore_mem>>) src(%dma_wait3A_142 : memref<8x112xi32, #tpu.memory_space<hbm>>) dst(%arg11 : memref<8x112xi32, #tpu.memory_space<vmem>>)
        %dma_start3A_143 = arith.constant 0 : i32
        %dma_start3A_144 = arith.constant 0 : i32
        %dma_start3A_145 = tpu.memref_slice %arg11[%dma_start3A_143, %dma_start3A_144] : memref<8x112xi32, #tpu.memory_space<vmem>> -> memref<1x112xi32, #tpu.memory_space<vmem>>
        %dma_start3A_146 = tpu.memref_squeeze %dma_start3A_145 : memref<1x112xi32, #tpu.memory_space<vmem>> -> memref<112xi32, #tpu.memory_space<vmem>>
        %dma_start3A_147 = arith.constant 0 : i32
        %dma_start3A_148 = arith.constant 0 : i32
        %dma_start3A_149 = tpu.memref_slice %arg3[%dma_start3A_147, %dma_start3A_148] : memref<10000x128xf32, #tpu.memory_space<hbm>> -> memref<10000x128xf32, #tpu.memory_space<hbm>>
        tpu.enqueue_indirect_dma source(%dma_start3A_149 : memref<10000x128xf32, #tpu.memory_space<hbm>>) target(%arg12 : memref<112x128xf32, #tpu.memory_space<vmem>>) offsets(%dma_start3A_146 : memref<112xi32, #tpu.memory_space<vmem>>) semaphore(%arg15 : memref<!tpu.dma_semaphore, #tpu.memory_space<semaphore_mem>>)
        %scan3A_150 = arith.constant 0 : i32
        %scan3A_151 = arith.constant 3 : i32
        %scan3A_152 = arith.addi %scan3A_150, %scan3A_151 : i32
        %scan3A_153 = arith.constant 1 : i32
        scf.for %scan3A_185 = %scan3A_150 to %scan3A_152 step %scan3A_153  : i32 {
          %mul3A_186 = arith.constant 1 : i32
          %mul3A_187 = arith.muli %scan3A_185, %mul3A_186 : i32
          %add3A_188 = arith.constant 0 : i32
          %add3A_189 = arith.addi %add3A_188, %mul3A_187 : i32
          %mul3A_190 = arith.constant 2 : i32
          %mul3A_191 = arith.muli %mul3A_190, %add3A_189 : i32
          %dma_wait3A_192 = arith.constant 0 : i32
          %dma_wait3A_193 = tpu.memref_slice %arg11[%mul3A_191, %dma_wait3A_192] : memref<8x112xi32, #tpu.memory_space<vmem>> -> memref<1x112xi32, #tpu.memory_space<vmem>>
          %dma_wait3A_194 = tpu.memref_squeeze %dma_wait3A_193 : memref<1x112xi32, #tpu.memory_space<vmem>> -> memref<112xi32, #tpu.memory_space<vmem>>
          %dma_wait3A_195 = arith.constant 0 : i32
          %dma_wait3A_196 = arith.constant 0 : i32
          %dma_wait3A_197 = tpu.memref_slice %arg3[%dma_wait3A_195, %dma_wait3A_196] : memref<10000x128xf32, #tpu.memory_space<hbm>> -> memref<10000x128xf32, #tpu.memory_space<hbm>>
          tpu.wait_indirect_dma semaphore(%arg15 : memref<!tpu.dma_semaphore, #tpu.memory_space<semaphore_mem>>) src(%dma_wait3A_197 : memref<10000x128xf32, #tpu.memory_space<hbm>>) dst(%arg12 : memref<112x128xf32, #tpu.memory_space<vmem>>)
          %add3A_198 = arith.constant 1 : i32
          %add3A_199 = arith.addi %mul3A_191, %add3A_198 : i32
          %dma_start3A_200 = arith.constant 0 : i32
          %dma_start3A_201 = tpu.memref_slice %arg11[%add3A_199, %dma_start3A_200] : memref<8x112xi32, #tpu.memory_space<vmem>> -> memref<1x112xi32, #tpu.memory_space<vmem>>
          %dma_start3A_202 = tpu.memref_squeeze %dma_start3A_201 : memref<1x112xi32, #tpu.memory_space<vmem>> -> memref<112xi32, #tpu.memory_space<vmem>>
          %dma_start3A_203 = arith.constant 0 : i32
          %dma_start3A_204 = arith.constant 0 : i32
          %dma_start3A_205 = tpu.memref_slice %arg3[%dma_start3A_203, %dma_start3A_204] : memref<10000x128xf32, #tpu.memory_space<hbm>> -> memref<10000x128xf32, #tpu.memory_space<hbm>>
          tpu.enqueue_indirect_dma source(%dma_start3A_205 : memref<10000x128xf32, #tpu.memory_space<hbm>>) target(%arg13 : memref<112x128xf32, #tpu.memory_space<vmem>>) offsets(%dma_start3A_202 : memref<112xi32, #tpu.memory_space<vmem>>) semaphore(%arg16 : memref<!tpu.dma_semaphore, #tpu.memory_space<semaphore_mem>>)
          "tpu.region"() ({
            %run_scoped3A_224 = tpu.sem_alloc : memref<!tpu.dma_semaphore, #tpu.memory_space<semaphore_mem>>
            %dma_start3A_225 = arith.constant 0 : i32
            %dma_start3A_226 = tpu.memref_slice %arg10[%mul3A_191, %dma_start3A_225] : memref<8x112xi32, #tpu.memory_space<vmem>> -> memref<1x112xi32, #tpu.memory_space<vmem>>
            %dma_start3A_227 = tpu.memref_squeeze %dma_start3A_226 : memref<1x112xi32, #tpu.memory_space<vmem>> -> memref<112xi32, #tpu.memory_space<vmem>>
            %dma_start3A_228 = arith.constant 0 : i32
            %dma_start3A_229 = arith.constant 0 : i32
            %dma_start3A_230 = tpu.memref_slice %arg14[%dma_start3A_228, %dma_start3A_229] : memref<10112x128xf32, #tpu.memory_space<vmem_shared>> -> memref<10112x128xf32, #tpu.memory_space<vmem_shared>>
            tpu.enqueue_indirect_dma source(%arg12 : memref<112x128xf32, #tpu.memory_space<vmem>>) target(%dma_start3A_230 : memref<10112x128xf32, #tpu.memory_space<vmem_shared>>) offsets(%dma_start3A_227 : memref<112xi32, #tpu.memory_space<vmem>>) semaphore(%run_scoped3A_224 : memref<!tpu.dma_semaphore, #tpu.memory_space<semaphore_mem>>) {add = true}
            %dma_wait3A_231 = arith.constant 0 : i32
            %dma_wait3A_232 = tpu.memref_slice %arg10[%mul3A_191, %dma_wait3A_231] : memref<8x112xi32, #tpu.memory_space<vmem>> -> memref<1x112xi32, #tpu.memory_space<vmem>>
            %dma_wait3A_233 = tpu.memref_squeeze %dma_wait3A_232 : memref<1x112xi32, #tpu.memory_space<vmem>> -> memref<112xi32, #tpu.memory_space<vmem>>
            %dma_wait3A_234 = arith.constant 0 : i32
            %dma_wait3A_235 = arith.constant 0 : i32
            %dma_wait3A_236 = tpu.memref_slice %arg14[%dma_wait3A_234, %dma_wait3A_235] : memref<10112x128xf32, #tpu.memory_space<vmem_shared>> -> memref<10112x128xf32, #tpu.memory_space<vmem_shared>>
            tpu.wait_indirect_dma semaphore(%run_scoped3A_224 : memref<!tpu.dma_semaphore, #tpu.memory_space<semaphore_mem>>) src(%arg12 : memref<112x128xf32, #tpu.memory_space<vmem>>) dst(%dma_wait3A_236 : memref<10112x128xf32, #tpu.memory_space<vmem_shared>>)
            tpu.yield
          }) : () -> ()
          %add3A_206 = arith.constant 1 : i32
          %add3A_207 = arith.addi %mul3A_191, %add3A_206 : i32
          %dma_wait3A_208 = arith.constant 0 : i32
          %dma_wait3A_209 = tpu.memref_slice %arg11[%add3A_207, %dma_wait3A_208] : memref<8x112xi32, #tpu.memory_space<vmem>> -> memref<1x112xi32, #tpu.memory_space<vmem>>
          %dma_wait3A_210 = tpu.memref_squeeze %dma_wait3A_209 : memref<1x112xi32, #tpu.memory_space<vmem>> -> memref<112xi32, #tpu.memory_space<vmem>>
          %dma_wait3A_211 = arith.constant 0 : i32
          %dma_wait3A_212 = arith.constant 0 : i32
          %dma_wait3A_213 = tpu.memref_slice %arg3[%dma_wait3A_211, %dma_wait3A_212] : memref<10000x128xf32, #tpu.memory_space<hbm>> -> memref<10000x128xf32, #tpu.memory_space<hbm>>
          tpu.wait_indirect_dma semaphore(%arg16 : memref<!tpu.dma_semaphore, #tpu.memory_space<semaphore_mem>>) src(%dma_wait3A_213 : memref<10000x128xf32, #tpu.memory_space<hbm>>) dst(%arg13 : memref<112x128xf32, #tpu.memory_space<vmem>>)
          %add3A_214 = arith.constant 2 : i32
          %add3A_215 = arith.addi %mul3A_191, %add3A_214 : i32
          %dma_start3A_216 = arith.constant 0 : i32
          %dma_start3A_217 = tpu.memref_slice %arg11[%add3A_215, %dma_start3A_216] : memref<8x112xi32, #tpu.memory_space<vmem>> -> memref<1x112xi32, #tpu.memory_space<vmem>>
          %dma_start3A_218 = tpu.memref_squeeze %dma_start3A_217 : memref<1x112xi32, #tpu.memory_space<vmem>> -> memref<112xi32, #tpu.memory_space<vmem>>
          %dma_start3A_219 = arith.constant 0 : i32
          %dma_start3A_220 = arith.constant 0 : i32
          %dma_start3A_221 = tpu.memref_slice %arg3[%dma_start3A_219, %dma_start3A_220] : memref<10000x128xf32, #tpu.memory_space<hbm>> -> memref<10000x128xf32, #tpu.memory_space<hbm>>
          tpu.enqueue_indirect_dma source(%dma_start3A_221 : memref<10000x128xf32, #tpu.memory_space<hbm>>) target(%arg12 : memref<112x128xf32, #tpu.memory_space<vmem>>) offsets(%dma_start3A_218 : memref<112xi32, #tpu.memory_space<vmem>>) semaphore(%arg15 : memref<!tpu.dma_semaphore, #tpu.memory_space<semaphore_mem>>)
          %add3A_222 = arith.constant 1 : i32
          %add3A_223 = arith.addi %mul3A_191, %add3A_222 : i32
          "tpu.region"() ({
            %run_scoped3A_224 = tpu.sem_alloc : memref<!tpu.dma_semaphore, #tpu.memory_space<semaphore_mem>>
            %dma_start3A_225 = arith.constant 0 : i32
            %dma_start3A_226 = tpu.memref_slice %arg10[%add3A_223, %dma_start3A_225] : memref<8x112xi32, #tpu.memory_space<vmem>> -> memref<1x112xi32, #tpu.memory_space<vmem>>
            %dma_start3A_227 = tpu.memref_squeeze %dma_start3A_226 : memref<1x112xi32, #tpu.memory_space<vmem>> -> memref<112xi32, #tpu.memory_space<vmem>>
            %dma_start3A_228 = arith.constant 0 : i32
            %dma_start3A_229 = arith.constant 0 : i32
            %dma_start3A_230 = tpu.memref_slice %arg14[%dma_start3A_228, %dma_start3A_229] : memref<10112x128xf32, #tpu.memory_space<vmem_shared>> -> memref<10112x128xf32, #tpu.memory_space<vmem_shared>>
            tpu.enqueue_indirect_dma source(%arg13 : memref<112x128xf32, #tpu.memory_space<vmem>>) target(%dma_start3A_230 : memref<10112x128xf32, #tpu.memory_space<vmem_shared>>) offsets(%dma_start3A_227 : memref<112xi32, #tpu.memory_space<vmem>>) semaphore(%run_scoped3A_224 : memref<!tpu.dma_semaphore, #tpu.memory_space<semaphore_mem>>) {add = true}
            %dma_wait3A_231 = arith.constant 0 : i32
            %dma_wait3A_232 = tpu.memref_slice %arg10[%add3A_223, %dma_wait3A_231] : memref<8x112xi32, #tpu.memory_space<vmem>> -> memref<1x112xi32, #tpu.memory_space<vmem>>
            %dma_wait3A_233 = tpu.memref_squeeze %dma_wait3A_232 : memref<1x112xi32, #tpu.memory_space<vmem>> -> memref<112xi32, #tpu.memory_space<vmem>>
            %dma_wait3A_234 = arith.constant 0 : i32
            %dma_wait3A_235 = arith.constant 0 : i32
            %dma_wait3A_236 = tpu.memref_slice %arg14[%dma_wait3A_234, %dma_wait3A_235] : memref<10112x128xf32, #tpu.memory_space<vmem_shared>> -> memref<10112x128xf32, #tpu.memory_space<vmem_shared>>
            tpu.wait_indirect_dma semaphore(%run_scoped3A_224 : memref<!tpu.dma_semaphore, #tpu.memory_space<semaphore_mem>>) src(%arg13 : memref<112x128xf32, #tpu.memory_space<vmem>>) dst(%dma_wait3A_236 : memref<10112x128xf32, #tpu.memory_space<vmem_shared>>)
            tpu.yield
          }) : () -> ()
        }
        %scan3A_154 = arith.constant 3 : i32
        %dma_wait3A_155 = arith.constant 6 : i32
        %dma_wait3A_156 = arith.constant 0 : i32
        %dma_wait3A_157 = tpu.memref_slice %arg11[%dma_wait3A_155, %dma_wait3A_156] : memref<8x112xi32, #tpu.memory_space<vmem>> -> memref<1x112xi32, #tpu.memory_space<vmem>>
        %dma_wait3A_158 = tpu.memref_squeeze %dma_wait3A_157 : memref<1x112xi32, #tpu.memory_space<vmem>> -> memref<112xi32, #tpu.memory_space<vmem>>
        %dma_wait3A_159 = arith.constant 0 : i32
        %dma_wait3A_160 = arith.constant 0 : i32
        %dma_wait3A_161 = tpu.memref_slice %arg3[%dma_wait3A_159, %dma_wait3A_160] : memref<10000x128xf32, #tpu.memory_space<hbm>> -> memref<10000x128xf32, #tpu.memory_space<hbm>>
        tpu.wait_indirect_dma semaphore(%arg15 : memref<!tpu.dma_semaphore, #tpu.memory_space<semaphore_mem>>) src(%dma_wait3A_161 : memref<10000x128xf32, #tpu.memory_space<hbm>>) dst(%arg12 : memref<112x128xf32, #tpu.memory_space<vmem>>)
        %dma_start3A_162 = arith.constant 7 : i32
        %dma_start3A_163 = arith.constant 0 : i32
        %dma_start3A_164 = tpu.memref_slice %arg11[%dma_start3A_162, %dma_start3A_163] : memref<8x112xi32, #tpu.memory_space<vmem>> -> memref<1x112xi32, #tpu.memory_space<vmem>>
        %dma_start3A_165 = tpu.memref_squeeze %dma_start3A_164 : memref<1x112xi32, #tpu.memory_space<vmem>> -> memref<112xi32, #tpu.memory_space<vmem>>
        %dma_start3A_166 = arith.constant 0 : i32
        %dma_start3A_167 = arith.constant 0 : i32
        %dma_start3A_168 = tpu.memref_slice %arg3[%dma_start3A_166, %dma_start3A_167] : memref<10000x128xf32, #tpu.memory_space<hbm>> -> memref<10000x128xf32, #tpu.memory_space<hbm>>
        tpu.enqueue_indirect_dma source(%dma_start3A_168 : memref<10000x128xf32, #tpu.memory_space<hbm>>) target(%arg13 : memref<112x128xf32, #tpu.memory_space<vmem>>) offsets(%dma_start3A_165 : memref<112xi32, #tpu.memory_space<vmem>>) semaphore(%arg16 : memref<!tpu.dma_semaphore, #tpu.memory_space<semaphore_mem>>)
        %run_scoped3A_169 = arith.constant 6 : i32
        "tpu.region"() ({
          %run_scoped3A_185 = tpu.sem_alloc : memref<!tpu.dma_semaphore, #tpu.memory_space<semaphore_mem>>
          %dma_start3A_186 = arith.constant 0 : i32
          %dma_start3A_187 = tpu.memref_slice %arg10[%run_scoped3A_169, %dma_start3A_186] : memref<8x112xi32, #tpu.memory_space<vmem>> -> memref<1x112xi32, #tpu.memory_space<vmem>>
          %dma_start3A_188 = tpu.memref_squeeze %dma_start3A_187 : memref<1x112xi32, #tpu.memory_space<vmem>> -> memref<112xi32, #tpu.memory_space<vmem>>
          %dma_start3A_189 = arith.constant 0 : i32
          %dma_start3A_190 = arith.constant 0 : i32
          %dma_start3A_191 = tpu.memref_slice %arg14[%dma_start3A_189, %dma_start3A_190] : memref<10112x128xf32, #tpu.memory_space<vmem_shared>> -> memref<10112x128xf32, #tpu.memory_space<vmem_shared>>
          tpu.enqueue_indirect_dma source(%arg12 : memref<112x128xf32, #tpu.memory_space<vmem>>) target(%dma_start3A_191 : memref<10112x128xf32, #tpu.memory_space<vmem_shared>>) offsets(%dma_start3A_188 : memref<112xi32, #tpu.memory_space<vmem>>) semaphore(%run_scoped3A_185 : memref<!tpu.dma_semaphore, #tpu.memory_space<semaphore_mem>>) {add = true}
          %dma_wait3A_192 = arith.constant 0 : i32
          %dma_wait3A_193 = tpu.memref_slice %arg10[%run_scoped3A_169, %dma_wait3A_192] : memref<8x112xi32, #tpu.memory_space<vmem>> -> memref<1x112xi32, #tpu.memory_space<vmem>>
          %dma_wait3A_194 = tpu.memref_squeeze %dma_wait3A_193 : memref<1x112xi32, #tpu.memory_space<vmem>> -> memref<112xi32, #tpu.memory_space<vmem>>
          %dma_wait3A_195 = arith.constant 0 : i32
          %dma_wait3A_196 = arith.constant 0 : i32
          %dma_wait3A_197 = tpu.memref_slice %arg14[%dma_wait3A_195, %dma_wait3A_196] : memref<10112x128xf32, #tpu.memory_space<vmem_shared>> -> memref<10112x128xf32, #tpu.memory_space<vmem_shared>>
          tpu.wait_indirect_dma semaphore(%run_scoped3A_185 : memref<!tpu.dma_semaphore, #tpu.memory_space<semaphore_mem>>) src(%arg12 : memref<112x128xf32, #tpu.memory_space<vmem>>) dst(%dma_wait3A_197 : memref<10112x128xf32, #tpu.memory_space<vmem_shared>>)
          tpu.yield
        }) : () -> ()
        %dma_wait3A_170 = arith.constant 7 : i32
        %dma_wait3A_171 = arith.constant 0 : i32
        %dma_wait3A_172 = tpu.memref_slice %arg11[%dma_wait3A_170, %dma_wait3A_171] : memref<8x112xi32, #tpu.memory_space<vmem>> -> memref<1x112xi32, #tpu.memory_space<vmem>>
        %dma_wait3A_173 = tpu.memref_squeeze %dma_wait3A_172 : memref<1x112xi32, #tpu.memory_space<vmem>> -> memref<112xi32, #tpu.memory_space<vmem>>
        %dma_wait3A_174 = arith.constant 0 : i32
        %dma_wait3A_175 = arith.constant 0 : i32
        %dma_wait3A_176 = tpu.memref_slice %arg3[%dma_wait3A_174, %dma_wait3A_175] : memref<10000x128xf32, #tpu.memory_space<hbm>> -> memref<10000x128xf32, #tpu.memory_space<hbm>>
        tpu.wait_indirect_dma semaphore(%arg16 : memref<!tpu.dma_semaphore, #tpu.memory_space<semaphore_mem>>) src(%dma_wait3A_176 : memref<10000x128xf32, #tpu.memory_space<hbm>>) dst(%arg13 : memref<112x128xf32, #tpu.memory_space<vmem>>)
        %run_scoped3A_177 = arith.constant 7 : i32
        "tpu.region"() ({
          %run_scoped3A_185 = tpu.sem_alloc : memref<!tpu.dma_semaphore, #tpu.memory_space<semaphore_mem>>
          %dma_start3A_186 = arith.constant 0 : i32
          %dma_start3A_187 = tpu.memref_slice %arg10[%run_scoped3A_177, %dma_start3A_186] : memref<8x112xi32, #tpu.memory_space<vmem>> -> memref<1x112xi32, #tpu.memory_space<vmem>>
          %dma_start3A_188 = tpu.memref_squeeze %dma_start3A_187 : memref<1x112xi32, #tpu.memory_space<vmem>> -> memref<112xi32, #tpu.memory_space<vmem>>
          %dma_start3A_189 = arith.constant 0 : i32
          %dma_start3A_190 = arith.constant 0 : i32
          %dma_start3A_191 = tpu.memref_slice %arg14[%dma_start3A_189, %dma_start3A_190] : memref<10112x128xf32, #tpu.memory_space<vmem_shared>> -> memref<10112x128xf32, #tpu.memory_space<vmem_shared>>
          tpu.enqueue_indirect_dma source(%arg13 : memref<112x128xf32, #tpu.memory_space<vmem>>) target(%dma_start3A_191 : memref<10112x128xf32, #tpu.memory_space<vmem_shared>>) offsets(%dma_start3A_188 : memref<112xi32, #tpu.memory_space<vmem>>) semaphore(%run_scoped3A_185 : memref<!tpu.dma_semaphore, #tpu.memory_space<semaphore_mem>>) {add = true}
          %dma_wait3A_192 = arith.constant 0 : i32
          %dma_wait3A_193 = tpu.memref_slice %arg10[%run_scoped3A_177, %dma_wait3A_192] : memref<8x112xi32, #tpu.memory_space<vmem>> -> memref<1x112xi32, #tpu.memory_space<vmem>>
          %dma_wait3A_194 = tpu.memref_squeeze %dma_wait3A_193 : memref<1x112xi32, #tpu.memory_space<vmem>> -> memref<112xi32, #tpu.memory_space<vmem>>
          %dma_wait3A_195 = arith.constant 0 : i32
          %dma_wait3A_196 = arith.constant 0 : i32
          %dma_wait3A_197 = tpu.memref_slice %arg14[%dma_wait3A_195, %dma_wait3A_196] : memref<10112x128xf32, #tpu.memory_space<vmem_shared>> -> memref<10112x128xf32, #tpu.memory_space<vmem_shared>>
          tpu.wait_indirect_dma semaphore(%run_scoped3A_185 : memref<!tpu.dma_semaphore, #tpu.memory_space<semaphore_mem>>) src(%arg13 : memref<112x128xf32, #tpu.memory_space<vmem>>) dst(%dma_wait3A_197 : memref<10112x128xf32, #tpu.memory_space<vmem_shared>>)
          tpu.yield
        }) : () -> ()
        %add3A_178 = arith.constant 2 : i32
        %add3A_179 = arith.addi %add3A_124, %add3A_178 : i32
        %lt3A_180 = arith.constant 12 : i32
        %lt3A_181 = arith.cmpi slt, %add3A_179, %lt3A_180 : i32
        %convert_element_type3A_182 = arith.extui %lt3A_181 : i1 to i32
        %cond3A_183 = arith.constant 0 : i32
        %cond3A_184 = arith.cmpi ne, %convert_element_type3A_182, %cond3A_183 : i32
        scf.if %cond3A_184 {
          %add3A_185 = arith.constant 2 : i32
          %add3A_186 = arith.addi %add3A_124, %add3A_185 : i32
          %mul3A_187 = arith.constant 96 : i32
          %mul3A_188 = arith.muli %arg1, %mul3A_187 : i32
          %mul3A_189 = arith.constant 8 : i32
          %mul3A_190 = arith.muli %add3A_186, %mul3A_189 : i32
          %add3A_191 = arith.addi %mul3A_188, %mul3A_190 : i32
          %dma_start3A_192 = arith.constant 0 : i32
          %dma_start3A_193 = tpu.memref_slice %arg4[%add3A_191, %dma_start3A_192] : memref<1536x112xi32, #tpu.memory_space<hbm>> -> memref<8x112xi32, #tpu.memory_space<hbm>>
          %dma_start3A_194 = arith.constant 0 : i32
          %dma_start3A_195 = tpu.memref_slice %arg4[%add3A_191, %dma_start3A_194] : memref<1536x112xi32, #tpu.memory_space<hbm>> -> memref<8x112xi32, #tpu.memory_space<hbm>>
          tpu.enqueue_dma source(%dma_start3A_195 : memref<8x112xi32, #tpu.memory_space<hbm>>) target(%arg10 : memref<8x112xi32, #tpu.memory_space<vmem>>) target_semaphore(%arg18 : memref<!tpu.dma_semaphore, #tpu.memory_space<semaphore_mem>>)
          %mul3A_196 = arith.constant 96 : i32
          %mul3A_197 = arith.muli %arg1, %mul3A_196 : i32
          %mul3A_198 = arith.constant 8 : i32
          %mul3A_199 = arith.muli %add3A_186, %mul3A_198 : i32
          %add3A_200 = arith.addi %mul3A_197, %mul3A_199 : i32
          %dma_start3A_201 = arith.constant 0 : i32
          %dma_start3A_202 = tpu.memref_slice %arg5[%add3A_200, %dma_start3A_201] : memref<1536x112xi32, #tpu.memory_space<hbm>> -> memref<8x112xi32, #tpu.memory_space<hbm>>
          %dma_start3A_203 = arith.constant 0 : i32
          %dma_start3A_204 = tpu.memref_slice %arg5[%add3A_200, %dma_start3A_203] : memref<1536x112xi32, #tpu.memory_space<hbm>> -> memref<8x112xi32, #tpu.memory_space<hbm>>
          tpu.enqueue_dma source(%dma_start3A_204 : memref<8x112xi32, #tpu.memory_space<hbm>>) target(%arg11 : memref<8x112xi32, #tpu.memory_space<vmem>>) target_semaphore(%arg18 : memref<!tpu.dma_semaphore, #tpu.memory_space<semaphore_mem>>)
        } else {
        }
      }
      %scan3A_53 = arith.constant 6 : i32
      %barrier3A_54 = arith.constant 0 : index
      tpu.barrier barrier_id(%barrier3A_54)
      "tpu.region"() ({
        %run_scoped3A = tpu.sem_alloc : memref<!tpu.dma_semaphore, #tpu.memory_space<semaphore_mem>>
        %dma_start3A_55 = arith.constant 0 : i32
        %dma_start3A_56 = tpu.memref_slice %arg7[%mul3A_0, %dma_start3A_55] : memref<10112x128xf32, #tpu.memory_space<hbm>> -> memref<632x128xf32, #tpu.memory_space<hbm>>
        %dma_start3A_57 = arith.constant 0 : i32
        %dma_start3A_58 = tpu.memref_slice %arg14[%mul3A_0, %dma_start3A_57] : memref<10112x128xf32, #tpu.memory_space<vmem_shared>> -> memref<632x128xf32, #tpu.memory_space<vmem_shared>>
        tpu.enqueue_dma source(%dma_start3A_58 : memref<632x128xf32, #tpu.memory_space<vmem_shared>>) target(%dma_start3A_56 : memref<632x128xf32, #tpu.memory_space<hbm>>) target_semaphore(%run_scoped3A : memref<!tpu.dma_semaphore, #tpu.memory_space<semaphore_mem>>)
        %dma_wait3A = arith.constant 0 : i32
        %dma_wait3A_59 = tpu.memref_slice %arg7[%mul3A_0, %dma_wait3A] : memref<10112x128xf32, #tpu.memory_space<hbm>> -> memref<632x128xf32, #tpu.memory_space<hbm>>
        %dma_wait3A_60 = arith.constant 0 : i32
        %dma_wait3A_61 = tpu.memref_slice %arg14[%mul3A_0, %dma_wait3A_60] : memref<10112x128xf32, #tpu.memory_space<vmem_shared>> -> memref<632x128xf32, #tpu.memory_space<vmem_shared>>
        tpu.wait_dma2 semaphore(%run_scoped3A : memref<!tpu.dma_semaphore, #tpu.memory_space<semaphore_mem>>) src(%dma_wait3A_61 : memref<632x128xf32, #tpu.memory_space<vmem_shared>>) dst(%dma_wait3A_59 : memref<632x128xf32, #tpu.memory_space<hbm>>)
        tpu.yield
      }) : () -> ()
    } else {
    }
    return
  }
}

module attributes {stable_mosaic.version = 14 : i64} {
  func.func @proj_body(%arg0: i32, %arg1: memref<1000x16xf32, #tpu.memory_space<vmem>>, %arg2: memref<1000x16xf32, #tpu.memory_space<vmem>>, %arg3: memref<1000x256xf32, #tpu.memory_space<vmem>>, %arg4: memref<256x256xf32, #tpu.memory_space<vmem>>, %arg5: memref<1000x128xf32, #tpu.memory_space<vmem>>, %arg6: memref<1000x128xf32, #tpu.memory_space<vmem>>) attributes {dimension_semantics = [#tpu.dimension_semantics<arbitrary>], iteration_bounds = array<i64: 10>, scalar_prefetch = 0 : i64, scratch_operands = 0 : i64, tpu.core_type = #tpu.core_type<tc>, window_params = [{transform_indices = @transform_0, window_bounds = array<i64: 1000, 16>}, {transform_indices = @transform_1, window_bounds = array<i64: 1000, 16>}, {transform_indices = @transform_2, window_bounds = array<i64: 1000, 256>}, {pipeline_mode = #tpu.pipeline_mode<synchronous>, transform_indices = @transform_3, window_bounds = array<i64: 256, 256>}, {transform_indices = @transform_4, window_bounds = array<i64: 1000, 128>}, {transform_indices = @transform_5, window_bounds = array<i64: 1000, 128>}]} {
    %get3A = arith.constant 0 : index
    %get3A_0 = arith.constant 0 : index
    %get3A_1 = vector.load %arg1[%get3A, %get3A_0] : memref<1000x16xf32, #tpu.memory_space<vmem>>, vector<1000x1xf32>
    %get3A_2 = arith.constant 0 : index
    %get3A_3 = arith.constant 0 : index
    %get3A_4 = vector.load %arg2[%get3A_2, %get3A_3] : memref<1000x16xf32, #tpu.memory_space<vmem>>, vector<1000x1xf32>
    %add3A = arith.addf %get3A_1, %get3A_4 : vector<1000x1xf32>
    %rsqrt3A = math.rsqrt %add3A : vector<1000x1xf32>
    %get3A_5 = arith.constant 0 : index
    %get3A_6 = arith.constant 0 : index
    %get3A_7 = vector.load %arg3[%get3A_5, %get3A_6] : memref<1000x256xf32, #tpu.memory_space<vmem>>, vector<1000x256xf32>
    %get3A_8 = arith.constant 0 : index
    %get3A_9 = arith.constant 0 : index
    %get3A_10 = vector.load %arg4[%get3A_8, %get3A_9] : memref<256x256xf32, #tpu.memory_space<vmem>>, vector<256x256xf32>
    %dot_general3A = arith.constant dense<0.000000e+00> : vector<1000x256xf32>
    %dot_general3A_11 = tpu.matmul %get3A_7, %get3A_10, %dot_general3A {dimension_numbers = #tpu.dot_dimension_numbers<[1], [0], [0], [1], [0, 0, 1, 1], [], []>, transpose_lhs_hint = false} : vector<1000x256xf32>, vector<256x256xf32>, vector<1000x256xf32> -> vector<1000x256xf32>
    %mul3A = vector.broadcast %rsqrt3A : vector<1000x1xf32> to vector<1000x256xf32>
    %mul3A_12 = arith.mulf %dot_general3A_11, %mul3A : vector<1000x256xf32>
    %slice3A = vector.extract_strided_slice %mul3A_12 {offsets = [0, 0], sizes = [1000, 128], strides = [1, 1]} : vector<1000x256xf32> to vector<1000x128xf32>
    %swap3A = arith.constant 0 : index
    %swap3A_13 = arith.constant 0 : index
    %swap3A_14 = vector.load %arg5[%swap3A, %swap3A_13] : memref<1000x128xf32, #tpu.memory_space<vmem>>, vector<1000x128xf32>
    tpu.vector_store %arg5[%swap3A, %swap3A_13], %slice3A {strides = array<i32>} : memref<1000x128xf32, #tpu.memory_space<vmem>>, vector<1000x128xf32>,
    %slice3A_15 = vector.extract_strided_slice %mul3A_12 {offsets = [0, 128], sizes = [1000, 128], strides = [1, 1]} : vector<1000x256xf32> to vector<1000x128xf32>
    %swap3A_16 = arith.constant 0 : index
    %swap3A_17 = arith.constant 0 : index
    %swap3A_18 = vector.load %arg6[%swap3A_16, %swap3A_17] : memref<1000x128xf32, #tpu.memory_space<vmem>>, vector<1000x128xf32>
    tpu.vector_store %arg6[%swap3A_16, %swap3A_17], %slice3A_15 {strides = array<i32>} : memref<1000x128xf32, #tpu.memory_space<vmem>>, vector<1000x128xf32>,
    return
  }
  func.func @transform_0(%arg0: i32) -> (i32, i32) {
    %c0_i32 = arith.constant 0 : i32
    %c0_i32_0 = arith.constant 0 : i32
    return %arg0, %c0_i32 : i32, i32
  }
  func.func @transform_1(%arg0: i32) -> (i32, i32) {
    %c0_i32 = arith.constant 0 : i32
    %c0_i32_0 = arith.constant 0 : i32
    return %arg0, %c0_i32 : i32, i32
  }
  func.func @transform_2(%arg0: i32) -> (i32, i32) {
    %c0_i32 = arith.constant 0 : i32
    %c0_i32_0 = arith.constant 0 : i32
    return %arg0, %c0_i32 : i32, i32
  }
  func.func @transform_3(%arg0: i32) -> (i32, i32) {
    %c0_i32 = arith.constant 0 : i32
    %c0_i32_0 = arith.constant 0 : i32
    %c0_i32_1 = arith.constant 0 : i32
    return %c0_i32, %c0_i32_0 : i32, i32
  }
  func.func @transform_4(%arg0: i32) -> (i32, i32) {
    %c0_i32 = arith.constant 0 : i32
    %c0_i32_0 = arith.constant 0 : i32
    return %arg0, %c0_i32 : i32, i32
  }
  func.func @transform_5(%arg0: i32) -> (i32, i32) {
    %c0_i32 = arith.constant 0 : i32
    %c0_i32_0 = arith.constant 0 : i32
    return %arg0, %c0_i32 : i32, i32
  }
}

module attributes {stable_mosaic.version = 14 : i64} {
  func.func @final_body(%arg0: i32, %arg1: memref<1000x16xf32, #tpu.memory_space<vmem>>, %arg2: memref<1000x16xf32, #tpu.memory_space<vmem>>, %arg3: memref<1000x128xf32, #tpu.memory_space<vmem>>, %arg4: memref<1000x128xf32, #tpu.memory_space<vmem>>, %arg5: memref<1000x256xf32, #tpu.memory_space<vmem>>) attributes {dimension_semantics = [#tpu.dimension_semantics<arbitrary>], iteration_bounds = array<i64: 10>, scalar_prefetch = 0 : i64, scratch_operands = 0 : i64, tpu.core_type = #tpu.core_type<tc>, window_params = [{transform_indices = @transform_0, window_bounds = array<i64: 1000, 16>}, {transform_indices = @transform_1, window_bounds = array<i64: 1000, 16>}, {transform_indices = @transform_2, window_bounds = array<i64: 1000, 128>}, {transform_indices = @transform_3, window_bounds = array<i64: 1000, 128>}, {transform_indices = @transform_4, window_bounds = array<i64: 1000, 256>}]} {
    %get3A = arith.constant 0 : index
    %get3A_0 = arith.constant 0 : index
    %get3A_1 = vector.load %arg1[%get3A, %get3A_0] : memref<1000x16xf32, #tpu.memory_space<vmem>>, vector<1000x1xf32>
    %get3A_2 = arith.constant 0 : index
    %get3A_3 = arith.constant 0 : index
    %get3A_4 = vector.load %arg2[%get3A_2, %get3A_3] : memref<1000x16xf32, #tpu.memory_space<vmem>>, vector<1000x1xf32>
    %add3A = arith.addf %get3A_1, %get3A_4 : vector<1000x1xf32>
    %rsqrt3A = math.rsqrt %add3A : vector<1000x1xf32>
    %get3A_5 = arith.constant 0 : index
    %get3A_6 = arith.constant 0 : index
    %get3A_7 = vector.load %arg3[%get3A_5, %get3A_6] : memref<1000x128xf32, #tpu.memory_space<vmem>>, vector<1000x128xf32>
    %mul3A = vector.broadcast %rsqrt3A : vector<1000x1xf32> to vector<1000x128xf32>
    %mul3A_8 = arith.mulf %get3A_7, %mul3A : vector<1000x128xf32>
    %get3A_9 = arith.constant 0 : index
    %get3A_10 = arith.constant 0 : index
    %get3A_11 = vector.load %arg4[%get3A_9, %get3A_10] : memref<1000x128xf32, #tpu.memory_space<vmem>>, vector<1000x128xf32>
    %mul3A_12 = vector.broadcast %rsqrt3A : vector<1000x1xf32> to vector<1000x128xf32>
    %mul3A_13 = arith.mulf %get3A_11, %mul3A_12 : vector<1000x128xf32>
    %concatenate3A = tpu.concatenate %mul3A_8, %mul3A_13 in 1 : vector<1000x128xf32>, vector<1000x128xf32> -> vector<1000x256xf32>
    %swap3A = arith.constant 0 : index
    %swap3A_14 = arith.constant 0 : index
    %swap3A_15 = vector.load %arg5[%swap3A, %swap3A_14] : memref<1000x256xf32, #tpu.memory_space<vmem>>, vector<1000x256xf32>
    tpu.vector_store %arg5[%swap3A, %swap3A_14], %concatenate3A {strides = array<i32>} : memref<1000x256xf32, #tpu.memory_space<vmem>>, vector<1000x256xf32>,
    return
  }
  func.func @transform_0(%arg0: i32) -> (i32, i32) {
    %c0_i32 = arith.constant 0 : i32
    %c0_i32_0 = arith.constant 0 : i32
    return %arg0, %c0_i32 : i32, i32
  }
  func.func @transform_1(%arg0: i32) -> (i32, i32) {
    %c0_i32 = arith.constant 0 : i32
    %c0_i32_0 = arith.constant 0 : i32
    return %arg0, %c0_i32 : i32, i32
  }
  func.func @transform_2(%arg0: i32) -> (i32, i32) {
    %c0_i32 = arith.constant 0 : i32
    %c0_i32_0 = arith.constant 0 : i32
    return %arg0, %c0_i32 : i32, i32
  }
  func.func @transform_3(%arg0: i32) -> (i32, i32) {
    %c0_i32 = arith.constant 0 : i32
    %c0_i32_0 = arith.constant 0 : i32
    return %arg0, %c0_i32 : i32, i32
  }
  func.func @transform_4(%arg0: i32) -> (i32, i32) {
    %c0_i32 = arith.constant 0 : i32
    %c0_i32_0 = arith.constant 0 : i32
    return %arg0, %c0_i32 : i32, i32
  }
}

</mosaic_0001>

<sc_bundles>
// kernel: kernel.6.cloned.1.call-start
scs
__scs_entry_jumppad:
0x0: {  	(pc) =	sbr.rel $0x88, $3  }
0x1: {  	(tag) =	ssettag $0x0;
	lr =	simm.s32 $0x1  }
0x2: {  	[smem:$0x3F9E] =	sst lr;
	_ =	strace $0xD0000000  }
0x3: {  	_ = 	snop  }
0x4: {  	_ = 	snop  }
0x5: {  	_ = 	snop  }
0x6: {  	_ = 	snop  }
0x7: {  	_ = 	snop  }
__scs_overlays_trampoline_lowered:
0x8: {  	[smem:$0x3FAD] =	sst s0  }
0x9: {  	[smem:$0x3FAE] =	sst s1  }
0xa: {  	[smem:$0x3FAF] =	sst s2  }
0xb: {  	[smem:$0x3FB0] =	sst s3  }
0xc: {  	[smem:$0x3FB1] =	sst s4  }
0xd: {  	[smem:$0x3FB2] =	sst s5  }
0xe: {  	[smem:$0x3FB3] =	sst s6  }
0xf: {  	[smem:$0x3FB4] =	sst s7  }
0x10: {  	[smem:$0x3FB5] =	sst s8  }
0x11: {  	[smem:$0x3FB6] =	sst s9;
	s0 =	simm.s32 @!p0 $0x0  }
0x12: {  	s1 =	sld [smem:$0x3F9C];
	s0 =	simm.s32 @p0 $0x1  }
0x13: {  	[smem:$0x3FB7] =	sst s0;
	s0 =	simm.s32 @!p1 $0x0  }
0x14: {  	s2 =	sld [smem:$0x3F9B];
	s0 =	simm.s32 @p1 $0x1  }
0x15: {  	[smem:$0x3FB8] =	sst s0;
	s0 =	simm.s32 @!p2 $0x0  }
0x16: {  	s3 =	sld [smem:$0x3FDB];
	s0 =	simm.s32 @p2 $0x1  }
0x17: {  	s4 =	simm.s32 $0x1BF5;
	[smem:$0x3FBA] =	sst s0  }
0x18: {  	s0 =	sld [smem:$0x3F9D];
	_ =	swait.ge [sflag:s4], $0x0  }
0x19: {  	s7 =	sld [smem:$0x3F9E]  }
0x1a: {  	s8 =	sadd.s32 $0xFFFFE003, lr  }
0x1b: {  	s9 =	sadd.s32 $0xFFFFFEF7, lr;
	s5 =	simm.s32 $0xFFFFFFFF;
	p2 =	slt.u32 s8, $0xFFFFF086  }
0x1c: {  	p1 =	slt.u32 s9, $0xF7A;
	s5 =	simm.s32 @!p2 $0x0  }
0x1d: {  	s5 =	simm.s32 @p1 $0x1;
	p0 =	seq.s32 s7, s2  }
0x1e: {  	s7 =	smul.u32 @!p0 $0xF7A, s2;
	p2 =	seq.s32 @!p0 s5, $0x0  }
0x1f: {  	s9 =	smul.u32 $0xF7A, s1;
	s8 =	simm.s32 @!p0 $0x1BF5;
	p2 =	por !p2, p0  }
0x20: {  	[sflag:s8] =	ssyncset.s32 @!p0 $0xFFFFF086;
	s6 =	sadd.s32 @!p0 s3, s7;
	s7 =	simm.s32 @!p0 $0x108  }
0x21: {  	s3 =	sadd.s32 s3, s9;
	s6 =	sadd.s32 @!p0 $0x88, s6;
	s7 =	simm.s32 @p2 $0x1082  }
0x22: {  	[simem:s7], [sflag:s8] =	dma.local @!p0 [hbm:s6], $0xF7A  }
0x23: {  	s9 =	sor.u32 $0xD0000000, s2;
	s6 =	simm.s32 $0x108;
	_ =	swait.ge @!p0 [sflag:s8], $0x0  }
0x24: {  	s3 =	sadd.s32 $0x88, s3;
	s6 =	simm.s32 @!p1 $0x1082;
	[sflag:s4] =	ssyncset.s32 $0xFFFFF086  }
0x25: {  	[simem:s6], [sflag:s4] =	dma.local [hbm:s3], $0xF7A  }
0x26: {  	[smem:$0x3F9E] =	sst s1;
	(tag) =	ssettag s2;
	_ =	strace s9  }
0x27: {  	s1 =	sld [smem:$0x3FAE]  }
0x28: {  	s2 =	sld [smem:$0x3FAF]  }
0x29: {  	s4 =	sld [smem:$0x3FB1]  }
0x2a: {  	p0 =	seq.s32 s5, $0x0;
	s5 =	sld [smem:$0x3FB2]  }
0x2b: {  	s6 =	sld [smem:$0x3FB3]  }
0x2c: {  	s7 =	sld [smem:$0x3FB4]  }
0x2d: {  	s3 =	simm.s32 $0x108;
	s8 =	sld [smem:$0x3FB5]  }
0x2e: {  	s3 =	simm.s32 @!p0 $0x1082;
	s9 =	sld [smem:$0x3FB6]  }
0x2f: {  	lr =	sadd.s32 s0, s3;
	s0 =	sld [smem:$0x3FAD]  }
0x30: {  	s3 =	sld [smem:$0x3FB0]  }
0x31: {  	[smem:$0x3FB9] =	sst s10  }
0x32: {  	s10 =	sld [smem:$0x3FB7];
	_ =	sdelay $0x3  }
0x33: {  	p0 =	seq.s32 s10, $0x1;
	s10 =	sld [smem:$0x3FB9];
	_ =	sdelay $0x3  }
0x34: {  	[smem:$0x3FB9] =	sst s10  }
0x35: {  	s10 =	sld [smem:$0x3FB8];
	_ =	sdelay $0x3  }
0x36: {  	p1 =	seq.s32 s10, $0x1;
	s10 =	sld [smem:$0x3FB9];
	_ =	sdelay $0x3  }
0x37: {  	[smem:$0x3FB9] =	sst s10  }
0x38: {  	s10 =	sld [smem:$0x3FBA]  }
0x39: {  	_ = 	snop;
	(pc) =	sbr.ind lr, $3  }
0x3a: {  	_ = 	snop  }
0x3b: {  	_ = 	snop  }
0x3c: {  	p2 =	seq.s32 s10, $0x1;
	s10 =	sld [smem:$0x3FB9]  }
0x3d: {  	_ =	shalt  }
0x3e: {  	_ =	shalt  }
0x3f: {  	_ =	shalt  }
0x40: {  	_ =	shalt  }
0x41: {  	_ =	shalt  }
0x42: {  	_ =	shalt  }
0x43: {  	_ =	shalt  }
0x44: {  	_ =	shalt  }
0x45: {  	_ =	shalt  }
0x46: {  	_ =	shalt  }
0x47: {  	_ =	shalt  }
0x48: {  	_ =	shalt  }
0x49: {  	_ =	shalt  }
0x4a: {  	_ =	shalt  }
0x4b: {  	_ =	shalt  }
0x4c: {  	_ =	shalt  }
0x4d: {  	_ =	shalt  }
0x4e: {  	_ =	shalt  }
0x4f: {  	_ =	shalt  }
0x50: {  	_ =	shalt  }
0x51: {  	_ =	shalt  }
0x52: {  	_ =	shalt  }
0x53: {  	_ =	shalt  }
0x54: {  	_ =	shalt  }
0x55: {  	_ =	shalt  }
0x56: {  	_ =	shalt  }
0x57: {  	_ =	shalt  }
0x58: {  	_ =	shalt  }
0x59: {  	_ =	shalt  }
0x5a: {  	_ =	shalt  }
0x5b: {  	_ =	shalt  }
0x5c: {  	_ =	shalt  }
0x5d: {  	_ =	shalt  }
0x5e: {  	_ =	shalt  }
0x5f: {  	_ =	shalt  }
0x60: {  	_ =	shalt  }
0x61: {  	_ =	shalt  }
0x62: {  	_ =	shalt  }
0x63: {  	_ =	shalt  }
0x64: {  	_ =	shalt  }
0x65: {  	_ =	shalt  }
0x66: {  	_ =	shalt  }
0x67: {  	_ =	shalt  }
0x68: {  	_ =	shalt  }
0x69: {  	_ =	shalt  }
0x6a: {  	_ =	shalt  }
0x6b: {  	_ =	shalt  }
0x6c: {  	_ =	shalt  }
0x6d: {  	_ =	shalt  }
0x6e: {  	_ =	shalt  }
0x6f: {  	_ =	shalt  }
0x70: {  	_ =	shalt  }
0x71: {  	_ =	shalt  }
0x72: {  	_ =	shalt  }
0x73: {  	_ =	shalt  }
0x74: {  	_ =	shalt  }
0x75: {  	_ =	shalt  }
0x76: {  	_ =	shalt  }
0x77: {  	_ =	shalt  }
0x78: {  	_ =	shalt  }
0x79: {  	_ =	shalt  }
0x7a: {  	_ =	shalt  }
0x7b: {  	_ =	shalt  }
0x7c: {  	_ =	shalt  }
0x7d: {  	_ =	shalt  }
0x7e: {  	_ =	shalt  }
0x7f: {  	_ =	shalt  }
0x80: {  	_ =	shalt  }
0x81: {  	_ =	shalt  }
0x82: {  	_ =	shalt  }
0x83: {  	_ =	shalt  }
0x84: {  	_ =	shalt  }
0x85: {  	_ =	shalt  }
0x86: {  	_ =	shalt  }
0x87: {  	_ =	shalt  }
.Lfunc_end0:
.L_simem_size_0:
called_computation_lowered:
.L_overlay_start_0:
0x88: {  	s2 =	sld [smem:$0x3FD9]  }
0x89: {  	s3 =	sld [smem:$0x3FFE];
	_ =	sdelay $0x1  }
0x8a: {  	s1 =	srdreg.scid  }
0x8b: {  	s0 =	sand.u32 $0x1, s1  }
0x8c: {  	s17 =	sshll.u32 s0, $0xA;
	s2 =	sadd.s32 s3, s2  }
0x8d: {  	s2 =	sadd.s32 s2, s17  }
0x8e: {  	[smem:$0x3FC5] =	sst s2  }
0x8f: {  	_ = 	snop  }
0x90: {  	s2 =	sld [smem:$0x3FD0];
	(tm) =	ssettm $0x1  }
0x91: {  	s18 =	sld [smem:$0x3FFB];
	_ =	sdelay $0x3  }
0x92: {  	_ =	strace s18  }
0x93: {  	s3 =	sld [smem:$0x3FFC];
	_ =	sdelay $0x3  }
0x94: {  	_ =	strace s3  }
0x95: {  	s3 =	sld [smem:$0x3FFD];
	_ =	sdelay $0x3  }
0x96: {  	_ =	strace s3  }
0x97: {  	_ =	strace $0x8FFFFFFF  }
0x98: {  	s19 =	sld [smem:$0x3FDB];
	_ =	sdelay $0x1  }
0x99: {  	s4 =	simm.s32 $_scs_section_size  }
0x9a: {  	s5 =	simm.s32 $_size__tile_overlayer_lowered;
	s6 =	simm.s32 $_tile_overlayer_lowered  }
0x9b: {  	s22 =	simm.s32 $0x1BFF;
	s21 =	sshll.u32 s6, $0x1;
	s3 =	sadd.s32 s4, s19  }
0x9c: {  	s7 =	simm.s32 $0x0;
	s20 =	sshll.u32 s5, $0x1;
	s5 =	sadd.s32 s21, s3  }
0x9d: {  	[timem:s7], [sflag:s22] =	dma.local [hbm:s5], s20  }
0x9e: {  	_ =	swait.ge [sflag:s22], s20  }
0x9f: {  	s4 =	ssub.s32 $0x0, s20;
	[sflag:s22] =	ssyncset.done $0x0  }
0xa0: {  	[sflag:s22] =	ssyncadd.s32 s4;
	_ =	sdelay $0x1  }
0xa1: {  	s23 =	simm.s32 $0x1B8B  }
0xa2: {  	_ =	swait.ge [sflag:s23], $0x1  }
0xa3: {  	[sflag:s23] =	ssyncset.done $0x0  }
0xa4: {  	s25 =	simm.s32 $0x1B8E;
	s24 =	sld [smem:$0x3FFE];
	[sflag:s23] =	ssyncadd.s32 $0xFFFFFFFF  }
0xa5: {  	s26 =	simm.s32 $execute0_lowered;
	[smem:$0x3FD2] =	sst s25  }
0xa6: {  	s5 =	sshll.u32 s26, $0x1;
	_ =	strace $0x80000046;
	[dreg:$0x1] =	wrdreg $0xFFFFFFFF  }
0xa7: {  	s28 =	simm.s32 $_size_execute0_lowered;
	s3 =	sadd.s32 s3, s5;
	[dreg:$0x0] =	wrdreg $0x0  }
0xa8: {  	s5 =	sshll.u32 s28, $0x1;
	[dreg:$0x2] =	wrdreg s3  }
0xa9: {  	[dreg:$0x3] =	wrdreg s5  }
0xaa: {  	[dreg:$0x4] =	wrdreg $0xC0  }
0xab: {  	_ =	task [dreg:s7], $0x5FFFF  }
0xac: {  	[dreg:$0x1] =	wrdreg $0xFFFFFFFF  }
0xad: {  	[dreg:$0x0] =	wrdreg $0x60  }
0xae: {  	[dreg:$0x2] =	wrdreg s24  }
0xaf: {  	[dreg:$0x3] =	wrdreg s2  }
0xb0: {  	[dreg:$0x4] =	wrdreg $0x88000  }
0xb1: {  	[dreg:$0x5] =	wrdreg $0x9  }
0xb2: {  	_ =	task.clear_ibuf [dreg:s7], $0x6FFFF;
	_ =	strace $0x90000046  }
0xb3: {  	s29 =	simm.s32 $0x9;
	_ =	strace $0x80000048  }
0xb4: {  	_ =	swait.ge [sflag:s29], $0x1  }
0xb5: {  	[sflag:s29] =	ssyncadd.s32 $0xFFFFFFFF  }
0xb6: {  	_ =	strace $0x90000048  }
0xb7: {  	_ =	sfence  }
0xb8: {  	s30 =	sld [smem:$0x0];
	_ =	sdelay $0x2  }
0xb9: {  	s31 =	sshll.u32 s1, $0xD;
	s1 =	sshrl.u32 s1, $0x2  }
0xba: {  	s3 =	sand.u32 $0x4000, s31;
	s1 =	sadd.s32 s1, s30  }
0xbb: {  	s0 =	sor.u32 s3, s0;
	s1 =	sshll.u32 s1, $0x11  }
0xbc: {  	s0 =	sor.u32 s1, s0  }
0xbd: {  	s0 =	sadd.s32 $0x8F2B, s0  }
0xbe: {  	[sflag:s0] =	ssyncadd.remote.s32 $0x1  }
0xbf: {  	_ =	sfence.sel $0xFFFF  }
0xc0: {  	[dreg:$0x0] =	wrdreg $0xFFFFFFFF;
	(pc) =	sbr.abs _section_cstart, $3  }
0xc1: {  	[dreg:$0x1] =	wrdreg $0xFFFFFFFF  }
0xc2: {  	_ =	task.clear_ibuf [dreg:s7], $0x2FFFF;
	_ =	strace $0x9FFFFFFF  }
0xc3: {  	(tm) =	ssettm $0x7FFFFFFF  }
tec
execute0_lowered:
.L_overlay_start_1:
0x0: {  	(tag) =	ssettag $0x1  }
0x1: {  	s4 =	rddreg [dreg:$0x0]  }
0x2: {  	s0 =	srdreg.scid;
	s12 =	rddreg [dreg:$0x1]  }
0x3: {  	s2 =	rddreg [dreg:$0x2];
	s3 =	simm.s32 $0x0;
	s14 =	simm.s32 $0x1  }
0x4: {  	s15 =	simm.s32 $0x70;
	s16 =	simm.s32 $0x1800;
	s7 =	sand.u32 $0x1, s0  }
0x5: {  	s0 =	stileid.u32;
	[smem:$0x7FF] =	sst s3;
	s11 =	sadd.s32 $0x7A00, s4  }
0x6: {  	s1 =	sshll.u32 s7, $0x4;
	s6 =	smul.u32 $0x4F000, s0;
	s8 =	ssub.s32 $0x2, s7  }
0x7: {  	p0 =	seq.s32 s7, $0x1;
	s13 =	smul.u32 $0x2780, s0;
	s17 =	sshll.u32 s0, $0x6  }
0x8: {  	s5 =	sor.u32 s0, s1;
	s1 =	rddreg [dreg:$0x3];
	_ =	strace $0x80000047  }
0x9: {  	s31 =	sshrl.u32 s8, $0x1;
	s12 =	smov.u32 @p0 s11;
	s5 =	smul.u32 $0x300, s5  }
0xa: {  	s17 =	sor.u32 $0x1C01, s17;
	s6 =	sshrl.u32 s6, $0x2;
	s8 =	ssub.s32 s8, s31  }
0xb: {  	s12 =	sadd.s32 s12, s13;
	s9 =	sadd.s32 s5, s4;
	s4 =	sadd.s32 s6, s2  }
0xc: {  	s13 =	simm.s32 $0x5000;
	s7 =	smax.u32 s8, $0x1;
	s5 =	sadd.s32 $0x11800, s4  }
0xd: {  	s6 =	sadd.s32 $0x1A00, s9;
	s8 =	sadd.s32 $0x3800, s4;
	s9 =	sadd.s32 $0x7000, s4  }
0xe: {  	v0 =	vimm.f32 $1.000000000e+00;
	v1 =	vimm.f32 $0.0e+00;
	s10 =	sadd.s32 $0xA800, s4;
	s11 =	sadd.s32 $0xE000, s4;
	s18 =	sshrl.u32 s4, $0x3  }
.LBB2_1:
0xf: {  	s19 =	simm.s32 $0x200;
	s20 =	simm.s32 $0x0  }
.LBB2_2:
0x10: {  	p0 =	sne.s32 s19, $0xDE00;
	[tilespmem:s20+$0x1800] =	vst v0;
	s21 =	smov.u32 s19;
	s19 =	sadd.s32 $0x200, s19  }
.Ltmp0:
0x11: {  	[tilespmem:s20+$0x5000] =	vst v1;
	(pc) =	sbr.rel @p0 .LBB2_2-.Ltmp0, $2  }
0x12: {  	_ =	sdelay $0x2  }
0x13: {  	s20 =	sshra.s32 s21, $0x2  }
0x14: {  	[tilespmem:s20+$0x1800] =	vst v0  }
0x15: {  	[tilespmem:s20+$0x5000] =	vst v1  }
0x16: {  	[spmem:s4] =	stream.linear.scatter [tilespmem:s13], [sflag:$0x1], $0x3800, $0x38;
	[tilespmem:$0xAF80] =	vst v63  }
0x17: {  	_ =	swait.ge [sflag:s14], $0x3800  }
0x18: {  	[sflag:s14] =	ssyncset.done $0x0  }
0x19: {  	[sflag:s14] =	ssyncadd.s32 $0xFFFFC800  }
0x1a: {  	[spmem:s8] =	stream.linear.scatter [tilespmem:s13], [sflag:$0x1], $0x3800, $0x38;
	[tilespmem:$0xAF80] =	vst v63  }
0x1b: {  	_ =	swait.ge [sflag:s14], $0x3800  }
0x1c: {  	[sflag:s14] =	ssyncset.done $0x0  }
0x1d: {  	[sflag:s14] =	ssyncadd.s32 $0xFFFFC800  }
0x1e: {  	[spmem:s9] =	stream.linear.scatter [tilespmem:s13], [sflag:$0x1], $0x3800, $0x38;
	[tilespmem:$0xAF80] =	vst v63  }
0x1f: {  	_ =	swait.ge [sflag:s14], $0x3800  }
0x20: {  	[sflag:s14] =	ssyncset.done $0x0  }
0x21: {  	[sflag:s14] =	ssyncadd.s32 $0xFFFFC800  }
0x22: {  	[spmem:s10] =	stream.linear.scatter [tilespmem:s13], [sflag:$0x1], $0x3800, $0x38;
	[tilespmem:$0xAF80] =	vst v63  }
0x23: {  	_ =	swait.ge [sflag:s14], $0x3800  }
0x24: {  	[sflag:s14] =	ssyncset.done $0x0  }
0x25: {  	[sflag:s14] =	ssyncadd.s32 $0xFFFFC800  }
0x26: {  	[spmem:s11] =	stream.linear.scatter [tilespmem:s13], [sflag:$0x1], $0x3800, $0x38;
	[tilespmem:$0xAF80] =	vst v63  }
0x27: {  	_ =	swait.ge [sflag:s14], $0x3800  }
0x28: {  	[sflag:s14] =	ssyncset.done $0x0  }
0x29: {  	[sflag:s14] =	ssyncadd.s32 $0xFFFFC800  }
0x2a: {  	[spmem:s5] =	stream.linear.scatter [tilespmem:s13], [sflag:$0x1], $0x2400, $0x38;
	[tilespmem:$0xAF80] =	vst v63  }
0x2b: {  	_ =	swait.ge [sflag:s14], $0x2400  }
0x2c: {  	[sflag:s14] =	ssyncset.done $0x0  }
0x2d: {  	s19 =	simm.s32 $0x0;
	[sflag:s14] =	ssyncadd.s32 $0xFFFFDC00  }
0x2e: {  	[tilespmem:s19], [sflag:$0x1] =	stream.linear.gather [hbm4b:s6+s19], $0x1800, $0x38;
	[tilespmem:$0xAF80] =	vst v63  }
0x2f: {  	_ =	swait.ge [sflag:s14], $0x1800  }
0x30: {  	[sflag:s14] =	ssyncset.done $0x0  }
0x31: {  	[sflag:s14] =	ssyncadd.s32 $0xFFFFE800  }
0x32: {  	s31 =	simm.s32 $0x0;
	[bflag:$0x0] =	sbarrier.arrive $0xFFFF  }
0x33: {  	[spmem:s2] =	stream.indirect.scatter.add.f32 [tilespmem:s16], [sflag:$0x1], $0x10, s31, s15, $0xb8;
	[tilespmem:$0xAF80] =	vst v63  }
0x34: {  	_ =	swait.ge [sflag:s14], $0x700  }
0x35: {  	s19 =	simm.s32 $0x200;
	[sflag:s14] =	ssyncset.done $0x0  }
.LBB2_4:
0x36: {  	s20 =	sshra.s32 s19, $0x2;
	[sflag:s14] =	ssyncadd.s32 $0xFFFFF900;
	p0 =	sne.s32 s19, $0x5E00  }
0x37: {  	[spmem:s2] =	stream.indirect.scatter.add.f32 [tilespmem:s16], [sflag:$0x1], $0x10, s20, s15, $0xb8;
	[tilespmem:$0xAF80] =	vst v63  }
.Ltmp1:
0x38: {  	_ = 	snop;
	(pc) =	sbr.rel @p0 .LBB2_4-.Ltmp1, $4  }
0x39: {  	_ = 	snop  }
0x3a: {  	s19 =	sadd.s32 $0x200, s19  }
0x3b: {  	_ =	swait.ge [sflag:s14], $0x700  }
0x3c: {  	[sflag:s14] =	ssyncset.done $0x0  }
0x3d: {  	s3 =	sadd.s32 $0x1, s3  }
0x3e: {  	[sflag:s14] =	ssyncadd.s32 $0xFFFFF900;
	p0 =	sne.s32 s3, s7  }
.Ltmp2:
0x3f: {  	[bflag:$0x0] =	sbarrier.arrive $0xFFFF;
	(pc) =	sbr.rel @p0 .LBB2_1-.Ltmp2, $4  }
0x40: {  	[hbm:s12], [sflag:s17] =	dma.local [spmem:s18], $0x2780  }
0x41: {  	_ =	swait.ge [sflag:s14], $0x2780  }
0x42: {  	[sflag:s14] =	ssyncset.done $0x0  }
0x43: {  	[sflag:s14] =	ssyncadd.s32 $0xFFFFD880  }
0x44: {  	_ =	sfence.sel $0x180000  }
0x45: {  	[bflag:$0x0] =	sbarrier.arrive $0xFFFF  }
0x46: {  	p0 =	sne.s32 s0, $0x0;
	_ =	strace $0x90000047  }
0x47: {  	s0 =	sadd.s32 @!p0 $0x100000, s1;
	[bflag:$0x2] =	sbarrier.arrive $0xFFFF  }
0x48: {  	[sflag:s0] =	ssyncadd.tile.s32 @!p0 $0x1;
	_ =	shalt  }
.Lfunc_end2:
_tile_overlayer_lowered:
.L_overlay_start_2:
0x49: {  	(tag) =	ssettag $0x2  }
0x4a: {  	s0 =	rddreg [dreg:$0x0];
	s2 =	stileid.u32  }
0x4b: {  	s1 =	rddreg [dreg:$0x1];
	p0 =	sne.s32 s2, $0x0  }
0x4c: {  	s3 =	rddreg [dreg:$0x2];
	[bflag:$0x3] =	sbarrier.arrive $0xFFFF;
	s2 =	simm.s32 @!p0 $0x1C01  }
0x4d: {  	[timem:s3], [sflag:s2] =	dma.local @!p0 [hbm:s0], s1  }
0x4e: {  	s0 =	simm.s32 @!p0 $0x1  }
0x4f: {  	_ =	swait.ge @!p0 [sflag:s0], s1  }
0x50: {  	s1 =	ssub.s32 @!p0 $0x0, s1;
	[sflag:s0] =	ssyncset.done @!p0 $0x0  }
0x51: {  	[sflag:s0] =	ssyncadd.s32 @!p0 s1  }
0x52: {  	[bflag:$0x3] =	sbarrier.arrive $0xFFFF  }
0x53: {  	_ =	shalt  }

// kernel: kernel.9.cloned.1.call-start
scs
__scs_entry_jumppad:
0x0: {  	(pc) =	sbr.rel $0x88, $3  }
0x1: {  	(tag) =	ssettag $0x0;
	lr =	simm.s32 $0x1  }
0x2: {  	[smem:$0x3F9E] =	sst lr;
	_ =	strace $0xD0000000  }
0x3: {  	_ = 	snop  }
0x4: {  	_ = 	snop  }
0x5: {  	_ = 	snop  }
0x6: {  	_ = 	snop  }
0x7: {  	_ = 	snop  }
__scs_overlays_trampoline_lowered:
0x8: {  	[smem:$0x3FAD] =	sst s0  }
0x9: {  	[smem:$0x3FAE] =	sst s1  }
0xa: {  	[smem:$0x3FAF] =	sst s2  }
0xb: {  	[smem:$0x3FB0] =	sst s3  }
0xc: {  	[smem:$0x3FB1] =	sst s4  }
0xd: {  	[smem:$0x3FB2] =	sst s5  }
0xe: {  	[smem:$0x3FB3] =	sst s6  }
0xf: {  	[smem:$0x3FB4] =	sst s7  }
0x10: {  	[smem:$0x3FB5] =	sst s8  }
0x11: {  	[smem:$0x3FB6] =	sst s9;
	s0 =	simm.s32 @!p0 $0x0  }
0x12: {  	s1 =	sld [smem:$0x3F9C];
	s0 =	simm.s32 @p0 $0x1  }
0x13: {  	[smem:$0x3FB7] =	sst s0;
	s0 =	simm.s32 @!p1 $0x0  }
0x14: {  	s2 =	sld [smem:$0x3F9B];
	s0 =	simm.s32 @p1 $0x1  }
0x15: {  	[smem:$0x3FB8] =	sst s0;
	s0 =	simm.s32 @!p2 $0x0  }
0x16: {  	s3 =	sld [smem:$0x3FDB];
	s0 =	simm.s32 @p2 $0x1  }
0x17: {  	s4 =	simm.s32 $0x1BF5;
	[smem:$0x3FBA] =	sst s0  }
0x18: {  	s0 =	sld [smem:$0x3F9D];
	_ =	swait.ge [sflag:s4], $0x0  }
0x19: {  	s7 =	sld [smem:$0x3F9E]  }
0x1a: {  	s8 =	sadd.s32 $0xFFFFE003, lr  }
0x1b: {  	s9 =	sadd.s32 $0xFFFFFEF7, lr;
	s5 =	simm.s32 $0xFFFFFFFF;
	p2 =	slt.u32 s8, $0xFFFFF086  }
0x1c: {  	p1 =	slt.u32 s9, $0xF7A;
	s5 =	simm.s32 @!p2 $0x0  }
0x1d: {  	s5 =	simm.s32 @p1 $0x1;
	p0 =	seq.s32 s7, s2  }
0x1e: {  	s7 =	smul.u32 @!p0 $0xF7A, s2;
	p2 =	seq.s32 @!p0 s5, $0x0  }
0x1f: {  	s9 =	smul.u32 $0xF7A, s1;
	s8 =	simm.s32 @!p0 $0x1BF5;
	p2 =	por !p2, p0  }
0x20: {  	[sflag:s8] =	ssyncset.s32 @!p0 $0xFFFFF086;
	s6 =	sadd.s32 @!p0 s3, s7;
	s7 =	simm.s32 @!p0 $0x108  }
0x21: {  	s3 =	sadd.s32 s3, s9;
	s6 =	sadd.s32 @!p0 $0x88, s6;
	s7 =	simm.s32 @p2 $0x1082  }
0x22: {  	[simem:s7], [sflag:s8] =	dma.local @!p0 [hbm:s6], $0xF7A  }
0x23: {  	s9 =	sor.u32 $0xD0000000, s2;
	s6 =	simm.s32 $0x108;
	_ =	swait.ge @!p0 [sflag:s8], $0x0  }
0x24: {  	s3 =	sadd.s32 $0x88, s3;
	s6 =	simm.s32 @!p1 $0x1082;
	[sflag:s4] =	ssyncset.s32 $0xFFFFF086  }
0x25: {  	[simem:s6], [sflag:s4] =	dma.local [hbm:s3], $0xF7A  }
0x26: {  	[smem:$0x3F9E] =	sst s1;
	(tag) =	ssettag s2;
	_ =	strace s9  }
0x27: {  	s1 =	sld [smem:$0x3FAE]  }
0x28: {  	s2 =	sld [smem:$0x3FAF]  }
0x29: {  	s4 =	sld [smem:$0x3FB1]  }
0x2a: {  	p0 =	seq.s32 s5, $0x0;
	s5 =	sld [smem:$0x3FB2]  }
0x2b: {  	s6 =	sld [smem:$0x3FB3]  }
0x2c: {  	s7 =	sld [smem:$0x3FB4]  }
0x2d: {  	s3 =	simm.s32 $0x108;
	s8 =	sld [smem:$0x3FB5]  }
0x2e: {  	s3 =	simm.s32 @!p0 $0x1082;
	s9 =	sld [smem:$0x3FB6]  }
0x2f: {  	lr =	sadd.s32 s0, s3;
	s0 =	sld [smem:$0x3FAD]  }
0x30: {  	s3 =	sld [smem:$0x3FB0]  }
0x31: {  	[smem:$0x3FB9] =	sst s10  }
0x32: {  	s10 =	sld [smem:$0x3FB7];
	_ =	sdelay $0x3  }
0x33: {  	p0 =	seq.s32 s10, $0x1;
	s10 =	sld [smem:$0x3FB9];
	_ =	sdelay $0x3  }
0x34: {  	[smem:$0x3FB9] =	sst s10  }
0x35: {  	s10 =	sld [smem:$0x3FB8];
	_ =	sdelay $0x3  }
0x36: {  	p1 =	seq.s32 s10, $0x1;
	s10 =	sld [smem:$0x3FB9];
	_ =	sdelay $0x3  }
0x37: {  	[smem:$0x3FB9] =	sst s10  }
0x38: {  	s10 =	sld [smem:$0x3FBA]  }
0x39: {  	_ = 	snop;
	(pc) =	sbr.ind lr, $3  }
0x3a: {  	_ = 	snop  }
0x3b: {  	_ = 	snop  }
0x3c: {  	p2 =	seq.s32 s10, $0x1;
	s10 =	sld [smem:$0x3FB9]  }
0x3d: {  	_ =	shalt  }
0x3e: {  	_ =	shalt  }
0x3f: {  	_ =	shalt  }
0x40: {  	_ =	shalt  }
0x41: {  	_ =	shalt  }
0x42: {  	_ =	shalt  }
0x43: {  	_ =	shalt  }
0x44: {  	_ =	shalt  }
0x45: {  	_ =	shalt  }
0x46: {  	_ =	shalt  }
0x47: {  	_ =	shalt  }
0x48: {  	_ =	shalt  }
0x49: {  	_ =	shalt  }
0x4a: {  	_ =	shalt  }
0x4b: {  	_ =	shalt  }
0x4c: {  	_ =	shalt  }
0x4d: {  	_ =	shalt  }
0x4e: {  	_ =	shalt  }
0x4f: {  	_ =	shalt  }
0x50: {  	_ =	shalt  }
0x51: {  	_ =	shalt  }
0x52: {  	_ =	shalt  }
0x53: {  	_ =	shalt  }
0x54: {  	_ =	shalt  }
0x55: {  	_ =	shalt  }
0x56: {  	_ =	shalt  }
0x57: {  	_ =	shalt  }
0x58: {  	_ =	shalt  }
0x59: {  	_ =	shalt  }
0x5a: {  	_ =	shalt  }
0x5b: {  	_ =	shalt  }
0x5c: {  	_ =	shalt  }
0x5d: {  	_ =	shalt  }
0x5e: {  	_ =	shalt  }
0x5f: {  	_ =	shalt  }
0x60: {  	_ =	shalt  }
0x61: {  	_ =	shalt  }
0x62: {  	_ =	shalt  }
0x63: {  	_ =	shalt  }
0x64: {  	_ =	shalt  }
0x65: {  	_ =	shalt  }
0x66: {  	_ =	shalt  }
0x67: {  	_ =	shalt  }
0x68: {  	_ =	shalt  }
0x69: {  	_ =	shalt  }
0x6a: {  	_ =	shalt  }
0x6b: {  	_ =	shalt  }
0x6c: {  	_ =	shalt  }
0x6d: {  	_ =	shalt  }
0x6e: {  	_ =	shalt  }
0x6f: {  	_ =	shalt  }
0x70: {  	_ =	shalt  }
0x71: {  	_ =	shalt  }
0x72: {  	_ =	shalt  }
0x73: {  	_ =	shalt  }
0x74: {  	_ =	shalt  }
0x75: {  	_ =	shalt  }
0x76: {  	_ =	shalt  }
0x77: {  	_ =	shalt  }
0x78: {  	_ =	shalt  }
0x79: {  	_ =	shalt  }
0x7a: {  	_ =	shalt  }
0x7b: {  	_ =	shalt  }
0x7c: {  	_ =	shalt  }
0x7d: {  	_ =	shalt  }
0x7e: {  	_ =	shalt  }
0x7f: {  	_ =	shalt  }
0x80: {  	_ =	shalt  }
0x81: {  	_ =	shalt  }
0x82: {  	_ =	shalt  }
0x83: {  	_ =	shalt  }
0x84: {  	_ =	shalt  }
0x85: {  	_ =	shalt  }
0x86: {  	_ =	shalt  }
0x87: {  	_ =	shalt  }
.Lfunc_end0:
.L_simem_size_0:
called_computation.1_lowered:
.L_overlay_start_0:
0x88: {  	s2 =	sld [smem:$0x3FD9]  }
0x89: {  	s3 =	sld [smem:$0x3FFE];
	_ =	sdelay $0x1  }
0x8a: {  	s1 =	srdreg.scid  }
0x8b: {  	s0 =	sand.u32 $0x1, s1  }
0x8c: {  	s17 =	sshll.u32 s0, $0xA;
	s2 =	sadd.s32 s3, s2  }
0x8d: {  	s2 =	sadd.s32 s2, s17  }
0x8e: {  	[smem:$0x3FC5] =	sst s2  }
0x8f: {  	_ = 	snop  }
0x90: {  	s2 =	sld [smem:$0x3FD0];
	(tm) =	ssettm $0x1  }
0x91: {  	s18 =	sld [smem:$0x3FFB];
	_ =	sdelay $0x3  }
0x92: {  	_ =	strace s18  }
0x93: {  	s3 =	sld [smem:$0x3FFC];
	_ =	sdelay $0x3  }
0x94: {  	_ =	strace s3  }
0x95: {  	s3 =	sld [smem:$0x3FFD];
	_ =	sdelay $0x3  }
0x96: {  	_ =	strace s3  }
0x97: {  	_ =	strace $0x8FFFFFFF  }
0x98: {  	s19 =	sld [smem:$0x3FDB];
	_ =	sdelay $0x1  }
0x99: {  	s4 =	simm.s32 $_scs_section_size  }
0x9a: {  	s5 =	simm.s32 $_size__tile_overlayer_lowered;
	s6 =	simm.s32 $_tile_overlayer_lowered  }
0x9b: {  	s22 =	simm.s32 $0x1BFF;
	s21 =	sshll.u32 s6, $0x1;
	s3 =	sadd.s32 s4, s19  }
0x9c: {  	s7 =	simm.s32 $0x0;
	s20 =	sshll.u32 s5, $0x1;
	s5 =	sadd.s32 s21, s3  }
0x9d: {  	[timem:s7], [sflag:s22] =	dma.local [hbm:s5], s20  }
0x9e: {  	_ =	swait.ge [sflag:s22], s20  }
0x9f: {  	s4 =	ssub.s32 $0x0, s20;
	[sflag:s22] =	ssyncset.done $0x0  }
0xa0: {  	[sflag:s22] =	ssyncadd.s32 s4;
	_ =	sdelay $0x1  }
0xa1: {  	s23 =	simm.s32 $0x1B8B  }
0xa2: {  	_ =	swait.ge [sflag:s23], $0x1  }
0xa3: {  	[sflag:s23] =	ssyncset.done $0x0  }
0xa4: {  	s25 =	simm.s32 $0x1B8E;
	s24 =	sld [smem:$0x3FFE];
	[sflag:s23] =	ssyncadd.s32 $0xFFFFFFFF  }
0xa5: {  	s26 =	simm.s32 $execute0_lowered;
	[smem:$0x3FD2] =	sst s25  }
0xa6: {  	s5 =	sshll.u32 s26, $0x1;
	_ =	strace $0x80000049;
	[dreg:$0x1] =	wrdreg $0xFFFFFFFF  }
0xa7: {  	s28 =	simm.s32 $_size_execute0_lowered;
	s3 =	sadd.s32 s3, s5;
	[dreg:$0x0] =	wrdreg $0x0  }
0xa8: {  	s5 =	sshll.u32 s28, $0x1;
	[dreg:$0x2] =	wrdreg s3  }
0xa9: {  	[dreg:$0x3] =	wrdreg s5  }
0xaa: {  	[dreg:$0x4] =	wrdreg $0xC0  }
0xab: {  	_ =	task [dreg:s7], $0x5FFFF  }
0xac: {  	[dreg:$0x1] =	wrdreg $0xFFFFFFFF  }
0xad: {  	[dreg:$0x0] =	wrdreg $0x60  }
0xae: {  	[dreg:$0x2] =	wrdreg s24  }
0xaf: {  	[dreg:$0x3] =	wrdreg s2  }
0xb0: {  	[dreg:$0x4] =	wrdreg $0x80000  }
0xb1: {  	[dreg:$0x5] =	wrdreg $0x9  }
0xb2: {  	_ =	task.clear_ibuf [dreg:s7], $0x6FFFF;
	_ =	strace $0x90000049  }
0xb3: {  	s29 =	simm.s32 $0x9;
	_ =	strace $0x8000004B  }
0xb4: {  	_ =	swait.ge [sflag:s29], $0x1  }
0xb5: {  	[sflag:s29] =	ssyncadd.s32 $0xFFFFFFFF  }
0xb6: {  	_ =	strace $0x9000004B  }
0xb7: {  	_ =	sfence  }
0xb8: {  	s30 =	sld [smem:$0x0];
	_ =	sdelay $0x2  }
0xb9: {  	s31 =	sshll.u32 s1, $0xD;
	s1 =	sshrl.u32 s1, $0x2  }
0xba: {  	s3 =	sand.u32 $0x4000, s31;
	s1 =	sadd.s32 s1, s30  }
0xbb: {  	s0 =	sor.u32 s3, s0;
	s1 =	sshll.u32 s1, $0x11  }
0xbc: {  	s0 =	sor.u32 s1, s0  }
0xbd: {  	s0 =	sadd.s32 $0x8F2B, s0  }
0xbe: {  	[sflag:s0] =	ssyncadd.remote.s32 $0x1  }
0xbf: {  	_ =	sfence.sel $0xFFFF  }
0xc0: {  	[dreg:$0x0] =	wrdreg $0xFFFFFFFF;
	(pc) =	sbr.abs _section_cstart, $3  }
0xc1: {  	[dreg:$0x1] =	wrdreg $0xFFFFFFFF  }
0xc2: {  	_ =	task.clear_ibuf [dreg:s7], $0x2FFFF;
	_ =	strace $0x9FFFFFFF  }
0xc3: {  	(tm) =	ssettm $0x7FFFFFFF  }
tec
execute0_lowered:
.L_overlay_start_1:
0x0: {  	(tag) =	ssettag $0x1  }
0x1: {  	s0 =	rddreg [dreg:$0x0]  }
0x2: {  	s2 =	rddreg [dreg:$0x2];
	s3 =	simm.s32 $0x0;
	s1 =	srdreg.scid  }
0x3: {  	s12 =	stileid.u32;
	s28 =	simm.s32 $0x1;
	s30 =	simm.s32 $0x4800  }
0x4: {  	s31 =	simm.s32 $0x2;
	s13 =	simm.s32 $0xA00;
	s14 =	simm.s32 $0xF00  }
0x5: {  	s15 =	simm.s32 $0xA80;
	s16 =	simm.s32 $0xF80;
	s17 =	simm.s32 $0xB00  }
0x6: {  	[smem:$0x7FF] =	sst s3;
	s5 =	sadd.s32 $0x7A00, s0;
	s6 =	sadd.s32 $0x35200, s0  }
0x7: {  	s1 =	sand.u32 $0x1, s1;
	s4 =	sadd.s32 $0x1A00, s0;
	s9 =	smul.u32 $0x600, s12  }
0x8: {  	s10 =	sadd.s32 $0x2F200, s0;
	s11 =	smul.u32 $0x4F000, s12;
	s0 =	sadd.s32 $0x5C400, s0  }
0x9: {  	s23 =	smul.u32 $0x2780, s12;
	s12 =	simm.s32 $0x980;
	_ =	strace $0x8000004A  }
0xa: {  	s7 =	ssub.s32 $0x2, s1;
	[dreg:$0x4] =	wrdreg s0;
	p0 =	seq.s32 s1, $0x1  }
0xb: {  	s8 =	sshrl.u32 s7, $0x1;
	s19 =	sor.u32 $0x80, s9;
	s20 =	sshrl.u32 s11, $0x2  }
0xc: {  	[dreg:$0x9] =	wrdreg s23;
	s23 =	simm.s32 $0x1000;
	s11 =	simm.s32 $0x4  }
0xd: {  	s18 =	ssub.s32 s7, s8;
	s8 =	sadd.s32 s4, s9;
	s4 =	sadd.s32 s4, s19  }
0xe: {  	s9 =	sadd.s32 s10, s9;
	s1 =	sadd.s32 s10, s19;
	[dreg:$0x5] =	wrdreg s4  }
0xf: {  	s21 =	sadd.s32 s20, s2;
	s7 =	simm.s32 $0xD80;
	[dreg:$0x7] =	wrdreg s1  }
0x10: {  	s10 =	simm.s32 $0xE00;
	s22 =	sadd.s32 $0x11800, s21;
	[dreg:$0x6] =	wrdreg s21  }
0x11: {  	s20 =	simm.s32 $0xE80;
	s0 =	smax.u32 s18, $0x1;
	[dreg:$0x8] =	wrdreg s22  }
0x12: {  	s24 =	sadd.s32 $0x3800, s21;
	s25 =	sadd.s32 $0x7000, s21;
	[dreg:$0xa] =	wrdreg s0  }
.Ltmp0:
0x13: {  	s26 =	sadd.s32 $0xA800, s21;
	[dreg:$0xb] =	wrdreg s24;
	(pc) =	sbr.rel .LBB2_1-.Ltmp0, $4  }
0x14: {  	s29 =	sadd.s32 $0xE000, s21;
	s21 =	simm.s32 $0x800;
	[dreg:$0xc] =	wrdreg s25  }
0x15: {  	s4 =	simm.s32 $0x900;
	s18 =	simm.s32 $0xB80;
	[dreg:$0xd] =	wrdreg s26  }
0x16: {  	s1 =	simm.s32 $0x0;
	[dreg:$0xe] =	wrdreg s29;
	s22 =	simm.s32 $0xC00  }
0x17: {  	v0 =	vimm.f32 $0.0e+00;
	s24 =	simm.s32 $0x5;
	s25 =	simm.s32 $0x3;
	s26 =	simm.s32 $0x70  }
.LBB2_10:
0x18: {  	s19 =	rddreg [dreg:$0x4]  }
0x19: {  	s29 =	rddreg [dreg:$0xf]  }
.LBB2_11:
0x1a: {  	s0 =	rddreg [dreg:$0x9];
	s1 =	stileid.u32;
	[bflag:$0x0] =	sbarrier.arrive $0xFFFF  }
0x1b: {  	s0 =	sadd.s32 s19, s0;
	s1 =	sshll.u32 s1, $0x6;
	s19 =	rddreg [dreg:$0x6]  }
0x1c: {  	s1 =	sor.u32 $0x1C05, s1;
	s19 =	sshrl.u32 s19, $0x3  }
0x1d: {  	[hbm:s0], [sflag:s1] =	dma.local [spmem:s19], $0x2780  }
0x1e: {  	_ =	swait.ge [sflag:s24], $0x2780  }
0x1f: {  	s1 =	sadd.s32 $0x1, s29;
	s29 =	rddreg [dreg:$0xa]  }
0x20: {  	p1 =	sne.s32 s1, s29  }
.Ltmp1:
0x21: {  	_ = 	snop;
	(pc) =	sbr.rel @!p1 .LBB2_12-.Ltmp1, $3  }
0x22: {  	_ =	sdelay $0x1  }
0x23: {  	[sflag:s24] =	ssyncset.done $0x0  }
0x24: {  	[sflag:s24] =	ssyncadd.s32 $0xFFFFD880  }
.LBB2_1:
0x25: {  	[tilespmem:s3], [sflag:$0x3] =	stream.linear.gather [hbm4b:s8+s3], $0x400, $0x38;
	[tilespmem:$0x1BC00] =	vst v63  }
0x26: {  	s0 =	simm.s32 $0x400  }
0x27: {  	[tilespmem:s0], [sflag:$0x3] =	stream.linear.gather [hbm4b:s9+s3], $0x400, $0x38;
	[tilespmem:$0x1BC00] =	vst v63  }
.Ltmp2:
0x28: {  	s19 =	rddreg [dreg:$0x5];
	(pc) =	sbr.rel @!p0 .LBB2_2-.Ltmp2, $4  }
0x29: {  	[tilespmem:s21], [sflag:$0x4] =	stream.linear.gather [hbm4b:s19+s3], $0x400, $0x38;
	[tilespmem:$0x1BC00] =	vst v63  }
0x2a: {  	s29 =	simm.s32 $0x1C0;
	s19 =	rddreg [dreg:$0x7]  }
0x2b: {  	[tilespmem:s22], [sflag:$0x4] =	stream.linear.gather [hbm4b:s19+s3], $0x400, $0x38;
	[tilespmem:$0x1BC00] =	vst v63  }
0x2c: {  	[dreg:$0xf] =	wrdreg s1;
	s19 =	sshra.s32 s29, $0x2;
	s29 =	sadd.s32 $0x200, s29  }
.LBB2_7:
0x2d: {  	p1 =	seq.s32 s29, $0xDFC0;
	[tilespmem:s19+$0x1000] =	vst v0  }
0x2e: {  	[tilespmem:s19+$0xF90] =	vst v0  }
0x2f: {  	[tilespmem:s19+$0xFA0] =	vst v0  }
.Ltmp3:
0x30: {  	[tilespmem:s19+$0xFB0] =	vst v0;
	(pc) =	sbr.rel @!p1 .LBB2_7-.Ltmp3, $4  }
0x31: {  	[tilespmem:s19+$0xFC0] =	vst v0  }
0x32: {  	[tilespmem:s19+$0xFD0] =	vst v0  }
0x33: {  	[tilespmem:s19+$0xFE0] =	vst v0  }
0x34: {  	[tilespmem:s19+$0xFF0] =	vst v0;
	s19 =	sshra.s32 s29, $0x2;
	s29 =	sadd.s32 $0x200, s29  }
0x35: {  	[tilespmem:s19+$0x1000] =	vst v0  }
0x36: {  	[tilespmem:s19+$0xF90] =	vst v0  }
0x37: {  	[tilespmem:s19+$0xFA0] =	vst v0  }
0x38: {  	[tilespmem:s19+$0xFB0] =	vst v0  }
0x39: {  	[tilespmem:s19+$0xFC0] =	vst v0  }
0x3a: {  	[tilespmem:s19+$0xFD0] =	vst v0  }
0x3b: {  	[tilespmem:s19+$0xFE0] =	vst v0  }
0x3c: {  	[tilespmem:s19+$0xFF0] =	vst v0;
	s0 =	rddreg [dreg:$0x6]  }
0x3d: {  	[spmem:s0] =	stream.linear.scatter [tilespmem:s23], [sflag:$0x5], $0x3800, $0x38;
	[tilespmem:$0x1BC00] =	vst v63  }
0x3e: {  	_ =	swait.ge [sflag:s24], $0x3800  }
0x3f: {  	[sflag:s24] =	ssyncset.done $0x0  }
0x40: {  	s19 =	rddreg [dreg:$0xb];
	[sflag:s24] =	ssyncadd.s32 $0xFFFFC800  }
0x41: {  	[spmem:s19] =	stream.linear.scatter [tilespmem:s23], [sflag:$0x5], $0x3800, $0x38;
	[tilespmem:$0x1BC00] =	vst v63  }
0x42: {  	_ =	swait.ge [sflag:s24], $0x3800  }
0x43: {  	[sflag:s24] =	ssyncset.done $0x0  }
0x44: {  	s29 =	rddreg [dreg:$0xc];
	[sflag:s24] =	ssyncadd.s32 $0xFFFFC800  }
0x45: {  	[spmem:s29] =	stream.linear.scatter [tilespmem:s23], [sflag:$0x5], $0x3800, $0x38;
	[tilespmem:$0x1BC00] =	vst v63  }
0x46: {  	_ =	swait.ge [sflag:s24], $0x3800  }
0x47: {  	[sflag:s24] =	ssyncset.done $0x0  }
0x48: {  	s1 =	rddreg [dreg:$0xd];
	[sflag:s24] =	ssyncadd.s32 $0xFFFFC800  }
0x49: {  	[spmem:s1] =	stream.linear.scatter [tilespmem:s23], [sflag:$0x5], $0x3800, $0x38;
	[tilespmem:$0x1BC00] =	vst v63  }
0x4a: {  	_ =	swait.ge [sflag:s24], $0x3800  }
0x4b: {  	[sflag:s24] =	ssyncset.done $0x0  }
0x4c: {  	s19 =	rddreg [dreg:$0xe];
	[sflag:s24] =	ssyncadd.s32 $0xFFFFC800  }
0x4d: {  	[spmem:s19] =	stream.linear.scatter [tilespmem:s23], [sflag:$0x5], $0x3800, $0x38;
	[tilespmem:$0x1BC00] =	vst v63  }
0x4e: {  	_ =	swait.ge [sflag:s24], $0x3800  }
0x4f: {  	[sflag:s24] =	ssyncset.done $0x0  }
0x50: {  	s29 =	rddreg [dreg:$0x8];
	[sflag:s24] =	ssyncadd.s32 $0xFFFFC800  }
0x51: {  	[spmem:s29] =	stream.linear.scatter [tilespmem:s23], [sflag:$0x5], $0x2400, $0x38;
	[tilespmem:$0x1BC00] =	vst v63  }
0x52: {  	_ =	swait.ge [sflag:s24], $0x2400  }
0x53: {  	[sflag:s24] =	ssyncset.done $0x0  }
0x54: {  	[sflag:s24] =	ssyncadd.s32 $0xFFFFDC00  }
0x55: {  	s19 =	simm.s32 $0xFFFFFB00;
	[bflag:$0x0] =	sbarrier.arrive $0xFFFF  }
.LBB2_9:
0x56: {  	_ =	swait.ge [sflag:s25], $0x400  }
0x57: {  	[sflag:s25] =	ssyncset.done $0x0  }
0x58: {  	[sflag:s25] =	ssyncadd.s32 $0xFFFFFC00  }
0x59: {  	_ =	swait.ge [sflag:s25], $0x400  }
0x5a: {  	[sflag:s25] =	ssyncset.done $0x0  }
0x5b: {  	s0 =	simm.s32 $0x400;
	[sflag:s25] =	ssyncadd.s32 $0xFFFFFC00  }
0x5c: {  	[tilespmem:s23], [sflag:$0x1] =	stream.indirect.gather [hbm4b:s6+s26], $0x80, s0, s26, $0xb8;
	[tilespmem:$0x1BC00] =	vst v63  }
0x5d: {  	_ =	swait.ge [sflag:s28], $0x3800  }
0x5e: {  	[sflag:s28] =	ssyncset.done $0x0  }
0x5f: {  	s29 =	simm.s32 $0x480;
	[sflag:s28] =	ssyncadd.s32 $0xFFFFC800  }
0x60: {  	[tilespmem:s30], [sflag:$0x2] =	stream.indirect.gather [hbm4b:s6+s26], $0x80, s29, s26, $0xb8;
	[tilespmem:$0x1BC00] =	vst v63  }
0x61: {  	_ = 	snop  }
0x62: {  	[spmem:s2] =	stream.indirect.scatter.add.f32 [tilespmem:s23], [sflag:$0x5], $0x80, s3, s26, $0xb8;
	[tilespmem:$0x1BC00] =	vst v63  }
0x63: {  	_ =	swait.ge [sflag:s24], $0x3800  }
0x64: {  	[sflag:s24] =	ssyncset.done $0x0  }
0x65: {  	[sflag:s24] =	ssyncadd.s32 $0xFFFFC800  }
0x66: {  	_ =	swait.ge [sflag:s31], $0x3800  }
0x67: {  	[sflag:s31] =	ssyncset.done $0x0  }
0x68: {  	s1 =	simm.s32 $0x500;
	[sflag:s31] =	ssyncadd.s32 $0xFFFFC800  }
0x69: {  	[tilespmem:s23], [sflag:$0x1] =	stream.indirect.gather [hbm4b:s6+s26], $0x80, s1, s26, $0xb8;
	[tilespmem:$0x1BC00] =	vst v63  }
0x6a: {  	s29 =	simm.s32 $0x80  }
0x6b: {  	[spmem:s2] =	stream.indirect.scatter.add.f32 [tilespmem:s30], [sflag:$0x5], $0x80, s29, s26, $0xb8;
	[tilespmem:$0x1BC00] =	vst v63  }
0x6c: {  	_ =	swait.ge [sflag:s24], $0x3800  }
0x6d: {  	[sflag:s24] =	ssyncset.done $0x0  }
0x6e: {  	[sflag:s24] =	ssyncadd.s32 $0xFFFFC800  }
0x6f: {  	_ =	swait.ge [sflag:s28], $0x3800  }
0x70: {  	[sflag:s28] =	ssyncset.done $0x0  }
0x71: {  	s1 =	simm.s32 $0x580;
	[sflag:s28] =	ssyncadd.s32 $0xFFFFC800  }
0x72: {  	[tilespmem:s30], [sflag:$0x2] =	stream.indirect.gather [hbm4b:s6+s26], $0x80, s1, s26, $0xb8;
	[tilespmem:$0x1BC00] =	vst v63  }
0x73: {  	s29 =	simm.s32 $0x100  }
0x74: {  	[spmem:s2] =	stream.indirect.scatter.add.f32 [tilespmem:s23], [sflag:$0x5], $0x80, s29, s26, $0xb8;
	[tilespmem:$0x1BC00] =	vst v63  }
0x75: {  	_ =	swait.ge [sflag:s24], $0x3800  }
0x76: {  	[sflag:s24] =	ssyncset.done $0x0  }
0x77: {  	[sflag:s24] =	ssyncadd.s32 $0xFFFFC800  }
0x78: {  	_ =	swait.ge [sflag:s31], $0x3800  }
0x79: {  	[sflag:s31] =	ssyncset.done $0x0  }
0x7a: {  	s1 =	simm.s32 $0x600;
	[sflag:s31] =	ssyncadd.s32 $0xFFFFC800  }
0x7b: {  	[tilespmem:s23], [sflag:$0x1] =	stream.indirect.gather [hbm4b:s6+s26], $0x80, s1, s26, $0xb8;
	[tilespmem:$0x1BC00] =	vst v63  }
0x7c: {  	s29 =	simm.s32 $0x180  }
0x7d: {  	[spmem:s2] =	stream.indirect.scatter.add.f32 [tilespmem:s30], [sflag:$0x5], $0x80, s29, s26, $0xb8;
	[tilespmem:$0x1BC00] =	vst v63  }
0x7e: {  	_ =	swait.ge [sflag:s24], $0x3800  }
0x7f: {  	[sflag:s24] =	ssyncset.done $0x0  }
0x80: {  	[sflag:s24] =	ssyncadd.s32 $0xFFFFC800  }
0x81: {  	_ =	swait.ge [sflag:s28], $0x3800  }
0x82: {  	[sflag:s28] =	ssyncset.done $0x0  }
0x83: {  	s1 =	simm.s32 $0x680;
	[sflag:s28] =	ssyncadd.s32 $0xFFFFC800  }
0x84: {  	[tilespmem:s30], [sflag:$0x2] =	stream.indirect.gather [hbm4b:s6+s26], $0x80, s1, s26, $0xb8;
	[tilespmem:$0x1BC00] =	vst v63  }
0x85: {  	s29 =	simm.s32 $0x200  }
0x86: {  	[spmem:s2] =	stream.indirect.scatter.add.f32 [tilespmem:s23], [sflag:$0x5], $0x80, s29, s26, $0xb8;
	[tilespmem:$0x1BC00] =	vst v63  }
0x87: {  	_ =	swait.ge [sflag:s24], $0x3800  }
0x88: {  	[sflag:s24] =	ssyncset.done $0x0  }
0x89: {  	[sflag:s24] =	ssyncadd.s32 $0xFFFFC800  }
0x8a: {  	_ =	swait.ge [sflag:s31], $0x3800  }
0x8b: {  	[sflag:s31] =	ssyncset.done $0x0  }
0x8c: {  	s1 =	simm.s32 $0x700;
	[sflag:s31] =	ssyncadd.s32 $0xFFFFC800  }
0x8d: {  	[tilespmem:s23], [sflag:$0x1] =	stream.indirect.gather [hbm4b:s6+s26], $0x80, s1, s26, $0xb8;
	[tilespmem:$0x1BC00] =	vst v63  }
0x8e: {  	s29 =	simm.s32 $0x280  }
0x8f: {  	[spmem:s2] =	stream.indirect.scatter.add.f32 [tilespmem:s30], [sflag:$0x5], $0x80, s29, s26, $0xb8;
	[tilespmem:$0x1BC00] =	vst v63  }
0x90: {  	_ =	swait.ge [sflag:s24], $0x3800  }
0x91: {  	[sflag:s24] =	ssyncset.done $0x0  }
0x92: {  	[sflag:s24] =	ssyncadd.s32 $0xFFFFC800  }
0x93: {  	_ =	swait.ge [sflag:s28], $0x3800  }
0x94: {  	[sflag:s28] =	ssyncset.done $0x0  }
0x95: {  	s1 =	simm.s32 $0x780;
	[sflag:s28] =	ssyncadd.s32 $0xFFFFC800  }
0x96: {  	[tilespmem:s30], [sflag:$0x2] =	stream.indirect.gather [hbm4b:s6+s26], $0x80, s1, s26, $0xb8;
	[tilespmem:$0x1BC00] =	vst v63  }
0x97: {  	s29 =	simm.s32 $0x300  }
0x98: {  	[spmem:s2] =	stream.indirect.scatter.add.f32 [tilespmem:s23], [sflag:$0x5], $0x80, s29, s26, $0xb8;
	[tilespmem:$0x1BC00] =	vst v63  }
0x99: {  	_ =	swait.ge [sflag:s24], $0x3800  }
0x9a: {  	[sflag:s24] =	ssyncset.done $0x0  }
0x9b: {  	[sflag:s24] =	ssyncadd.s32 $0xFFFFC800  }
0x9c: {  	_ =	swait.ge [sflag:s31], $0x3800  }
0x9d: {  	[sflag:s31] =	ssyncset.done $0x0  }
0x9e: {  	s1 =	simm.s32 $0x380;
	[sflag:s31] =	ssyncadd.s32 $0xFFFFC800  }
0x9f: {  	[spmem:s2] =	stream.indirect.scatter.add.f32 [tilespmem:s30], [sflag:$0x5], $0x80, s1, s26, $0xb8;
	[tilespmem:$0x1BC00] =	vst v63  }
0xa0: {  	p1 =	seq.s32 s19, $0x0;
	_ =	swait.ge [sflag:s24], $0x3800  }
0xa1: {  	s0 =	sadd.s32 @!p1 s19, s8;
	[sflag:s24] =	ssyncset.done $0x0  }
0xa2: {  	s0 =	sadd.s32 @!p1 $0x600, s0;
	s1 =	simm.s32 @!p1 $0x0;
	[sflag:s24] =	ssyncadd.s32 $0xFFFFC800  }
0xa3: {  	[tilespmem:s1], [sflag:$0x3] =	stream.linear.gather @!p1 [hbm4b:s0+s1], $0x400, $0x38;
	[tilespmem:$0x1BC00] =	vst v63  }
0xa4: {  	s0 =	sadd.s32 @!p1 s19, s9  }
0xa5: {  	s29 =	simm.s32 @!p1 $0x400;
	s0 =	sadd.s32 @!p1 $0x600, s0  }
0xa6: {  	[tilespmem:s29], [sflag:$0x3] =	stream.linear.gather @!p1 [hbm4b:s0+s1], $0x400, $0x38;
	[tilespmem:$0x1BC00] =	vst v63  }
0xa7: {  	_ =	swait.ge [sflag:s11], $0x400  }
0xa8: {  	[sflag:s11] =	ssyncset.done $0x0  }
0xa9: {  	[sflag:s11] =	ssyncadd.s32 $0xFFFFFC00  }
0xaa: {  	_ =	swait.ge [sflag:s11], $0x400  }
0xab: {  	[sflag:s11] =	ssyncset.done $0x0  }
0xac: {  	[sflag:s11] =	ssyncadd.s32 $0xFFFFFC00  }
0xad: {  	[tilespmem:s23], [sflag:$0x1] =	stream.indirect.gather [hbm4b:s6+s26], $0x80, s22, s26, $0xb8;
	[tilespmem:$0x1BC00] =	vst v63  }
0xae: {  	_ =	swait.ge [sflag:s28], $0x3800  }
0xaf: {  	[sflag:s28] =	ssyncset.done $0x0  }
0xb0: {  	s29 =	simm.s32 $0xC80;
	[sflag:s28] =	ssyncadd.s32 $0xFFFFC800  }
0xb1: {  	[tilespmem:s30], [sflag:$0x2] =	stream.indirect.gather [hbm4b:s6+s26], $0x80, s29, s26, $0xb8;
	[tilespmem:$0x1BC00] =	vst v63  }
0xb2: {  	_ = 	snop  }
0xb3: {  	[spmem:s2] =	stream.indirect.scatter.add.f32 [tilespmem:s23], [sflag:$0x5], $0x80, s21, s26, $0xb8;
	[tilespmem:$0x1BC00] =	vst v63  }
0xb4: {  	_ =	swait.ge [sflag:s24], $0x3800  }
0xb5: {  	[sflag:s24] =	ssyncset.done $0x0  }
0xb6: {  	[sflag:s24] =	ssyncadd.s32 $0xFFFFC800  }
0xb7: {  	_ =	swait.ge [sflag:s31], $0x3800  }
0xb8: {  	[sflag:s31] =	ssyncset.done $0x0  }
0xb9: {  	s1 =	simm.s32 $0xD00;
	[sflag:s31] =	ssyncadd.s32 $0xFFFFC800  }
0xba: {  	[tilespmem:s23], [sflag:$0x1] =	stream.indirect.gather [hbm4b:s6+s26], $0x80, s1, s26, $0xb8;
	[tilespmem:$0x1BC00] =	vst v63  }
0xbb: {  	s29 =	simm.s32 $0x880  }
0xbc: {  	[spmem:s2] =	stream.indirect.scatter.add.f32 [tilespmem:s30], [sflag:$0x5], $0x80, s29, s26, $0xb8;
	[tilespmem:$0x1BC00] =	vst v63  }
0xbd: {  	_ =	swait.ge [sflag:s24], $0x3800  }
0xbe: {  	[sflag:s24] =	ssyncset.done $0x0  }
0xbf: {  	[sflag:s24] =	ssyncadd.s32 $0xFFFFC800  }
0xc0: {  	_ =	swait.ge [sflag:s28], $0x3800  }
0xc1: {  	[sflag:s28] =	ssyncset.done $0x0  }
0xc2: {  	[sflag:s28] =	ssyncadd.s32 $0xFFFFC800  }
0xc3: {  	[tilespmem:s30], [sflag:$0x2] =	stream.indirect.gather [hbm4b:s6+s26], $0x80, s7, s26, $0xb8;
	[tilespmem:$0x1BC00] =	vst v63  }
0xc4: {  	_ = 	snop  }
0xc5: {  	[spmem:s2] =	stream.indirect.scatter.add.f32 [tilespmem:s23], [sflag:$0x5], $0x80, s4, s26, $0xb8;
	[tilespmem:$0x1BC00] =	vst v63  }
0xc6: {  	_ =	swait.ge [sflag:s24], $0x3800  }
0xc7: {  	[sflag:s24] =	ssyncset.done $0x0  }
0xc8: {  	[sflag:s24] =	ssyncadd.s32 $0xFFFFC800  }
0xc9: {  	_ =	swait.ge [sflag:s31], $0x3800  }
0xca: {  	[sflag:s31] =	ssyncset.done $0x0  }
0xcb: {  	[sflag:s31] =	ssyncadd.s32 $0xFFFFC800  }
0xcc: {  	[tilespmem:s23], [sflag:$0x1] =	stream.indirect.gather [hbm4b:s6+s26], $0x80, s10, s26, $0xb8;
	[tilespmem:$0x1BC00] =	vst v63  }
0xcd: {  	_ = 	snop  }
0xce: {  	[spmem:s2] =	stream.indirect.scatter.add.f32 [tilespmem:s30], [sflag:$0x5], $0x80, s12, s26, $0xb8;
	[tilespmem:$0x1BC00] =	vst v63  }
0xcf: {  	_ =	swait.ge [sflag:s24], $0x3800  }
0xd0: {  	[sflag:s24] =	ssyncset.done $0x0  }
0xd1: {  	[sflag:s24] =	ssyncadd.s32 $0xFFFFC800  }
0xd2: {  	_ =	swait.ge [sflag:s28], $0x3800  }
0xd3: {  	[sflag:s28] =	ssyncset.done $0x0  }
0xd4: {  	[sflag:s28] =	ssyncadd.s32 $0xFFFFC800  }
0xd5: {  	[tilespmem:s30], [sflag:$0x2] =	stream.indirect.gather [hbm4b:s6+s26], $0x80, s20, s26, $0xb8;
	[tilespmem:$0x1BC00] =	vst v63  }
0xd6: {  	_ = 	snop  }
0xd7: {  	[spmem:s2] =	stream.indirect.scatter.add.f32 [tilespmem:s23], [sflag:$0x5], $0x80, s13, s26, $0xb8;
	[tilespmem:$0x1BC00] =	vst v63  }
0xd8: {  	_ =	swait.ge [sflag:s24], $0x3800  }
0xd9: {  	[sflag:s24] =	ssyncset.done $0x0  }
0xda: {  	[sflag:s24] =	ssyncadd.s32 $0xFFFFC800  }
0xdb: {  	_ =	swait.ge [sflag:s31], $0x3800  }
0xdc: {  	[sflag:s31] =	ssyncset.done $0x0  }
0xdd: {  	[sflag:s31] =	ssyncadd.s32 $0xFFFFC800  }
0xde: {  	[tilespmem:s23], [sflag:$0x1] =	stream.indirect.gather [hbm4b:s6+s26], $0x80, s14, s26, $0xb8;
	[tilespmem:$0x1BC00] =	vst v63  }
0xdf: {  	_ = 	snop  }
0xe0: {  	[spmem:s2] =	stream.indirect.scatter.add.f32 [tilespmem:s30], [sflag:$0x5], $0x80, s15, s26, $0xb8;
	[tilespmem:$0x1BC00] =	vst v63  }
0xe1: {  	_ =	swait.ge [sflag:s24], $0x3800  }
0xe2: {  	[sflag:s24] =	ssyncset.done $0x0  }
0xe3: {  	[sflag:s24] =	ssyncadd.s32 $0xFFFFC800  }
0xe4: {  	_ =	swait.ge [sflag:s28], $0x3800  }
0xe5: {  	[sflag:s28] =	ssyncset.done $0x0  }
0xe6: {  	[sflag:s28] =	ssyncadd.s32 $0xFFFFC800  }
0xe7: {  	[tilespmem:s30], [sflag:$0x2] =	stream.indirect.gather [hbm4b:s6+s26], $0x80, s16, s26, $0xb8;
	[tilespmem:$0x1BC00] =	vst v63  }
0xe8: {  	_ = 	snop  }
0xe9: {  	[spmem:s2] =	stream.indirect.scatter.add.f32 [tilespmem:s23], [sflag:$0x5], $0x80, s17, s26, $0xb8;
	[tilespmem:$0x1BC00] =	vst v63  }
0xea: {  	_ =	swait.ge [sflag:s24], $0x3800  }
0xeb: {  	[sflag:s24] =	ssyncset.done $0x0  }
0xec: {  	[sflag:s24] =	ssyncadd.s32 $0xFFFFC800  }
0xed: {  	_ =	swait.ge [sflag:s31], $0x3800  }
0xee: {  	[sflag:s31] =	ssyncset.done $0x0  }
.Ltmp4:
0xef: {  	[sflag:s31] =	ssyncadd.s32 $0xFFFFC800;
	(pc) =	sbr.rel @p1 .LBB2_10-.Ltmp4, $4  }
0xf0: {  	[spmem:s2] =	stream.indirect.scatter.add.f32 [tilespmem:s30], [sflag:$0x5], $0x80, s18, s26, $0xb8;
	[tilespmem:$0x1BC00] =	vst v63  }
0xf1: {  	_ =	swait.ge [sflag:s24], $0x3800  }
0xf2: {  	[sflag:s24] =	ssyncset.done $0x0  }
0xf3: {  	[sflag:s24] =	ssyncadd.s32 $0xFFFFC800  }
.Ltmp5:
0xf4: {  	s0 =	sadd.s32 s19, s8;
	(pc) =	sbr.rel .LBB2_9-.Ltmp5, $4  }
0xf5: {  	s29 =	sadd.s32 s19, s9;
	s0 =	sadd.s32 $0x680, s0  }
0xf6: {  	[tilespmem:s21], [sflag:$0x4] =	stream.linear.gather [hbm4b:s0+s3], $0x400, $0x38;
	[tilespmem:$0x1BC00] =	vst v63  }
0xf7: {  	s19 =	sadd.s32 $0x100, s19;
	s0 =	sadd.s32 $0x680, s29  }
0xf8: {  	[tilespmem:s22], [sflag:$0x4] =	stream.linear.gather [hbm4b:s0+s3], $0x400, $0x38;
	[tilespmem:$0x1BC00] =	vst v63  }
.LBB2_2:
0xf9: {  	p1 =	seq.s32 s29, $0xDFC0;
	[tilespmem:s19+$0x1000] =	vst v0  }
0xfa: {  	[tilespmem:s19+$0xF90] =	vst v0  }
0xfb: {  	[tilespmem:s19+$0xFA0] =	vst v0  }
.Ltmp6:
0xfc: {  	[tilespmem:s19+$0xFB0] =	vst v0;
	(pc) =	sbr.rel @!p1 .LBB2_2-.Ltmp6, $4  }
0xfd: {  	[tilespmem:s19+$0xFC0] =	vst v0  }
0xfe: {  	[tilespmem:s19+$0xFD0] =	vst v0  }
0xff: {  	[tilespmem:s19+$0xFE0] =	vst v0  }
0x100: {  	[tilespmem:s19+$0xFF0] =	vst v0;
	s19 =	sshra.s32 s29, $0x2;
	s29 =	sadd.s32 $0x200, s29  }
0x101: {  	[tilespmem:s19+$0x1000] =	vst v0  }
0x102: {  	[tilespmem:s19+$0xF90] =	vst v0  }
0x103: {  	[tilespmem:s19+$0xFA0] =	vst v0  }
0x104: {  	[tilespmem:s19+$0xFB0] =	vst v0  }
0x105: {  	[tilespmem:s19+$0xFC0] =	vst v0  }
0x106: {  	[tilespmem:s19+$0xFD0] =	vst v0  }
0x107: {  	[tilespmem:s19+$0xFE0] =	vst v0  }
0x108: {  	[tilespmem:s19+$0xFF0] =	vst v0;
	s0 =	rddreg [dreg:$0x6]  }
0x109: {  	[spmem:s0] =	stream.linear.scatter [tilespmem:s23], [sflag:$0x5], $0x3800, $0x38;
	[tilespmem:$0x1BC00] =	vst v63  }
0x10a: {  	_ =	swait.ge [sflag:s24], $0x3800  }
0x10b: {  	[sflag:s24] =	ssyncset.done $0x0  }
0x10c: {  	s19 =	rddreg [dreg:$0xb];
	[sflag:s24] =	ssyncadd.s32 $0xFFFFC800  }
0x10d: {  	[spmem:s19] =	stream.linear.scatter [tilespmem:s23], [sflag:$0x5], $0x3800, $0x38;
	[tilespmem:$0x1BC00] =	vst v63  }
0x10e: {  	_ =	swait.ge [sflag:s24], $0x3800  }
0x10f: {  	[sflag:s24] =	ssyncset.done $0x0  }
0x110: {  	s29 =	rddreg [dreg:$0xc];
	[sflag:s24] =	ssyncadd.s32 $0xFFFFC800  }
0x111: {  	[spmem:s29] =	stream.linear.scatter [tilespmem:s23], [sflag:$0x5], $0x3800, $0x38;
	[tilespmem:$0x1BC00] =	vst v63  }
0x112: {  	_ =	swait.ge [sflag:s24], $0x3800  }
0x113: {  	[sflag:s24] =	ssyncset.done $0x0  }
0x114: {  	s1 =	rddreg [dreg:$0xd];
	[sflag:s24] =	ssyncadd.s32 $0xFFFFC800  }
0x115: {  	[spmem:s1] =	stream.linear.scatter [tilespmem:s23], [sflag:$0x5], $0x3800, $0x38;
	[tilespmem:$0x1BC00] =	vst v63  }
0x116: {  	_ =	swait.ge [sflag:s24], $0x3800  }
0x117: {  	[sflag:s24] =	ssyncset.done $0x0  }
0x118: {  	s19 =	rddreg [dreg:$0xe];
	[sflag:s24] =	ssyncadd.s32 $0xFFFFC800  }
0x119: {  	[spmem:s19] =	stream.linear.scatter [tilespmem:s23], [sflag:$0x5], $0x3800, $0x38;
	[tilespmem:$0x1BC00] =	vst v63  }
0x11a: {  	_ =	swait.ge [sflag:s24], $0x3800  }
0x11b: {  	[sflag:s24] =	ssyncset.done $0x0  }
0x11c: {  	s29 =	rddreg [dreg:$0x8];
	[sflag:s24] =	ssyncadd.s32 $0xFFFFC800  }
0x11d: {  	[spmem:s29] =	stream.linear.scatter [tilespmem:s23], [sflag:$0x5], $0x2400, $0x38;
	[tilespmem:$0x1BC00] =	vst v63  }
0x11e: {  	_ =	swait.ge [sflag:s24], $0x2400  }
0x11f: {  	[sflag:s24] =	ssyncset.done $0x0  }
0x120: {  	[sflag:s24] =	ssyncadd.s32 $0xFFFFDC00  }
0x121: {  	s19 =	simm.s32 $0xFFFFFB00;
	[bflag:$0x0] =	sbarrier.arrive $0xFFFF  }
.LBB2_4:
0x122: {  	_ =	swait.ge [sflag:s25], $0x400  }
0x123: {  	[sflag:s25] =	ssyncset.done $0x0  }
0x124: {  	[sflag:s25] =	ssyncadd.s32 $0xFFFFFC00  }
0x125: {  	_ =	swait.ge [sflag:s25], $0x400  }
0x126: {  	[sflag:s25] =	ssyncset.done $0x0  }
0x127: {  	s0 =	simm.s32 $0x400;
	[sflag:s25] =	ssyncadd.s32 $0xFFFFFC00  }
0x128: {  	[tilespmem:s23], [sflag:$0x1] =	stream.indirect.gather [hbm4b:s5+s26], $0x80, s0, s26, $0xb8;
	[tilespmem:$0x1BC00] =	vst v63  }
0x129: {  	_ =	swait.ge [sflag:s28], $0x3800  }
0x12a: {  	[sflag:s28] =	ssyncset.done $0x0  }
0x12b: {  	s29 =	simm.s32 $0x480;
	[sflag:s28] =	ssyncadd.s32 $0xFFFFC800  }
0x12c: {  	[tilespmem:s30], [sflag:$0x2] =	stream.indirect.gather [hbm4b:s5+s26], $0x80, s29, s26, $0xb8;
	[tilespmem:$0x1BC00] =	vst v63  }
0x12d: {  	_ = 	snop  }
0x12e: {  	[spmem:s2] =	stream.indirect.scatter.add.f32 [tilespmem:s23], [sflag:$0x5], $0x80, s3, s26, $0xb8;
	[tilespmem:$0x1BC00] =	vst v63  }
0x12f: {  	_ =	swait.ge [sflag:s24], $0x3800  }
0x130: {  	[sflag:s24] =	ssyncset.done $0x0  }
0x131: {  	[sflag:s24] =	ssyncadd.s32 $0xFFFFC800  }
0x132: {  	_ =	swait.ge [sflag:s31], $0x3800  }
0x133: {  	[sflag:s31] =	ssyncset.done $0x0  }
0x134: {  	s1 =	simm.s32 $0x500;
	[sflag:s31] =	ssyncadd.s32 $0xFFFFC800  }
0x135: {  	[tilespmem:s23], [sflag:$0x1] =	stream.indirect.gather [hbm4b:s5+s26], $0x80, s1, s26, $0xb8;
	[tilespmem:$0x1BC00] =	vst v63  }
0x136: {  	s29 =	simm.s32 $0x80  }
0x137: {  	[spmem:s2] =	stream.indirect.scatter.add.f32 [tilespmem:s30], [sflag:$0x5], $0x80, s29, s26, $0xb8;
	[tilespmem:$0x1BC00] =	vst v63  }
0x138: {  	_ =	swait.ge [sflag:s24], $0x3800  }
0x139: {  	[sflag:s24] =	ssyncset.done $0x0  }
0x13a: {  	[sflag:s24] =	ssyncadd.s32 $0xFFFFC800  }
0x13b: {  	_ =	swait.ge [sflag:s28], $0x3800  }
0x13c: {  	[sflag:s28] =	ssyncset.done $0x0  }
0x13d: {  	s1 =	simm.s32 $0x580;
	[sflag:s28] =	ssyncadd.s32 $0xFFFFC800  }
0x13e: {  	[tilespmem:s30], [sflag:$0x2] =	stream.indirect.gather [hbm4b:s5+s26], $0x80, s1, s26, $0xb8;
	[tilespmem:$0x1BC00] =	vst v63  }
0x13f: {  	s29 =	simm.s32 $0x100  }
0x140: {  	[spmem:s2] =	stream.indirect.scatter.add.f32 [tilespmem:s23], [sflag:$0x5], $0x80, s29, s26, $0xb8;
	[tilespmem:$0x1BC00] =	vst v63  }
0x141: {  	_ =	swait.ge [sflag:s24], $0x3800  }
0x142: {  	[sflag:s24] =	ssyncset.done $0x0  }
0x143: {  	[sflag:s24] =	ssyncadd.s32 $0xFFFFC800  }
0x144: {  	_ =	swait.ge [sflag:s31], $0x3800  }
0x145: {  	[sflag:s31] =	ssyncset.done $0x0  }
0x146: {  	s1 =	simm.s32 $0x600;
	[sflag:s31] =	ssyncadd.s32 $0xFFFFC800  }
0x147: {  	[tilespmem:s23], [sflag:$0x1] =	stream.indirect.gather [hbm4b:s5+s26], $0x80, s1, s26, $0xb8;
	[tilespmem:$0x1BC00] =	vst v63  }
0x148: {  	s29 =	simm.s32 $0x180  }
0x149: {  	[spmem:s2] =	stream.indirect.scatter.add.f32 [tilespmem:s30], [sflag:$0x5], $0x80, s29, s26, $0xb8;
	[tilespmem:$0x1BC00] =	vst v63  }
0x14a: {  	_ =	swait.ge [sflag:s24], $0x3800  }
0x14b: {  	[sflag:s24] =	ssyncset.done $0x0  }
0x14c: {  	[sflag:s24] =	ssyncadd.s32 $0xFFFFC800  }
0x14d: {  	_ =	swait.ge [sflag:s28], $0x3800  }
0x14e: {  	[sflag:s28] =	ssyncset.done $0x0  }
0x14f: {  	s1 =	simm.s32 $0x680;
	[sflag:s28] =	ssyncadd.s32 $0xFFFFC800  }
0x150: {  	[tilespmem:s30], [sflag:$0x2] =	stream.indirect.gather [hbm4b:s5+s26], $0x80, s1, s26, $0xb8;
	[tilespmem:$0x1BC00] =	vst v63  }
0x151: {  	s29 =	simm.s32 $0x200  }
0x152: {  	[spmem:s2] =	stream.indirect.scatter.add.f32 [tilespmem:s23], [sflag:$0x5], $0x80, s29, s26, $0xb8;
	[tilespmem:$0x1BC00] =	vst v63  }
0x153: {  	_ =	swait.ge [sflag:s24], $0x3800  }
0x154: {  	[sflag:s24] =	ssyncset.done $0x0  }
0x155: {  	[sflag:s24] =	ssyncadd.s32 $0xFFFFC800  }
0x156: {  	_ =	swait.ge [sflag:s31], $0x3800  }
0x157: {  	[sflag:s31] =	ssyncset.done $0x0  }
0x158: {  	s1 =	simm.s32 $0x700;
	[sflag:s31] =	ssyncadd.s32 $0xFFFFC800  }
0x159: {  	[tilespmem:s23], [sflag:$0x1] =	stream.indirect.gather [hbm4b:s5+s26], $0x80, s1, s26, $0xb8;
	[tilespmem:$0x1BC00] =	vst v63  }
0x15a: {  	s29 =	simm.s32 $0x280  }
0x15b: {  	[spmem:s2] =	stream.indirect.scatter.add.f32 [tilespmem:s30], [sflag:$0x5], $0x80, s29, s26, $0xb8;
	[tilespmem:$0x1BC00] =	vst v63  }
0x15c: {  	_ =	swait.ge [sflag:s24], $0x3800  }
0x15d: {  	[sflag:s24] =	ssyncset.done $0x0  }
0x15e: {  	[sflag:s24] =	ssyncadd.s32 $0xFFFFC800  }
0x15f: {  	_ =	swait.ge [sflag:s28], $0x3800  }
0x160: {  	[sflag:s28] =	ssyncset.done $0x0  }
0x161: {  	s1 =	simm.s32 $0x780;
	[sflag:s28] =	ssyncadd.s32 $0xFFFFC800  }
0x162: {  	[tilespmem:s30], [sflag:$0x2] =	stream.indirect.gather [hbm4b:s5+s26], $0x80, s1, s26, $0xb8;
	[tilespmem:$0x1BC00] =	vst v63  }
0x163: {  	s29 =	simm.s32 $0x300  }
0x164: {  	[spmem:s2] =	stream.indirect.scatter.add.f32 [tilespmem:s23], [sflag:$0x5], $0x80, s29, s26, $0xb8;
	[tilespmem:$0x1BC00] =	vst v63  }
0x165: {  	_ =	swait.ge [sflag:s24], $0x3800  }
0x166: {  	[sflag:s24] =	ssyncset.done $0x0  }
0x167: {  	[sflag:s24] =	ssyncadd.s32 $0xFFFFC800  }
0x168: {  	_ =	swait.ge [sflag:s31], $0x3800  }
0x169: {  	[sflag:s31] =	ssyncset.done $0x0  }
0x16a: {  	s1 =	simm.s32 $0x380;
	[sflag:s31] =	ssyncadd.s32 $0xFFFFC800  }
0x16b: {  	[spmem:s2] =	stream.indirect.scatter.add.f32 [tilespmem:s30], [sflag:$0x5], $0x80, s1, s26, $0xb8;
	[tilespmem:$0x1BC00] =	vst v63  }
0x16c: {  	p1 =	seq.s32 s19, $0x0;
	_ =	swait.ge [sflag:s24], $0x3800  }
0x16d: {  	s29 =	sadd.s32 @!p1 s19, s8;
	[sflag:s24] =	ssyncset.done $0x0  }
0x16e: {  	s0 =	simm.s32 @!p1 $0x0;
	s29 =	sadd.s32 @!p1 $0x600, s29;
	[sflag:s24] =	ssyncadd.s32 $0xFFFFC800  }
0x16f: {  	[tilespmem:s0], [sflag:$0x3] =	stream.linear.gather @!p1 [hbm4b:s29+s0], $0x400, $0x38;
	[tilespmem:$0x1BC00] =	vst v63  }
0x170: {  	s29 =	sadd.s32 @!p1 s19, s9  }
0x171: {  	s1 =	simm.s32 @!p1 $0x400;
	s29 =	sadd.s32 @!p1 $0x600, s29  }
0x172: {  	[tilespmem:s1], [sflag:$0x3] =	stream.linear.gather @!p1 [hbm4b:s29+s0], $0x400, $0x38;
	[tilespmem:$0x1BC00] =	vst v63  }
0x173: {  	_ =	swait.ge [sflag:s11], $0x400  }
0x174: {  	[sflag:s11] =	ssyncset.done $0x0  }
0x175: {  	[sflag:s11] =	ssyncadd.s32 $0xFFFFFC00  }
0x176: {  	_ =	swait.ge [sflag:s11], $0x400  }
0x177: {  	[sflag:s11] =	ssyncset.done $0x0  }
0x178: {  	[sflag:s11] =	ssyncadd.s32 $0xFFFFFC00  }
0x179: {  	[tilespmem:s23], [sflag:$0x1] =	stream.indirect.gather [hbm4b:s5+s26], $0x80, s22, s26, $0xb8;
	[tilespmem:$0x1BC00] =	vst v63  }
0x17a: {  	_ =	swait.ge [sflag:s28], $0x3800  }
0x17b: {  	[sflag:s28] =	ssyncset.done $0x0  }
0x17c: {  	s29 =	simm.s32 $0xC80;
	[sflag:s28] =	ssyncadd.s32 $0xFFFFC800  }
0x17d: {  	[tilespmem:s30], [sflag:$0x2] =	stream.indirect.gather [hbm4b:s5+s26], $0x80, s29, s26, $0xb8;
	[tilespmem:$0x1BC00] =	vst v63  }
0x17e: {  	_ = 	snop  }
0x17f: {  	[spmem:s2] =	stream.indirect.scatter.add.f32 [tilespmem:s23], [sflag:$0x5], $0x80, s21, s26, $0xb8;
	[tilespmem:$0x1BC00] =	vst v63  }
0x180: {  	_ =	swait.ge [sflag:s24], $0x3800  }
0x181: {  	[sflag:s24] =	ssyncset.done $0x0  }
0x182: {  	[sflag:s24] =	ssyncadd.s32 $0xFFFFC800  }
0x183: {  	_ =	swait.ge [sflag:s31], $0x3800  }
0x184: {  	[sflag:s31] =	ssyncset.done $0x0  }
0x185: {  	s1 =	simm.s32 $0xD00;
	[sflag:s31] =	ssyncadd.s32 $0xFFFFC800  }
0x186: {  	[tilespmem:s23], [sflag:$0x1] =	stream.indirect.gather [hbm4b:s5+s26], $0x80, s1, s26, $0xb8;
	[tilespmem:$0x1BC00] =	vst v63  }
0x187: {  	s29 =	simm.s32 $0x880  }
0x188: {  	[spmem:s2] =	stream.indirect.scatter.add.f32 [tilespmem:s30], [sflag:$0x5], $0x80, s29, s26, $0xb8;
	[tilespmem:$0x1BC00] =	vst v63  }
0x189: {  	_ =	swait.ge [sflag:s24], $0x3800  }
0x18a: {  	[sflag:s24] =	ssyncset.done $0x0  }
0x18b: {  	[sflag:s24] =	ssyncadd.s32 $0xFFFFC800  }
0x18c: {  	_ =	swait.ge [sflag:s28], $0x3800  }
0x18d: {  	[sflag:s28] =	ssyncset.done $0x0  }
0x18e: {  	[sflag:s28] =	ssyncadd.s32 $0xFFFFC800  }
0x18f: {  	[tilespmem:s30], [sflag:$0x2] =	stream.indirect.gather [hbm4b:s5+s26], $0x80, s7, s26, $0xb8;
	[tilespmem:$0x1BC00] =	vst v63  }
0x190: {  	_ = 	snop  }
0x191: {  	[spmem:s2] =	stream.indirect.scatter.add.f32 [tilespmem:s23], [sflag:$0x5], $0x80, s4, s26, $0xb8;
	[tilespmem:$0x1BC00] =	vst v63  }
0x192: {  	_ =	swait.ge [sflag:s24], $0x3800  }
0x193: {  	[sflag:s24] =	ssyncset.done $0x0  }
0x194: {  	[sflag:s24] =	ssyncadd.s32 $0xFFFFC800  }
0x195: {  	_ =	swait.ge [sflag:s31], $0x3800  }
0x196: {  	[sflag:s31] =	ssyncset.done $0x0  }
0x197: {  	[sflag:s31] =	ssyncadd.s32 $0xFFFFC800  }
0x198: {  	[tilespmem:s23], [sflag:$0x1] =	stream.indirect.gather [hbm4b:s5+s26], $0x80, s10, s26, $0xb8;
	[tilespmem:$0x1BC00] =	vst v63  }
0x199: {  	_ = 	snop  }
0x19a: {  	[spmem:s2] =	stream.indirect.scatter.add.f32 [tilespmem:s30], [sflag:$0x5], $0x80, s12, s26, $0xb8;
	[tilespmem:$0x1BC00] =	vst v63  }
0x19b: {  	_ =	swait.ge [sflag:s24], $0x3800  }
0x19c: {  	[sflag:s24] =	ssyncset.done $0x0  }
0x19d: {  	[sflag:s24] =	ssyncadd.s32 $0xFFFFC800  }
0x19e: {  	_ =	swait.ge [sflag:s28], $0x3800  }
0x19f: {  	[sflag:s28] =	ssyncset.done $0x0  }
0x1a0: {  	[sflag:s28] =	ssyncadd.s32 $0xFFFFC800  }
0x1a1: {  	[tilespmem:s30], [sflag:$0x2] =	stream.indirect.gather [hbm4b:s5+s26], $0x80, s20, s26, $0xb8;
	[tilespmem:$0x1BC00] =	vst v63  }
0x1a2: {  	_ = 	snop  }
0x1a3: {  	[spmem:s2] =	stream.indirect.scatter.add.f32 [tilespmem:s23], [sflag:$0x5], $0x80, s13, s26, $0xb8;
	[tilespmem:$0x1BC00] =	vst v63  }
0x1a4: {  	_ =	swait.ge [sflag:s24], $0x3800  }
0x1a5: {  	[sflag:s24] =	ssyncset.done $0x0  }
0x1a6: {  	[sflag:s24] =	ssyncadd.s32 $0xFFFFC800  }
0x1a7: {  	_ =	swait.ge [sflag:s31], $0x3800  }
0x1a8: {  	[sflag:s31] =	ssyncset.done $0x0  }
0x1a9: {  	[sflag:s31] =	ssyncadd.s32 $0xFFFFC800  }
0x1aa: {  	[tilespmem:s23], [sflag:$0x1] =	stream.indirect.gather [hbm4b:s5+s26], $0x80, s14, s26, $0xb8;
	[tilespmem:$0x1BC00] =	vst v63  }
0x1ab: {  	_ = 	snop  }
0x1ac: {  	[spmem:s2] =	stream.indirect.scatter.add.f32 [tilespmem:s30], [sflag:$0x5], $0x80, s15, s26, $0xb8;
	[tilespmem:$0x1BC00] =	vst v63  }
0x1ad: {  	_ =	swait.ge [sflag:s24], $0x3800  }
0x1ae: {  	[sflag:s24] =	ssyncset.done $0x0  }
0x1af: {  	[sflag:s24] =	ssyncadd.s32 $0xFFFFC800  }
0x1b0: {  	_ =	swait.ge [sflag:s28], $0x3800  }
0x1b1: {  	[sflag:s28] =	ssyncset.done $0x0  }
0x1b2: {  	[sflag:s28] =	ssyncadd.s32 $0xFFFFC800  }
0x1b3: {  	[tilespmem:s30], [sflag:$0x2] =	stream.indirect.gather [hbm4b:s5+s26], $0x80, s16, s26, $0xb8;
	[tilespmem:$0x1BC00] =	vst v63  }
0x1b4: {  	_ = 	snop  }
0x1b5: {  	[spmem:s2] =	stream.indirect.scatter.add.f32 [tilespmem:s23], [sflag:$0x5], $0x80, s17, s26, $0xb8;
	[tilespmem:$0x1BC00] =	vst v63  }
0x1b6: {  	_ =	swait.ge [sflag:s24], $0x3800  }
0x1b7: {  	[sflag:s24] =	ssyncset.done $0x0  }
0x1b8: {  	[sflag:s24] =	ssyncadd.s32 $0xFFFFC800  }
0x1b9: {  	_ =	swait.ge [sflag:s31], $0x3800  }
0x1ba: {  	[sflag:s31] =	ssyncset.done $0x0  }
.Ltmp7:
0x1bb: {  	[sflag:s31] =	ssyncadd.s32 $0xFFFFC800;
	(pc) =	sbr.rel @p1 .LBB2_5-.Ltmp7, $4  }
0x1bc: {  	[spmem:s2] =	stream.indirect.scatter.add.f32 [tilespmem:s30], [sflag:$0x5], $0x80, s18, s26, $0xb8;
	[tilespmem:$0x1BC00] =	vst v63  }
0x1bd: {  	_ =	swait.ge [sflag:s24], $0x3800  }
0x1be: {  	[sflag:s24] =	ssyncset.done $0x0  }
0x1bf: {  	[sflag:s24] =	ssyncadd.s32 $0xFFFFC800  }
.Ltmp8:
0x1c0: {  	s0 =	sadd.s32 s19, s8;
	(pc) =	sbr.rel .LBB2_4-.Ltmp8, $4  }
0x1c1: {  	s29 =	sadd.s32 s19, s9;
	s0 =	sadd.s32 $0x680, s0  }
0x1c2: {  	[tilespmem:s21], [sflag:$0x4] =	stream.linear.gather [hbm4b:s0+s3], $0x400, $0x38;
	[tilespmem:$0x1BC00] =	vst v63  }
0x1c3: {  	s19 =	sadd.s32 $0x100, s19;
	s0 =	sadd.s32 $0x680, s29  }
0x1c4: {  	[tilespmem:s22], [sflag:$0x4] =	stream.linear.gather [hbm4b:s0+s3], $0x400, $0x38;
	[tilespmem:$0x1BC00] =	vst v63  }
.LBB2_5:
.Ltmp9:
0x1c5: {  	(pc) =	sbr.rel .LBB2_11-.Ltmp9, $3  }
0x1c6: {  	_ =	sdelay $0x1  }
0x1c7: {  	s19 =	rddreg [dreg:$0x1]  }
0x1c8: {  	s29 =	rddreg [dreg:$0xf]  }
.LBB2_12:
0x1c9: {  	_ =	sfence.sel $0x180000  }
0x1ca: {  	[bflag:$0x0] =	sbarrier.arrive $0xFFFF  }
0x1cb: {  	_ =	strace $0x9000004A  }
0x1cc: {  	s0 =	stileid.u32;
	[bflag:$0x2] =	sbarrier.arrive $0xFFFF  }
0x1cd: {  	p0 =	sne.s32 s0, $0x0;
	s0 =	rddreg [dreg:$0x3]  }
0x1ce: {  	s0 =	sadd.s32 @!p0 $0x100000, s0  }
0x1cf: {  	[sflag:s0] =	ssyncadd.tile.s32 @!p0 $0x1;
	_ =	shalt  }
.Lfunc_end2:
_tile_overlayer_lowered:
.L_overlay_start_2:
0x1d0: {  	(tag) =	ssettag $0x2  }
0x1d1: {  	s0 =	rddreg [dreg:$0x0];
	s2 =	stileid.u32  }
0x1d2: {  	s1 =	rddreg [dreg:$0x1];
	p0 =	sne.s32 s2, $0x0  }
0x1d3: {  	s3 =	rddreg [dreg:$0x2];
	[bflag:$0x3] =	sbarrier.arrive $0xFFFF;
	s2 =	simm.s32 @!p0 $0x1C05  }
0x1d4: {  	[timem:s3], [sflag:s2] =	dma.local @!p0 [hbm:s0], s1  }
0x1d5: {  	s0 =	simm.s32 @!p0 $0x5  }
0x1d6: {  	_ =	swait.ge @!p0 [sflag:s0], s1  }
0x1d7: {  	s1 =	ssub.s32 @!p0 $0x0, s1;
	[sflag:s0] =	ssyncset.done @!p0 $0x0  }
0x1d8: {  	[sflag:s0] =	ssyncadd.s32 @!p0 s1  }
0x1d9: {  	[bflag:$0x3] =	sbarrier.arrive $0xFFFF  }
0x1da: {  	_ =	shalt  }

</sc_bundles>
